<compile_context>
chip_gen: v7x
topology: tpu7x:2x2x1
jax: 0.10.2.dev20260603
libtpu: 0.0.44.dev20260713+nightly
codegen_flags: <defaults>
</compile_context>

<pallas_src>
import jax
import jax.numpy as jnp
from jax import lax
from jax.experimental import pallas as pl
from jax.experimental.pallas import tpu as pltpu
from jax.experimental.pallas import tpu_sc as plsc

NC = 2
NS = 16
LANES = 16


def _mesh():
    return plsc.VectorSubcoreMesh(
        core_axis_name="c", subcore_axis_name="s",
        num_cores=NC, num_subcores=NS)


def _fill(ref, n, value):
    v = jnp.full((LANES,), value, jnp.float32)

    def body(k, carry):
        ref[pl.ds(k * LANES, LANES)] = v
        return carry
    lax.fori_loop(0, n // LANES, body, 0)


def _edge_pass1(n_pad, e, chunk, z0, z1, send, recv, w):
    node_chunk = n_pad // NS
    per_w = e // (NC * NS)
    n_chunks = per_w // chunk
    assert n_chunks % 2 == 0 and n_chunks >= 4

    def body(z0_h, z1_h, send_h, recv_h, w_h,
             o_za0, o_za1, o_wd, o_w2, o_dg,
             sh_za0, sh_za1, sh_wd, sh_w2, sh_dg,
             zb, one_v,
             s_v0, r_v0, w_v0, g0_0, g1_0, rs_0, ws_0, w2_0,
             s_v1, r_v1, w_v1, g0_1, g1_1, rs_1, ws_1, w2_1,
             semL0, semL1, semG0, semG1, semS0, semS1):
        c = lax.axis_index("c")
        s = lax.axis_index("s")
        wid = c * NS + s
        nodelo = s * node_chunk

        tables = (sh_za0, sh_za1, sh_wd, sh_w2, sh_dg)
        outs = (o_za0, o_za1, o_wd, o_w2, o_dg)
        gsrc = (z0_h, z1_h)
        sets = (
            dict(s_v=s_v0, r_v=r_v0, w_v=w_v0, g=(g0_0, g1_0),
                 rs=rs_0, ws=ws_0, w2=w2_0, semL=semL0, semG=semG0,
                 semS=semS0),
            dict(s_v=s_v1, r_v=r_v1, w_v=w_v1, g=(g0_1, g1_1),
                 rs=rs_1, ws=ws_1, w2=w2_1, semL=semL1, semG=semG1,
                 semS=semS1),
        )

        _fill(zb, node_chunk, 0.0)
        for t in tables:
            pltpu.sync_copy(zb, t.at[pl.ds(nodelo, node_chunk)])
        _fill(one_v, chunk, 1.0)
        plsc.subcore_barrier()

        ebase = wid * per_w

        def lin_start(j, st):
            base = ebase + j * chunk
            pltpu.async_copy(send_h.at[pl.ds(base, chunk)], st["s_v"], st["semL"])
            pltpu.async_copy(recv_h.at[pl.ds(base, chunk)], st["r_v"], st["semL"])
            pltpu.async_copy(w_h.at[pl.ds(base, chunk)], st["w_v"], st["semL"])

        def lin_wait(st):
            pltpu.make_async_copy(send_h.at[pl.ds(ebase, chunk)], st["s_v"], st["semL"]).wait()
            pltpu.make_async_copy(recv_h.at[pl.ds(ebase, chunk)], st["r_v"], st["semL"]).wait()
            pltpu.make_async_copy(w_h.at[pl.ds(ebase, chunk)], st["w_v"], st["semL"]).wait()

        def gath_start(st):
            for src, dst in zip(gsrc, st["g"]):
                pltpu.async_copy(src.at[st["s_v"]], dst, st["semG"])

        def gath_wait(st):
            for src, dst in zip(gsrc, st["g"]):
                pltpu.make_async_copy(src.at[st["s_v"]], dst, st["semG"]).wait()

        def compute(st):
            w_v, r_v = st["w_v"], st["r_v"]
            g0, g1 = st["g"]
            rs, ws, w2 = st["rs"], st["ws"], st["w2"]

            def mul_body(k, carry2):
                sl = pl.ds(k * LANES, LANES)
                wv = w_v[sl]
                nw = -wv
                g0[sl] = nw * g0[sl]
                g1[sl] = nw * g1[sl]
                ws[sl] = wv
                w2[sl] = wv * wv
                rs[sl] = r_v[sl]
                return carry2
            lax.fori_loop(0, chunk // LANES, mul_body, 0)

        def scat_srcs(st):
            return st["g"] + (st["ws"], st["w2"], one_v)

        def scat_start(st):
            rs = st["rs"]
            for src, t in zip(scat_srcs(st), tables):
                pltpu.async_copy(src, t.at[rs], st["semS"], add=True)

        def scat_wait(st):
            rs = st["rs"]
            for src, t in zip(scat_srcs(st), tables):
                pltpu.make_async_copy(src, t.at[rs], st["semS"]).wait()

        def stage(j, p, first, do_n1, do_n2):
            cur, nxt = sets[p], sets[1 - p]
            gath_wait(cur)
            compute(cur)
            scat_start(cur)
            if do_n2:
                lin_start(j + 2, cur)
            if do_n1:
                lin_wait(nxt)
                if not first:
                    scat_wait(nxt)
                gath_start(nxt)

        lin_start(0, sets[0])
        lin_wait(sets[0])
        gath_start(sets[0])
        lin_start(1, sets[1])

        stage(0, 0, True, True, True)
        stage(1, 1, False, True, True)

        def pair_body(j2, carry):
            j = 2 + j2 * 2
            stage(j, 0, False, True, True)
            stage(j + 1, 1, False, True, True)
            return carry
        lax.fori_loop(0, (n_chunks - 4) // 2, pair_body, 0)
        stage(n_chunks - 2, 0, False, True, False)
        stage(n_chunks - 1, 1, False, False, False)
        scat_wait(sets[0])
        scat_wait(sets[1])

        plsc.subcore_barrier()
        for t, o in zip(tables, outs):
            pltpu.sync_copy(t.at[pl.ds(nodelo, node_chunk)],
                            o.at[c, pl.ds(nodelo, node_chunk)])

    part = jax.ShapeDtypeStruct((NC, n_pad), jnp.float32)
    ebuf = ([pltpu.VMEM((chunk,), jnp.int32)] * 2
            + [pltpu.VMEM((chunk,), jnp.float32)] * 3
            + [pltpu.VMEM((chunk,), jnp.int32)]
            + [pltpu.VMEM((chunk,), jnp.float32)] * 2)
    fn = pl.kernel(
        body,
        out_type=(part,) * 5,
        mesh=_mesh(),
        scratch_types=(
            [pltpu.VMEM_SHARED((n_pad,), jnp.float32)] * 5
            + [pltpu.VMEM((node_chunk,), jnp.float32),
               pltpu.VMEM((chunk,), jnp.float32)]
            + ebuf + ebuf
            + [pltpu.SemaphoreType.DMA] * 6),
    )
    return fn(z0, z1, send, recv, w)


def _edge_pass2(n_pad, e, chunk, nx0, nx1, send, recv, w):
    node_chunk = n_pad // NS
    per_w = e // (NC * NS)
    n_chunks = per_w // chunk
    assert n_chunks % 2 == 0 and n_chunks >= 4

    def body(nx0_h, nx1_h, send_h, recv_h, w_h,
             o_xa0, o_xa1,
             sh_xa0, sh_xa1,
             zb,
             s_v0, r_v0, w_v0, g0_0, g1_0, rs_0,
             s_v1, r_v1, w_v1, g0_1, g1_1, rs_1,
             semL0, semL1, semG0, semG1, semS0, semS1):
        c = lax.axis_index("c")
        s = lax.axis_index("s")
        wid = c * NS + s
        nodelo = s * node_chunk

        tables = (sh_xa0, sh_xa1)
        gsrc = (nx0_h, nx1_h)
        sets = (
            dict(s_v=s_v0, r_v=r_v0, w_v=w_v0, g=(g0_0, g1_0),
                 rs=rs_0, semL=semL0, semG=semG0, semS=semS0),
            dict(s_v=s_v1, r_v=r_v1, w_v=w_v1, g=(g0_1, g1_1),
                 rs=rs_1, semL=semL1, semG=semG1, semS=semS1),
        )

        _fill(zb, node_chunk, 0.0)
        pltpu.sync_copy(zb, sh_xa0.at[pl.ds(nodelo, node_chunk)])
        pltpu.sync_copy(zb, sh_xa1.at[pl.ds(nodelo, node_chunk)])
        plsc.subcore_barrier()

        ebase = wid * per_w

        def lin_start(j, st):
            base = ebase + j * chunk
            pltpu.async_copy(send_h.at[pl.ds(base, chunk)], st["s_v"], st["semL"])
            pltpu.async_copy(recv_h.at[pl.ds(base, chunk)], st["r_v"], st["semL"])
            pltpu.async_copy(w_h.at[pl.ds(base, chunk)], st["w_v"], st["semL"])

        def lin_wait(st):
            pltpu.make_async_copy(send_h.at[pl.ds(ebase, chunk)], st["s_v"], st["semL"]).wait()
            pltpu.make_async_copy(recv_h.at[pl.ds(ebase, chunk)], st["r_v"], st["semL"]).wait()
            pltpu.make_async_copy(w_h.at[pl.ds(ebase, chunk)], st["w_v"], st["semL"]).wait()

        def gath_start(st):
            for src, dst in zip(gsrc, st["g"]):
                pltpu.async_copy(src.at[st["s_v"]], dst, st["semG"])

        def gath_wait(st):
            for src, dst in zip(gsrc, st["g"]):
                pltpu.make_async_copy(src.at[st["s_v"]], dst, st["semG"]).wait()

        def compute(st):
            w_v, r_v = st["w_v"], st["r_v"]
            g0, g1 = st["g"]
            rs = st["rs"]

            def mul_body(k, carry2):
                sl = pl.ds(k * LANES, LANES)
                nw = -w_v[sl]
                g0[sl] = nw * g0[sl]
                g1[sl] = nw * g1[sl]
                rs[sl] = r_v[sl]
                return carry2
            lax.fori_loop(0, chunk // LANES, mul_body, 0)

        def scat_start(st):
            for src, t in zip(st["g"], tables):
                pltpu.async_copy(src, t.at[st["rs"]], st["semS"], add=True)

        def scat_wait(st):
            for src, t in zip(st["g"], tables):
                pltpu.make_async_copy(src, t.at[st["rs"]], st["semS"]).wait()

        def stage(j, p, first, do_n1, do_n2):
            cur, nxt = sets[p], sets[1 - p]
            gath_wait(cur)
            compute(cur)
            scat_start(cur)
            if do_n2:
                lin_start(j + 2, cur)
            if do_n1:
                lin_wait(nxt)
                if not first:
                    scat_wait(nxt)
                gath_start(nxt)

        lin_start(0, sets[0])
        lin_wait(sets[0])
        gath_start(sets[0])
        lin_start(1, sets[1])

        stage(0, 0, True, True, True)
        stage(1, 1, False, True, True)

        def pair_body(j2, carry):
            j = 2 + j2 * 2
            stage(j, 0, False, True, True)
            stage(j + 1, 1, False, True, True)
            return carry
        lax.fori_loop(0, (n_chunks - 4) // 2, pair_body, 0)
        stage(n_chunks - 2, 0, False, True, False)
        stage(n_chunks - 1, 1, False, False, False)
        scat_wait(sets[0])
        scat_wait(sets[1])

        plsc.subcore_barrier()
        pltpu.sync_copy(sh_xa0.at[pl.ds(nodelo, node_chunk)],
                        o_xa0.at[c, pl.ds(nodelo, node_chunk)])
        pltpu.sync_copy(sh_xa1.at[pl.ds(nodelo, node_chunk)],
                        o_xa1.at[c, pl.ds(nodelo, node_chunk)])

    part = jax.ShapeDtypeStruct((NC, n_pad), jnp.float32)
    ebuf = ([pltpu.VMEM((chunk,), jnp.int32)] * 2
            + [pltpu.VMEM((chunk,), jnp.float32)] * 3
            + [pltpu.VMEM((chunk,), jnp.int32)])
    fn = pl.kernel(
        body,
        out_type=(part, part),
        mesh=_mesh(),
        scratch_types=(
            [pltpu.VMEM_SHARED((n_pad,), jnp.float32)] * 2
            + [pltpu.VMEM((node_chunk,), jnp.float32)]
            + ebuf + ebuf
            + [pltpu.SemaphoreType.DMA] * 6),
    )
    return fn(nx0, nx1, send, recv, w)


def _node_z(lam0, lam1, y0, y1):
    def body(lam0_r, lam1_r, y0_r, y1_r, z0_o, z1_o):
        z0_o[...] = lam0_r[...] + y0_r[...]
        z1_o[...] = lam1_r[...] + y1_r[...]

    out = jax.ShapeDtypeStruct(lam0.shape, jnp.float32)
    return pl.pallas_call(body, out_shape=(out, out))(lam0, lam1, y0, y1)


def _node_x(x0, x1, z0, z1, b0, b1,
            p_za0, p_za1, p_wd, p_w2, p_dg):
    def body(x0_r, x1_r, z0_r, z1_r, b0_r, b1_r,
             za0_r, za1_r, wd_r, w2_r, dg_r,
             nx0_o, nx1_o, wd_o, invd_o):
        za0 = za0_r[0] + za0_r[1]
        za1 = za1_r[0] + za1_r[1]
        wd = wd_r[0] + wd_r[1]
        dsq = w2_r[0] + w2_r[1]
        dg = dg_r[0] + dg_r[1]
        mii = wd * wd + dsq
        den = 1.0 / (2.0 + mii)
        nx0_o[...] = (2.0 * b0_r[...] - za0 - wd * z0_r[...]
                      + mii * x0_r[...]) * den
        nx1_o[...] = (2.0 * b1_r[...] - za1 - wd * z1_r[...]
                      + mii * x1_r[...]) * den
        wd_o[...] = wd
        invd_o[...] = 1.0 / (1.0 + dg)

    shp = x0.shape
    out = jax.ShapeDtypeStruct(shp, jnp.float32)
    return pl.pallas_call(
        body, out_shape=(out,) * 4,
    )(x0, x1, z0, z1, b0, b1,
      p_za0, p_za1, p_wd, p_w2, p_dg)


def _node_ylam(p_xa0, p_xa1, nx0, nx1, wd, invd, lam0, lam1):
    def body(xa0_r, xa1_r, nx0_r, nx1_r, wd_r, invd_r, lam0_r, lam1_r,
             ny0_o, ny1_o, nl0_o, nl1_o):
        xa0 = xa0_r[0] + xa0_r[1]
        xa1 = xa1_r[0] + xa1_r[1]
        ny0 = invd_r[...] * (xa0 + wd_r[...] * nx0_r[...])
        ny1 = invd_r[...] * (xa1 + wd_r[...] * nx1_r[...])
        ny0_o[...] = ny0
        ny1_o[...] = ny1
        nl0_o[...] = lam0_r[...] + ny0
        nl1_o[...] = lam1_r[...] + ny1

    shp = nx0.shape
    out = jax.ShapeDtypeStruct(shp, jnp.float32)
    return pl.pallas_call(
        body, out_shape=(out,) * 4,
    )(p_xa0, p_xa1, nx0, nx1, wd, invd, lam0, lam1)


def kernel(x, y, lam, bi, edges, senders, receivers):
    n = x.shape[0]
    e = senders.shape[0]
    n_pad = ((n + 1023) // 1024) * 1024
    rows = n_pad // 128

    per_w = e // (NC * NS)
    chunk = 2000
    if per_w % chunk or (per_w // chunk) % 2 or chunk % LANES:
        chunk = LANES
        for cand in range(16, min(per_w, 8192) + 1, 16):
            if per_w % cand == 0 and (per_w // cand) % 2 == 0:
                chunk = cand

    w = edges.reshape(e)

    def col(a, i):
        return a[:, i]

    def pad2d(a):
        return jnp.pad(a, (0, n_pad - n)).reshape(rows, 128)

    lam0, lam1 = col(lam, 0), col(lam, 1)
    y0, y1 = col(y, 0), col(y, 1)

    z0p, z1p = _node_z(pad2d(lam0), pad2d(lam1), pad2d(y0), pad2d(y1))
    z0f = z0p.reshape(n_pad)
    z1f = z1p.reshape(n_pad)

    parts = _edge_pass1(n_pad, e, chunk, z0f, z1f,
                        senders, receivers, w)
    parts2d = tuple(p.reshape(NC, rows, 128) for p in parts)

    nx0, nx1, wd, invd = _node_x(
        pad2d(col(x, 0)), pad2d(col(x, 1)), z0p, z1p,
        pad2d(col(bi, 0)), pad2d(col(bi, 1)),
        *parts2d)

    nx0f = nx0.reshape(n_pad)[:n]
    nx1f = nx1.reshape(n_pad)[:n]

    p_xa0, p_xa1 = _edge_pass2(n_pad, e, chunk, nx0f, nx1f,
                               senders, receivers, w)

    ny0, ny1, nl0, nl1 = _node_ylam(
        p_xa0.reshape(NC, rows, 128), p_xa1.reshape(NC, rows, 128),
        nx0, nx1, wd, invd, pad2d(lam0), pad2d(lam1))

    def unpad(a):
        return a.reshape(n_pad)[:n]

    new_x = jnp.stack([nx0f, nx1f], axis=1)
    new_y = jnp.stack([unpad(ny0), unpad(ny1)], axis=1)
    new_lam = jnp.stack([unpad(nl0), unpad(nl1)], axis=1)
    return (new_x, new_y, new_lam)

# --- scband reference (transcript-rebuilt; emitter-appended) ---
"""Pipeline reference for scband-admm-layer-7902739824983 (READ-ONLY COPY).

The authoritative reference and input builder live on the scoring server;
editing this copy changes nothing except your own understanding.
"""

import jax, jax.numpy as jnp
import numpy as np

N = 100000
E = 3200000
D = 2

def setup_inputs(seed: int = 0) -> dict:
    key = jax.random.key(seed)
    ks = jax.random.split(key, 7)
    x = jax.random.normal(ks[0], (N, D), dtype=jnp.float32)
    y = jax.random.normal(ks[1], (N, D), dtype=jnp.float32)
    lam = jax.random.normal(ks[2], (N, D), dtype=jnp.float32)
    bi = jax.random.normal(ks[3], (N, D), dtype=jnp.float32)
    edges = jax.random.uniform(ks[4], (E, 1), dtype=jnp.float32)
    senders = jax.random.randint(ks[5], (E,), 0, N, dtype=jnp.int32)
    receivers = jax.random.randint(ks[6], (E,), 0, N, dtype=jnp.int32)
    return {"x": x, "y": y, "lam": lam, "bi": bi, "edges": edges,
            "senders": senders, "receivers": receivers}

def reference(x, y, lam, bi, edges, senders, receivers):
    # ADMM_Layer forward with learned=False, problem='consensus', iterative=False, meanalpha=True
    n = x.shape[0]
    seg = jax.ops.segment_sum
    # ---- message pass 1 (update_edge_1 on sender attrs, then segment_sum to receivers) ----
    msg_lam = -edges * lam[senders]            # [E, D]
    msg_y = -edges * y[senders]                # [E, D]
    msg_deg = edges                            # [E, 1]
    msg_deg_sq = jnp.power(edges, 2)           # [E, 1]
    lam_agg = seg(msg_lam, receivers, num_segments=n)
    y_agg = seg(msg_y, receivers, num_segments=n)
    w_deg = seg(msg_deg, receivers, num_segments=n).squeeze()       # [N]
    deg_sq = seg(msg_deg_sq, receivers, num_segments=n).squeeze()   # [N]
    # ---- alpha (not learned) ----
    alpha_vec = jnp.ones_like(x)               # [N, D]
    # ---- x subproblem: consensus (vectorized equivalent of the vmapped per-node solve) ----
    mii = w_deg ** 2 + deg_sq                  # [N]
    rhs = (2.0 * bi - lam_agg - w_deg[:, None] * lam
           + alpha_vec * (mii[:, None] * x - y_agg - w_deg[:, None] * y))
    new_x = rhs / (2.0 + alpha_vec * mii[:, None])
    # ---- message pass 2 (update_edge_2) ----
    msg_x = -edges * new_x[senders]            # [E, D]
    msg_deg2 = jnp.ones_like(edges)            # [E, 1]
    x_agg = seg(msg_x, receivers, num_segments=n)
    deg = seg(msg_deg2, receivers, num_segments=n).squeeze()        # [N]
    # ---- update_y_lam ----
    acc = x_agg + w_deg[:, None] * new_x
    new_y = (1.0 / (1.0 + deg))[:, None] * acc
    new_lam = lam + alpha_vec * new_y
    return (new_x, new_y, new_lam)

if __name__ == "__main__":
    import jax
    _d = setup_inputs()
    print(jax.jit(kernel)(*tuple(_d.values())))

</pallas_src>

<mosaic_0001>
#map = affine_map<(d0, d1) -> (0)>
#map1 = affine_map<(d0, d1) -> (0, 0)>
module attributes {stable_mosaic.version = 14 : i64} {
  func.func @body(%arg0: i32, %arg1: i32, %arg2: memref<100352xf32, #tpu.memory_space<hbm>>, %arg3: memref<100352xf32, #tpu.memory_space<hbm>>, %arg4: memref<3200000xi32, #tpu.memory_space<hbm>>, %arg5: memref<3200000xi32, #tpu.memory_space<hbm>>, %arg6: memref<3200000xf32, #tpu.memory_space<hbm>>, %arg7: memref<2x100352xf32, #tpu.memory_space<hbm>>, %arg8: memref<2x100352xf32, #tpu.memory_space<hbm>>, %arg9: memref<2x100352xf32, #tpu.memory_space<hbm>>, %arg10: memref<2x100352xf32, #tpu.memory_space<hbm>>, %arg11: memref<2x100352xf32, #tpu.memory_space<hbm>>, %arg12: memref<100352xf32, #tpu.memory_space<vmem_shared>>, %arg13: memref<100352xf32, #tpu.memory_space<vmem_shared>>, %arg14: memref<100352xf32, #tpu.memory_space<vmem_shared>>, %arg15: memref<100352xf32, #tpu.memory_space<vmem_shared>>, %arg16: memref<100352xf32, #tpu.memory_space<vmem_shared>>, %arg17: memref<6272xf32, #tpu.memory_space<vmem>>, %arg18: memref<2000xf32, #tpu.memory_space<vmem>>, %arg19: memref<2000xi32, #tpu.memory_space<vmem>>, %arg20: memref<2000xi32, #tpu.memory_space<vmem>>, %arg21: memref<2000xf32, #tpu.memory_space<vmem>>, %arg22: memref<2000xf32, #tpu.memory_space<vmem>>, %arg23: memref<2000xf32, #tpu.memory_space<vmem>>, %arg24: memref<2000xi32, #tpu.memory_space<vmem>>, %arg25: memref<2000xf32, #tpu.memory_space<vmem>>, %arg26: memref<2000xf32, #tpu.memory_space<vmem>>, %arg27: memref<2000xi32, #tpu.memory_space<vmem>>, %arg28: memref<2000xi32, #tpu.memory_space<vmem>>, %arg29: memref<2000xf32, #tpu.memory_space<vmem>>, %arg30: memref<2000xf32, #tpu.memory_space<vmem>>, %arg31: memref<2000xf32, #tpu.memory_space<vmem>>, %arg32: memref<2000xi32, #tpu.memory_space<vmem>>, %arg33: memref<2000xf32, #tpu.memory_space<vmem>>, %arg34: memref<2000xf32, #tpu.memory_space<vmem>>, %arg35: memref<!tpu.dma_semaphore, #tpu.memory_space<semaphore_mem>>, %arg36: memref<!tpu.dma_semaphore, #tpu.memory_space<semaphore_mem>>, %arg37: memref<!tpu.dma_semaphore, #tpu.memory_space<semaphore_mem>>, %arg38: memref<!tpu.dma_semaphore, #tpu.memory_space<semaphore_mem>>, %arg39: memref<!tpu.dma_semaphore, #tpu.memory_space<semaphore_mem>>, %arg40: memref<!tpu.dma_semaphore, #tpu.memory_space<semaphore_mem>>) attributes {dimension_semantics = [#tpu.dimension_semantics<core_parallel>, #tpu.dimension_semantics<subcore_parallel>], iteration_bounds = array<i64: 2, 16>, scalar_prefetch = 0 : i64, scratch_operands = 29 : i64, tpu.core_type = #tpu.core_type<sc_vector_subcore>, window_params = [{transform_indices = #map}, {transform_indices = #map}, {transform_indices = #map}, {transform_indices = #map}, {transform_indices = #map}, {transform_indices = #map1}, {transform_indices = #map1}, {transform_indices = #map1}, {transform_indices = #map1}, {transform_indices = #map1}]} {
    %mul3A = arith.constant 16 : i32
    %mul3A_0 = arith.muli %arg0, %mul3A : i32
    %add3A = arith.addi %mul3A_0, %arg1 : i32
    %mul3A_1 = arith.constant 6272 : i32
    %mul3A_2 = arith.muli %arg1, %mul3A_1 : i32
    %broadcast_in_dim3A = arith.constant 0.000000e+00 : f32
    %broadcast_in_dim3A_3 = vector.broadcast %broadcast_in_dim3A : f32 to vector<16xf32>
    %scan3A = arith.constant 0 : i32
    %scan3A_4 = arith.constant 0 : i32
    %scan3A_5 = arith.constant 392 : i32
    %scan3A_6 = arith.addi %scan3A_4, %scan3A_5 : i32
    %scan3A_7 = arith.constant 1 : i32
    scf.for %scan3A_216 = %scan3A_4 to %scan3A_6 step %scan3A_7  : i32 {
      %mul3A_217 = arith.constant 16 : i32
      %mul3A_218 = arith.muli %scan3A_216, %mul3A_217 : i32
      %swap3A = arith.index_cast %mul3A_218 : i32 to index
      %swap3A_219 = tpu.vector_load %arg17[%swap3A] {strides = array<i32>} : memref<6272xf32, #tpu.memory_space<vmem>>, vector<16xf32>,
      %swap3A_220 = vector.shape_cast %swap3A_219 : vector<16xf32> to vector<16xf32>
      %swap3A_221 = vector.shape_cast %broadcast_in_dim3A_3 : vector<16xf32> to vector<16xf32>
      tpu.vector_store %arg17[%swap3A], %swap3A_221 {strides = array<i32>} : memref<6272xf32, #tpu.memory_space<vmem>>, vector<16xf32>,
    }
    %scan3A_8 = arith.constant 392 : i32
    "tpu.region"() ({
      %run_scoped3A = tpu.sem_alloc : memref<!tpu.dma_semaphore, #tpu.memory_space<semaphore_mem>>
      %dma_start3A_216 = tpu.memref_slice %arg12[%mul3A_2] : memref<100352xf32, #tpu.memory_space<vmem_shared>> -> memref<6272xf32, #tpu.memory_space<vmem_shared>>
      %dma_start3A_217 = tpu.memref_slice %arg12[%mul3A_2] : memref<100352xf32, #tpu.memory_space<vmem_shared>> -> memref<6272xf32, #tpu.memory_space<vmem_shared>>
      tpu.enqueue_dma source(%arg17 : memref<6272xf32, #tpu.memory_space<vmem>>) target(%dma_start3A_217 : memref<6272xf32, #tpu.memory_space<vmem_shared>>) target_semaphore(%run_scoped3A : memref<!tpu.dma_semaphore, #tpu.memory_space<semaphore_mem>>)
      %dma_wait3A_218 = tpu.memref_slice %arg12[%mul3A_2] : memref<100352xf32, #tpu.memory_space<vmem_shared>> -> memref<6272xf32, #tpu.memory_space<vmem_shared>>
      %dma_wait3A_219 = tpu.memref_slice %arg12[%mul3A_2] : memref<100352xf32, #tpu.memory_space<vmem_shared>> -> memref<6272xf32, #tpu.memory_space<vmem_shared>>
      tpu.wait_dma2 semaphore(%run_scoped3A : memref<!tpu.dma_semaphore, #tpu.memory_space<semaphore_mem>>) src(%arg17 : memref<6272xf32, #tpu.memory_space<vmem>>) dst(%dma_wait3A_219 : memref<6272xf32, #tpu.memory_space<vmem_shared>>)
      tpu.yield
    }) : () -> ()
    "tpu.region"() ({
      %run_scoped3A = tpu.sem_alloc : memref<!tpu.dma_semaphore, #tpu.memory_space<semaphore_mem>>
      %dma_start3A_216 = tpu.memref_slice %arg13[%mul3A_2] : memref<100352xf32, #tpu.memory_space<vmem_shared>> -> memref<6272xf32, #tpu.memory_space<vmem_shared>>
      %dma_start3A_217 = tpu.memref_slice %arg13[%mul3A_2] : memref<100352xf32, #tpu.memory_space<vmem_shared>> -> memref<6272xf32, #tpu.memory_space<vmem_shared>>
      tpu.enqueue_dma source(%arg17 : memref<6272xf32, #tpu.memory_space<vmem>>) target(%dma_start3A_217 : memref<6272xf32, #tpu.memory_space<vmem_shared>>) target_semaphore(%run_scoped3A : memref<!tpu.dma_semaphore, #tpu.memory_space<semaphore_mem>>)
      %dma_wait3A_218 = tpu.memref_slice %arg13[%mul3A_2] : memref<100352xf32, #tpu.memory_space<vmem_shared>> -> memref<6272xf32, #tpu.memory_space<vmem_shared>>
      %dma_wait3A_219 = tpu.memref_slice %arg13[%mul3A_2] : memref<100352xf32, #tpu.memory_space<vmem_shared>> -> memref<6272xf32, #tpu.memory_space<vmem_shared>>
      tpu.wait_dma2 semaphore(%run_scoped3A : memref<!tpu.dma_semaphore, #tpu.memory_space<semaphore_mem>>) src(%arg17 : memref<6272xf32, #tpu.memory_space<vmem>>) dst(%dma_wait3A_219 : memref<6272xf32, #tpu.memory_space<vmem_shared>>)
      tpu.yield
    }) : () -> ()
    "tpu.region"() ({
      %run_scoped3A = tpu.sem_alloc : memref<!tpu.dma_semaphore, #tpu.memory_space<semaphore_mem>>
      %dma_start3A_216 = tpu.memref_slice %arg14[%mul3A_2] : memref<100352xf32, #tpu.memory_space<vmem_shared>> -> memref<6272xf32, #tpu.memory_space<vmem_shared>>
      %dma_start3A_217 = tpu.memref_slice %arg14[%mul3A_2] : memref<100352xf32, #tpu.memory_space<vmem_shared>> -> memref<6272xf32, #tpu.memory_space<vmem_shared>>
      tpu.enqueue_dma source(%arg17 : memref<6272xf32, #tpu.memory_space<vmem>>) target(%dma_start3A_217 : memref<6272xf32, #tpu.memory_space<vmem_shared>>) target_semaphore(%run_scoped3A : memref<!tpu.dma_semaphore, #tpu.memory_space<semaphore_mem>>)
      %dma_wait3A_218 = tpu.memref_slice %arg14[%mul3A_2] : memref<100352xf32, #tpu.memory_space<vmem_shared>> -> memref<6272xf32, #tpu.memory_space<vmem_shared>>
      %dma_wait3A_219 = tpu.memref_slice %arg14[%mul3A_2] : memref<100352xf32, #tpu.memory_space<vmem_shared>> -> memref<6272xf32, #tpu.memory_space<vmem_shared>>
      tpu.wait_dma2 semaphore(%run_scoped3A : memref<!tpu.dma_semaphore, #tpu.memory_space<semaphore_mem>>) src(%arg17 : memref<6272xf32, #tpu.memory_space<vmem>>) dst(%dma_wait3A_219 : memref<6272xf32, #tpu.memory_space<vmem_shared>>)
      tpu.yield
    }) : () -> ()
    "tpu.region"() ({
      %run_scoped3A = tpu.sem_alloc : memref<!tpu.dma_semaphore, #tpu.memory_space<semaphore_mem>>
      %dma_start3A_216 = tpu.memref_slice %arg15[%mul3A_2] : memref<100352xf32, #tpu.memory_space<vmem_shared>> -> memref<6272xf32, #tpu.memory_space<vmem_shared>>
      %dma_start3A_217 = tpu.memref_slice %arg15[%mul3A_2] : memref<100352xf32, #tpu.memory_space<vmem_shared>> -> memref<6272xf32, #tpu.memory_space<vmem_shared>>
      tpu.enqueue_dma source(%arg17 : memref<6272xf32, #tpu.memory_space<vmem>>) target(%dma_start3A_217 : memref<6272xf32, #tpu.memory_space<vmem_shared>>) target_semaphore(%run_scoped3A : memref<!tpu.dma_semaphore, #tpu.memory_space<semaphore_mem>>)
      %dma_wait3A_218 = tpu.memref_slice %arg15[%mul3A_2] : memref<100352xf32, #tpu.memory_space<vmem_shared>> -> memref<6272xf32, #tpu.memory_space<vmem_shared>>
      %dma_wait3A_219 = tpu.memref_slice %arg15[%mul3A_2] : memref<100352xf32, #tpu.memory_space<vmem_shared>> -> memref<6272xf32, #tpu.memory_space<vmem_shared>>
      tpu.wait_dma2 semaphore(%run_scoped3A : memref<!tpu.dma_semaphore, #tpu.memory_space<semaphore_mem>>) src(%arg17 : memref<6272xf32, #tpu.memory_space<vmem>>) dst(%dma_wait3A_219 : memref<6272xf32, #tpu.memory_space<vmem_shared>>)
      tpu.yield
    }) : () -> ()
    "tpu.region"() ({
      %run_scoped3A = tpu.sem_alloc : memref<!tpu.dma_semaphore, #tpu.memory_space<semaphore_mem>>
      %dma_start3A_216 = tpu.memref_slice %arg16[%mul3A_2] : memref<100352xf32, #tpu.memory_space<vmem_shared>> -> memref<6272xf32, #tpu.memory_space<vmem_shared>>
      %dma_start3A_217 = tpu.memref_slice %arg16[%mul3A_2] : memref<100352xf32, #tpu.memory_space<vmem_shared>> -> memref<6272xf32, #tpu.memory_space<vmem_shared>>
      tpu.enqueue_dma source(%arg17 : memref<6272xf32, #tpu.memory_space<vmem>>) target(%dma_start3A_217 : memref<6272xf32, #tpu.memory_space<vmem_shared>>) target_semaphore(%run_scoped3A : memref<!tpu.dma_semaphore, #tpu.memory_space<semaphore_mem>>)
      %dma_wait3A_218 = tpu.memref_slice %arg16[%mul3A_2] : memref<100352xf32, #tpu.memory_space<vmem_shared>> -> memref<6272xf32, #tpu.memory_space<vmem_shared>>
      %dma_wait3A_219 = tpu.memref_slice %arg16[%mul3A_2] : memref<100352xf32, #tpu.memory_space<vmem_shared>> -> memref<6272xf32, #tpu.memory_space<vmem_shared>>
      tpu.wait_dma2 semaphore(%run_scoped3A : memref<!tpu.dma_semaphore, #tpu.memory_space<semaphore_mem>>) src(%arg17 : memref<6272xf32, #tpu.memory_space<vmem>>) dst(%dma_wait3A_219 : memref<6272xf32, #tpu.memory_space<vmem_shared>>)
      tpu.yield
    }) : () -> ()
    %broadcast_in_dim3A_9 = arith.constant 1.000000e+00 : f32
    %broadcast_in_dim3A_10 = vector.broadcast %broadcast_in_dim3A_9 : f32 to vector<16xf32>
    %scan3A_11 = arith.constant 0 : i32
    %scan3A_12 = arith.constant 0 : i32
    %scan3A_13 = arith.constant 125 : i32
    %scan3A_14 = arith.addi %scan3A_12, %scan3A_13 : i32
    %scan3A_15 = arith.constant 1 : i32
    scf.for %scan3A_216 = %scan3A_12 to %scan3A_14 step %scan3A_15  : i32 {
      %mul3A_217 = arith.constant 16 : i32
      %mul3A_218 = arith.muli %scan3A_216, %mul3A_217 : i32
      %swap3A = arith.index_cast %mul3A_218 : i32 to index
      %swap3A_219 = tpu.vector_load %arg18[%swap3A] {strides = array<i32>} : memref<2000xf32, #tpu.memory_space<vmem>>, vector<16xf32>,
      %swap3A_220 = vector.shape_cast %swap3A_219 : vector<16xf32> to vector<16xf32>
      %swap3A_221 = vector.shape_cast %broadcast_in_dim3A_10 : vector<16xf32> to vector<16xf32>
      tpu.vector_store %arg18[%swap3A], %swap3A_221 {strides = array<i32>} : memref<2000xf32, #tpu.memory_space<vmem>>, vector<16xf32>,
    }
    %scan3A_16 = arith.constant 125 : i32
    %barrier3A = arith.constant 0 : index
    tpu.barrier barrier_id(%barrier3A)
    %mul3A_17 = arith.constant 100000 : i32
    %mul3A_18 = arith.muli %add3A, %mul3A_17 : i32
    %add3A_19 = arith.constant 0 : i32
    %add3A_20 = arith.addi %mul3A_18, %add3A_19 : i32
    %dma_start3A = tpu.memref_slice %arg4[%add3A_20] : memref<3200000xi32, #tpu.memory_space<hbm>> -> memref<2000xi32, #tpu.memory_space<hbm>>
    %dma_start3A_21 = tpu.memref_slice %arg4[%add3A_20] : memref<3200000xi32, #tpu.memory_space<hbm>> -> memref<2000xi32, #tpu.memory_space<hbm>>
    tpu.enqueue_dma source(%dma_start3A_21 : memref<2000xi32, #tpu.memory_space<hbm>>) target(%arg19 : memref<2000xi32, #tpu.memory_space<vmem>>) target_semaphore(%arg35 : memref<!tpu.dma_semaphore, #tpu.memory_space<semaphore_mem>>)
    %dma_start3A_22 = tpu.memref_slice %arg5[%add3A_20] : memref<3200000xi32, #tpu.memory_space<hbm>> -> memref<2000xi32, #tpu.memory_space<hbm>>
    %dma_start3A_23 = tpu.memref_slice %arg5[%add3A_20] : memref<3200000xi32, #tpu.memory_space<hbm>> -> memref<2000xi32, #tpu.memory_space<hbm>>
    tpu.enqueue_dma source(%dma_start3A_23 : memref<2000xi32, #tpu.memory_space<hbm>>) target(%arg20 : memref<2000xi32, #tpu.memory_space<vmem>>) target_semaphore(%arg35 : memref<!tpu.dma_semaphore, #tpu.memory_space<semaphore_mem>>)
    %dma_start3A_24 = tpu.memref_slice %arg6[%add3A_20] : memref<3200000xf32, #tpu.memory_space<hbm>> -> memref<2000xf32, #tpu.memory_space<hbm>>
    %dma_start3A_25 = tpu.memref_slice %arg6[%add3A_20] : memref<3200000xf32, #tpu.memory_space<hbm>> -> memref<2000xf32, #tpu.memory_space<hbm>>
    tpu.enqueue_dma source(%dma_start3A_25 : memref<2000xf32, #tpu.memory_space<hbm>>) target(%arg21 : memref<2000xf32, #tpu.memory_space<vmem>>) target_semaphore(%arg35 : memref<!tpu.dma_semaphore, #tpu.memory_space<semaphore_mem>>)
    %dma_wait3A = tpu.memref_slice %arg4[%mul3A_18] : memref<3200000xi32, #tpu.memory_space<hbm>> -> memref<2000xi32, #tpu.memory_space<hbm>>
    %dma_wait3A_26 = tpu.memref_slice %arg4[%mul3A_18] : memref<3200000xi32, #tpu.memory_space<hbm>> -> memref<2000xi32, #tpu.memory_space<hbm>>
    tpu.wait_dma2 semaphore(%arg35 : memref<!tpu.dma_semaphore, #tpu.memory_space<semaphore_mem>>) src(%dma_wait3A_26 : memref<2000xi32, #tpu.memory_space<hbm>>) dst(%arg19 : memref<2000xi32, #tpu.memory_space<vmem>>)
    %dma_wait3A_27 = tpu.memref_slice %arg5[%mul3A_18] : memref<3200000xi32, #tpu.memory_space<hbm>> -> memref<2000xi32, #tpu.memory_space<hbm>>
    %dma_wait3A_28 = tpu.memref_slice %arg5[%mul3A_18] : memref<3200000xi32, #tpu.memory_space<hbm>> -> memref<2000xi32, #tpu.memory_space<hbm>>
    tpu.wait_dma2 semaphore(%arg35 : memref<!tpu.dma_semaphore, #tpu.memory_space<semaphore_mem>>) src(%dma_wait3A_28 : memref<2000xi32, #tpu.memory_space<hbm>>) dst(%arg20 : memref<2000xi32, #tpu.memory_space<vmem>>)
    %dma_wait3A_29 = tpu.memref_slice %arg6[%mul3A_18] : memref<3200000xf32, #tpu.memory_space<hbm>> -> memref<2000xf32, #tpu.memory_space<hbm>>
    %dma_wait3A_30 = tpu.memref_slice %arg6[%mul3A_18] : memref<3200000xf32, #tpu.memory_space<hbm>> -> memref<2000xf32, #tpu.memory_space<hbm>>
    tpu.wait_dma2 semaphore(%arg35 : memref<!tpu.dma_semaphore, #tpu.memory_space<semaphore_mem>>) src(%dma_wait3A_30 : memref<2000xf32, #tpu.memory_space<hbm>>) dst(%arg21 : memref<2000xf32, #tpu.memory_space<vmem>>)
    %dma_start3A_31 = arith.constant 0 : i32
    %dma_start3A_32 = tpu.memref_slice %arg2[%dma_start3A_31] : memref<100352xf32, #tpu.memory_space<hbm>> -> memref<100352xf32, #tpu.memory_space<hbm>>
    tpu.enqueue_indirect_dma source(%dma_start3A_32 : memref<100352xf32, #tpu.memory_space<hbm>>) target(%arg22 : memref<2000xf32, #tpu.memory_space<vmem>>) offsets(%arg19 : memref<2000xi32, #tpu.memory_space<vmem>>) semaphore(%arg37 : memref<!tpu.dma_semaphore, #tpu.memory_space<semaphore_mem>>)
    %dma_start3A_33 = arith.constant 0 : i32
    %dma_start3A_34 = tpu.memref_slice %arg3[%dma_start3A_33] : memref<100352xf32, #tpu.memory_space<hbm>> -> memref<100352xf32, #tpu.memory_space<hbm>>
    tpu.enqueue_indirect_dma source(%dma_start3A_34 : memref<100352xf32, #tpu.memory_space<hbm>>) target(%arg23 : memref<2000xf32, #tpu.memory_space<vmem>>) offsets(%arg19 : memref<2000xi32, #tpu.memory_space<vmem>>) semaphore(%arg37 : memref<!tpu.dma_semaphore, #tpu.memory_space<semaphore_mem>>)
    %add3A_35 = arith.constant 2000 : i32
    %add3A_36 = arith.addi %mul3A_18, %add3A_35 : i32
    %dma_start3A_37 = tpu.memref_slice %arg4[%add3A_36] : memref<3200000xi32, #tpu.memory_space<hbm>> -> memref<2000xi32, #tpu.memory_space<hbm>>
    %dma_start3A_38 = tpu.memref_slice %arg4[%add3A_36] : memref<3200000xi32, #tpu.memory_space<hbm>> -> memref<2000xi32, #tpu.memory_space<hbm>>
    tpu.enqueue_dma source(%dma_start3A_38 : memref<2000xi32, #tpu.memory_space<hbm>>) target(%arg27 : memref<2000xi32, #tpu.memory_space<vmem>>) target_semaphore(%arg36 : memref<!tpu.dma_semaphore, #tpu.memory_space<semaphore_mem>>)
    %dma_start3A_39 = tpu.memref_slice %arg5[%add3A_36] : memref<3200000xi32, #tpu.memory_space<hbm>> -> memref<2000xi32, #tpu.memory_space<hbm>>
    %dma_start3A_40 = tpu.memref_slice %arg5[%add3A_36] : memref<3200000xi32, #tpu.memory_space<hbm>> -> memref<2000xi32, #tpu.memory_space<hbm>>
    tpu.enqueue_dma source(%dma_start3A_40 : memref<2000xi32, #tpu.memory_space<hbm>>) target(%arg28 : memref<2000xi32, #tpu.memory_space<vmem>>) target_semaphore(%arg36 : memref<!tpu.dma_semaphore, #tpu.memory_space<semaphore_mem>>)
    %dma_start3A_41 = tpu.memref_slice %arg6[%add3A_36] : memref<3200000xf32, #tpu.memory_space<hbm>> -> memref<2000xf32, #tpu.memory_space<hbm>>
    %dma_start3A_42 = tpu.memref_slice %arg6[%add3A_36] : memref<3200000xf32, #tpu.memory_space<hbm>> -> memref<2000xf32, #tpu.memory_space<hbm>>
    tpu.enqueue_dma source(%dma_start3A_42 : memref<2000xf32, #tpu.memory_space<hbm>>) target(%arg29 : memref<2000xf32, #tpu.memory_space<vmem>>) target_semaphore(%arg36 : memref<!tpu.dma_semaphore, #tpu.memory_space<semaphore_mem>>)
    %dma_wait3A_43 = arith.constant 0 : i32
    %dma_wait3A_44 = tpu.memref_slice %arg2[%dma_wait3A_43] : memref<100352xf32, #tpu.memory_space<hbm>> -> memref<100352xf32, #tpu.memory_space<hbm>>
    tpu.wait_indirect_dma semaphore(%arg37 : memref<!tpu.dma_semaphore, #tpu.memory_space<semaphore_mem>>) src(%dma_wait3A_44 : memref<100352xf32, #tpu.memory_space<hbm>>) dst(%arg22 : memref<2000xf32, #tpu.memory_space<vmem>>)
    %dma_wait3A_45 = arith.constant 0 : i32
    %dma_wait3A_46 = tpu.memref_slice %arg3[%dma_wait3A_45] : memref<100352xf32, #tpu.memory_space<hbm>> -> memref<100352xf32, #tpu.memory_space<hbm>>
    tpu.wait_indirect_dma semaphore(%arg37 : memref<!tpu.dma_semaphore, #tpu.memory_space<semaphore_mem>>) src(%dma_wait3A_46 : memref<100352xf32, #tpu.memory_space<hbm>>) dst(%arg23 : memref<2000xf32, #tpu.memory_space<vmem>>)
    %scan3A_47 = arith.constant 0 : i32
    %scan3A_48 = arith.constant 0 : i32
    %scan3A_49 = arith.constant 125 : i32
    %scan3A_50 = arith.addi %scan3A_48, %scan3A_49 : i32
    %scan3A_51 = arith.constant 1 : i32
    scf.for %scan3A_216 = %scan3A_48 to %scan3A_50 step %scan3A_51  : i32 {
      %mul3A_217 = arith.constant 16 : i32
      %mul3A_218 = arith.muli %scan3A_216, %mul3A_217 : i32
      %get3A = arith.index_cast %mul3A_218 : i32 to index
      %get3A_219 = tpu.vector_load %arg21[%get3A] {strides = array<i32>} : memref<2000xf32, #tpu.memory_space<vmem>>, vector<16xf32>,
      %get3A_220 = vector.shape_cast %get3A_219 : vector<16xf32> to vector<16xf32>
      %neg3A = arith.constant 0.000000e+00 : f32
      %neg3A_221 = vector.broadcast %neg3A : f32 to vector<16xf32>
      %neg3A_222 = arith.subf %neg3A_221, %get3A_220 : vector<16xf32>
      %get3A_223 = arith.index_cast %mul3A_218 : i32 to index
      %get3A_224 = tpu.vector_load %arg22[%get3A_223] {strides = array<i32>} : memref<2000xf32, #tpu.memory_space<vmem>>, vector<16xf32>,
      %get3A_225 = vector.shape_cast %get3A_224 : vector<16xf32> to vector<16xf32>
      %mul3A_226 = arith.mulf %neg3A_222, %get3A_225 : vector<16xf32>
      %swap3A = arith.index_cast %mul3A_218 : i32 to index
      %swap3A_227 = tpu.vector_load %arg22[%swap3A] {strides = array<i32>} : memref<2000xf32, #tpu.memory_space<vmem>>, vector<16xf32>,
      %swap3A_228 = vector.shape_cast %swap3A_227 : vector<16xf32> to vector<16xf32>
      %swap3A_229 = vector.shape_cast %mul3A_226 : vector<16xf32> to vector<16xf32>
      tpu.vector_store %arg22[%swap3A], %swap3A_229 {strides = array<i32>} : memref<2000xf32, #tpu.memory_space<vmem>>, vector<16xf32>,
      %get3A_230 = arith.index_cast %mul3A_218 : i32 to index
      %get3A_231 = tpu.vector_load %arg23[%get3A_230] {strides = array<i32>} : memref<2000xf32, #tpu.memory_space<vmem>>, vector<16xf32>,
      %get3A_232 = vector.shape_cast %get3A_231 : vector<16xf32> to vector<16xf32>
      %mul3A_233 = arith.mulf %neg3A_222, %get3A_232 : vector<16xf32>
      %swap3A_234 = arith.index_cast %mul3A_218 : i32 to index
      %swap3A_235 = tpu.vector_load %arg23[%swap3A_234] {strides = array<i32>} : memref<2000xf32, #tpu.memory_space<vmem>>, vector<16xf32>,
      %swap3A_236 = vector.shape_cast %swap3A_235 : vector<16xf32> to vector<16xf32>
      %swap3A_237 = vector.shape_cast %mul3A_233 : vector<16xf32> to vector<16xf32>
      tpu.vector_store %arg23[%swap3A_234], %swap3A_237 {strides = array<i32>} : memref<2000xf32, #tpu.memory_space<vmem>>, vector<16xf32>,
      %swap3A_238 = arith.index_cast %mul3A_218 : i32 to index
      %swap3A_239 = tpu.vector_load %arg25[%swap3A_238] {strides = array<i32>} : memref<2000xf32, #tpu.memory_space<vmem>>, vector<16xf32>,
      %swap3A_240 = vector.shape_cast %swap3A_239 : vector<16xf32> to vector<16xf32>
      %swap3A_241 = vector.shape_cast %get3A_220 : vector<16xf32> to vector<16xf32>
      tpu.vector_store %arg25[%swap3A_238], %swap3A_241 {strides = array<i32>} : memref<2000xf32, #tpu.memory_space<vmem>>, vector<16xf32>,
      %mul3A_242 = arith.mulf %get3A_220, %get3A_220 : vector<16xf32>
      %swap3A_243 = arith.index_cast %mul3A_218 : i32 to index
      %swap3A_244 = tpu.vector_load %arg26[%swap3A_243] {strides = array<i32>} : memref<2000xf32, #tpu.memory_space<vmem>>, vector<16xf32>,
      %swap3A_245 = vector.shape_cast %swap3A_244 : vector<16xf32> to vector<16xf32>
      %swap3A_246 = vector.shape_cast %mul3A_242 : vector<16xf32> to vector<16xf32>
      tpu.vector_store %arg26[%swap3A_243], %swap3A_246 {strides = array<i32>} : memref<2000xf32, #tpu.memory_space<vmem>>, vector<16xf32>,
      %get3A_247 = arith.index_cast %mul3A_218 : i32 to index
      %get3A_248 = tpu.vector_load %arg20[%get3A_247] {strides = array<i32>} : memref<2000xi32, #tpu.memory_space<vmem>>, vector<16xi32>,
      %get3A_249 = vector.shape_cast %get3A_248 : vector<16xi32> to vector<16xi32>
      %swap3A_250 = arith.index_cast %mul3A_218 : i32 to index
      %swap3A_251 = tpu.vector_load %arg24[%swap3A_250] {strides = array<i32>} : memref<2000xi32, #tpu.memory_space<vmem>>, vector<16xi32>,
      %swap3A_252 = vector.shape_cast %swap3A_251 : vector<16xi32> to vector<16xi32>
      %swap3A_253 = vector.shape_cast %get3A_249 : vector<16xi32> to vector<16xi32>
      tpu.vector_store %arg24[%swap3A_250], %swap3A_253 {strides = array<i32>} : memref<2000xi32, #tpu.memory_space<vmem>>, vector<16xi32>,
    }
    %scan3A_52 = arith.constant 125 : i32
    %dma_start3A_53 = arith.constant 0 : i32
    %dma_start3A_54 = tpu.memref_slice %arg12[%dma_start3A_53] : memref<100352xf32, #tpu.memory_space<vmem_shared>> -> memref<100352xf32, #tpu.memory_space<vmem_shared>>
    tpu.enqueue_indirect_dma source(%arg22 : memref<2000xf32, #tpu.memory_space<vmem>>) target(%dma_start3A_54 : memref<100352xf32, #tpu.memory_space<vmem_shared>>) offsets(%arg24 : memref<2000xi32, #tpu.memory_space<vmem>>) semaphore(%arg39 : memref<!tpu.dma_semaphore, #tpu.memory_space<semaphore_mem>>) {add = true}
    %dma_start3A_55 = arith.constant 0 : i32
    %dma_start3A_56 = tpu.memref_slice %arg13[%dma_start3A_55] : memref<100352xf32, #tpu.memory_space<vmem_shared>> -> memref<100352xf32, #tpu.memory_space<vmem_shared>>
    tpu.enqueue_indirect_dma source(%arg23 : memref<2000xf32, #tpu.memory_space<vmem>>) target(%dma_start3A_56 : memref<100352xf32, #tpu.memory_space<vmem_shared>>) offsets(%arg24 : memref<2000xi32, #tpu.memory_space<vmem>>) semaphore(%arg39 : memref<!tpu.dma_semaphore, #tpu.memory_space<semaphore_mem>>) {add = true}
    %dma_start3A_57 = arith.constant 0 : i32
    %dma_start3A_58 = tpu.memref_slice %arg14[%dma_start3A_57] : memref<100352xf32, #tpu.memory_space<vmem_shared>> -> memref<100352xf32, #tpu.memory_space<vmem_shared>>
    tpu.enqueue_indirect_dma source(%arg25 : memref<2000xf32, #tpu.memory_space<vmem>>) target(%dma_start3A_58 : memref<100352xf32, #tpu.memory_space<vmem_shared>>) offsets(%arg24 : memref<2000xi32, #tpu.memory_space<vmem>>) semaphore(%arg39 : memref<!tpu.dma_semaphore, #tpu.memory_space<semaphore_mem>>) {add = true}
    %dma_start3A_59 = arith.constant 0 : i32
    %dma_start3A_60 = tpu.memref_slice %arg15[%dma_start3A_59] : memref<100352xf32, #tpu.memory_space<vmem_shared>> -> memref<100352xf32, #tpu.memory_space<vmem_shared>>
    tpu.enqueue_indirect_dma source(%arg26 : memref<2000xf32, #tpu.memory_space<vmem>>) target(%dma_start3A_60 : memref<100352xf32, #tpu.memory_space<vmem_shared>>) offsets(%arg24 : memref<2000xi32, #tpu.memory_space<vmem>>) semaphore(%arg39 : memref<!tpu.dma_semaphore, #tpu.memory_space<semaphore_mem>>) {add = true}
    %dma_start3A_61 = arith.constant 0 : i32
    %dma_start3A_62 = tpu.memref_slice %arg16[%dma_start3A_61] : memref<100352xf32, #tpu.memory_space<vmem_shared>> -> memref<100352xf32, #tpu.memory_space<vmem_shared>>
    tpu.enqueue_indirect_dma source(%arg18 : memref<2000xf32, #tpu.memory_space<vmem>>) target(%dma_start3A_62 : memref<100352xf32, #tpu.memory_space<vmem_shared>>) offsets(%arg24 : memref<2000xi32, #tpu.memory_space<vmem>>) semaphore(%arg39 : memref<!tpu.dma_semaphore, #tpu.memory_space<semaphore_mem>>) {add = true}
    %add3A_63 = arith.constant 4000 : i32
    %add3A_64 = arith.addi %mul3A_18, %add3A_63 : i32
    %dma_start3A_65 = tpu.memref_slice %arg4[%add3A_64] : memref<3200000xi32, #tpu.memory_space<hbm>> -> memref<2000xi32, #tpu.memory_space<hbm>>
    %dma_start3A_66 = tpu.memref_slice %arg4[%add3A_64] : memref<3200000xi32, #tpu.memory_space<hbm>> -> memref<2000xi32, #tpu.memory_space<hbm>>
    tpu.enqueue_dma source(%dma_start3A_66 : memref<2000xi32, #tpu.memory_space<hbm>>) target(%arg19 : memref<2000xi32, #tpu.memory_space<vmem>>) target_semaphore(%arg35 : memref<!tpu.dma_semaphore, #tpu.memory_space<semaphore_mem>>)
    %dma_start3A_67 = tpu.memref_slice %arg5[%add3A_64] : memref<3200000xi32, #tpu.memory_space<hbm>> -> memref<2000xi32, #tpu.memory_space<hbm>>
    %dma_start3A_68 = tpu.memref_slice %arg5[%add3A_64] : memref<3200000xi32, #tpu.memory_space<hbm>> -> memref<2000xi32, #tpu.memory_space<hbm>>
    tpu.enqueue_dma source(%dma_start3A_68 : memref<2000xi32, #tpu.memory_space<hbm>>) target(%arg20 : memref<2000xi32, #tpu.memory_space<vmem>>) target_semaphore(%arg35 : memref<!tpu.dma_semaphore, #tpu.memory_space<semaphore_mem>>)
    %dma_start3A_69 = tpu.memref_slice %arg6[%add3A_64] : memref<3200000xf32, #tpu.memory_space<hbm>> -> memref<2000xf32, #tpu.memory_space<hbm>>
    %dma_start3A_70 = tpu.memref_slice %arg6[%add3A_64] : memref<3200000xf32, #tpu.memory_space<hbm>> -> memref<2000xf32, #tpu.memory_space<hbm>>
    tpu.enqueue_dma source(%dma_start3A_70 : memref<2000xf32, #tpu.memory_space<hbm>>) target(%arg21 : memref<2000xf32, #tpu.memory_space<vmem>>) target_semaphore(%arg35 : memref<!tpu.dma_semaphore, #tpu.memory_space<semaphore_mem>>)
    %dma_wait3A_71 = tpu.memref_slice %arg4[%mul3A_18] : memref<3200000xi32, #tpu.memory_space<hbm>> -> memref<2000xi32, #tpu.memory_space<hbm>>
    %dma_wait3A_72 = tpu.memref_slice %arg4[%mul3A_18] : memref<3200000xi32, #tpu.memory_space<hbm>> -> memref<2000xi32, #tpu.memory_space<hbm>>
    tpu.wait_dma2 semaphore(%arg36 : memref<!tpu.dma_semaphore, #tpu.memory_space<semaphore_mem>>) src(%dma_wait3A_72 : memref<2000xi32, #tpu.memory_space<hbm>>) dst(%arg27 : memref<2000xi32, #tpu.memory_space<vmem>>)
    %dma_wait3A_73 = tpu.memref_slice %arg5[%mul3A_18] : memref<3200000xi32, #tpu.memory_space<hbm>> -> memref<2000xi32, #tpu.memory_space<hbm>>
    %dma_wait3A_74 = tpu.memref_slice %arg5[%mul3A_18] : memref<3200000xi32, #tpu.memory_space<hbm>> -> memref<2000xi32, #tpu.memory_space<hbm>>
    tpu.wait_dma2 semaphore(%arg36 : memref<!tpu.dma_semaphore, #tpu.memory_space<semaphore_mem>>) src(%dma_wait3A_74 : memref<2000xi32, #tpu.memory_space<hbm>>) dst(%arg28 : memref<2000xi32, #tpu.memory_space<vmem>>)
    %dma_wait3A_75 = tpu.memref_slice %arg6[%mul3A_18] : memref<3200000xf32, #tpu.memory_space<hbm>> -> memref<2000xf32, #tpu.memory_space<hbm>>
    %dma_wait3A_76 = tpu.memref_slice %arg6[%mul3A_18] : memref<3200000xf32, #tpu.memory_space<hbm>> -> memref<2000xf32, #tpu.memory_space<hbm>>
    tpu.wait_dma2 semaphore(%arg36 : memref<!tpu.dma_semaphore, #tpu.memory_space<semaphore_mem>>) src(%dma_wait3A_76 : memref<2000xf32, #tpu.memory_space<hbm>>) dst(%arg29 : memref<2000xf32, #tpu.memory_space<vmem>>)
    %dma_start3A_77 = arith.constant 0 : i32
    %dma_start3A_78 = tpu.memref_slice %arg2[%dma_start3A_77] : memref<100352xf32, #tpu.memory_space<hbm>> -> memref<100352xf32, #tpu.memory_space<hbm>>
    tpu.enqueue_indirect_dma source(%dma_start3A_78 : memref<100352xf32, #tpu.memory_space<hbm>>) target(%arg30 : memref<2000xf32, #tpu.memory_space<vmem>>) offsets(%arg27 : memref<2000xi32, #tpu.memory_space<vmem>>) semaphore(%arg38 : memref<!tpu.dma_semaphore, #tpu.memory_space<semaphore_mem>>)
    %dma_start3A_79 = arith.constant 0 : i32
    %dma_start3A_80 = tpu.memref_slice %arg3[%dma_start3A_79] : memref<100352xf32, #tpu.memory_space<hbm>> -> memref<100352xf32, #tpu.memory_space<hbm>>
    tpu.enqueue_indirect_dma source(%dma_start3A_80 : memref<100352xf32, #tpu.memory_space<hbm>>) target(%arg31 : memref<2000xf32, #tpu.memory_space<vmem>>) offsets(%arg27 : memref<2000xi32, #tpu.memory_space<vmem>>) semaphore(%arg38 : memref<!tpu.dma_semaphore, #tpu.memory_space<semaphore_mem>>)
    %dma_wait3A_81 = arith.constant 0 : i32
    %dma_wait3A_82 = tpu.memref_slice %arg2[%dma_wait3A_81] : memref<100352xf32, #tpu.memory_space<hbm>> -> memref<100352xf32, #tpu.memory_space<hbm>>
    tpu.wait_indirect_dma semaphore(%arg38 : memref<!tpu.dma_semaphore, #tpu.memory_space<semaphore_mem>>) src(%dma_wait3A_82 : memref<100352xf32, #tpu.memory_space<hbm>>) dst(%arg30 : memref<2000xf32, #tpu.memory_space<vmem>>)
    %dma_wait3A_83 = arith.constant 0 : i32
    %dma_wait3A_84 = tpu.memref_slice %arg3[%dma_wait3A_83] : memref<100352xf32, #tpu.memory_space<hbm>> -> memref<100352xf32, #tpu.memory_space<hbm>>
    tpu.wait_indirect_dma semaphore(%arg38 : memref<!tpu.dma_semaphore, #tpu.memory_space<semaphore_mem>>) src(%dma_wait3A_84 : memref<100352xf32, #tpu.memory_space<hbm>>) dst(%arg31 : memref<2000xf32, #tpu.memory_space<vmem>>)
    %scan3A_85 = arith.constant 0 : i32
    %scan3A_86 = arith.constant 0 : i32
    %scan3A_87 = arith.constant 125 : i32
    %scan3A_88 = arith.addi %scan3A_86, %scan3A_87 : i32
    %scan3A_89 = arith.constant 1 : i32
    scf.for %scan3A_216 = %scan3A_86 to %scan3A_88 step %scan3A_89  : i32 {
      %mul3A_217 = arith.constant 16 : i32
      %mul3A_218 = arith.muli %scan3A_216, %mul3A_217 : i32
      %get3A = arith.index_cast %mul3A_218 : i32 to index
      %get3A_219 = tpu.vector_load %arg29[%get3A] {strides = array<i32>} : memref<2000xf32, #tpu.memory_space<vmem>>, vector<16xf32>,
      %get3A_220 = vector.shape_cast %get3A_219 : vector<16xf32> to vector<16xf32>
      %neg3A = arith.constant 0.000000e+00 : f32
      %neg3A_221 = vector.broadcast %neg3A : f32 to vector<16xf32>
      %neg3A_222 = arith.subf %neg3A_221, %get3A_220 : vector<16xf32>
      %get3A_223 = arith.index_cast %mul3A_218 : i32 to index
      %get3A_224 = tpu.vector_load %arg30[%get3A_223] {strides = array<i32>} : memref<2000xf32, #tpu.memory_space<vmem>>, vector<16xf32>,
      %get3A_225 = vector.shape_cast %get3A_224 : vector<16xf32> to vector<16xf32>
      %mul3A_226 = arith.mulf %neg3A_222, %get3A_225 : vector<16xf32>
      %swap3A = arith.index_cast %mul3A_218 : i32 to index
      %swap3A_227 = tpu.vector_load %arg30[%swap3A] {strides = array<i32>} : memref<2000xf32, #tpu.memory_space<vmem>>, vector<16xf32>,
      %swap3A_228 = vector.shape_cast %swap3A_227 : vector<16xf32> to vector<16xf32>
      %swap3A_229 = vector.shape_cast %mul3A_226 : vector<16xf32> to vector<16xf32>
      tpu.vector_store %arg30[%swap3A], %swap3A_229 {strides = array<i32>} : memref<2000xf32, #tpu.memory_space<vmem>>, vector<16xf32>,
      %get3A_230 = arith.index_cast %mul3A_218 : i32 to index
      %get3A_231 = tpu.vector_load %arg31[%get3A_230] {strides = array<i32>} : memref<2000xf32, #tpu.memory_space<vmem>>, vector<16xf32>,
      %get3A_232 = vector.shape_cast %get3A_231 : vector<16xf32> to vector<16xf32>
      %mul3A_233 = arith.mulf %neg3A_222, %get3A_232 : vector<16xf32>
      %swap3A_234 = arith.index_cast %mul3A_218 : i32 to index
      %swap3A_235 = tpu.vector_load %arg31[%swap3A_234] {strides = array<i32>} : memref<2000xf32, #tpu.memory_space<vmem>>, vector<16xf32>,
      %swap3A_236 = vector.shape_cast %swap3A_235 : vector<16xf32> to vector<16xf32>
      %swap3A_237 = vector.shape_cast %mul3A_233 : vector<16xf32> to vector<16xf32>
      tpu.vector_store %arg31[%swap3A_234], %swap3A_237 {strides = array<i32>} : memref<2000xf32, #tpu.memory_space<vmem>>, vector<16xf32>,
      %swap3A_238 = arith.index_cast %mul3A_218 : i32 to index
      %swap3A_239 = tpu.vector_load %arg33[%swap3A_238] {strides = array<i32>} : memref<2000xf32, #tpu.memory_space<vmem>>, vector<16xf32>,
      %swap3A_240 = vector.shape_cast %swap3A_239 : vector<16xf32> to vector<16xf32>
      %swap3A_241 = vector.shape_cast %get3A_220 : vector<16xf32> to vector<16xf32>
      tpu.vector_store %arg33[%swap3A_238], %swap3A_241 {strides = array<i32>} : memref<2000xf32, #tpu.memory_space<vmem>>, vector<16xf32>,
      %mul3A_242 = arith.mulf %get3A_220, %get3A_220 : vector<16xf32>
      %swap3A_243 = arith.index_cast %mul3A_218 : i32 to index
      %swap3A_244 = tpu.vector_load %arg34[%swap3A_243] {strides = array<i32>} : memref<2000xf32, #tpu.memory_space<vmem>>, vector<16xf32>,
      %swap3A_245 = vector.shape_cast %swap3A_244 : vector<16xf32> to vector<16xf32>
      %swap3A_246 = vector.shape_cast %mul3A_242 : vector<16xf32> to vector<16xf32>
      tpu.vector_store %arg34[%swap3A_243], %swap3A_246 {strides = array<i32>} : memref<2000xf32, #tpu.memory_space<vmem>>, vector<16xf32>,
      %get3A_247 = arith.index_cast %mul3A_218 : i32 to index
      %get3A_248 = tpu.vector_load %arg28[%get3A_247] {strides = array<i32>} : memref<2000xi32, #tpu.memory_space<vmem>>, vector<16xi32>,
      %get3A_249 = vector.shape_cast %get3A_248 : vector<16xi32> to vector<16xi32>
      %swap3A_250 = arith.index_cast %mul3A_218 : i32 to index
      %swap3A_251 = tpu.vector_load %arg32[%swap3A_250] {strides = array<i32>} : memref<2000xi32, #tpu.memory_space<vmem>>, vector<16xi32>,
      %swap3A_252 = vector.shape_cast %swap3A_251 : vector<16xi32> to vector<16xi32>
      %swap3A_253 = vector.shape_cast %get3A_249 : vector<16xi32> to vector<16xi32>
      tpu.vector_store %arg32[%swap3A_250], %swap3A_253 {strides = array<i32>} : memref<2000xi32, #tpu.memory_space<vmem>>, vector<16xi32>,
    }
    %scan3A_90 = arith.constant 125 : i32
    %dma_start3A_91 = arith.constant 0 : i32
    %dma_start3A_92 = tpu.memref_slice %arg12[%dma_start3A_91] : memref<100352xf32, #tpu.memory_space<vmem_shared>> -> memref<100352xf32, #tpu.memory_space<vmem_shared>>
    tpu.enqueue_indirect_dma source(%arg30 : memref<2000xf32, #tpu.memory_space<vmem>>) target(%dma_start3A_92 : memref<100352xf32, #tpu.memory_space<vmem_shared>>) offsets(%arg32 : memref<2000xi32, #tpu.memory_space<vmem>>) semaphore(%arg40 : memref<!tpu.dma_semaphore, #tpu.memory_space<semaphore_mem>>) {add = true}
    %dma_start3A_93 = arith.constant 0 : i32
    %dma_start3A_94 = tpu.memref_slice %arg13[%dma_start3A_93] : memref<100352xf32, #tpu.memory_space<vmem_shared>> -> memref<100352xf32, #tpu.memory_space<vmem_shared>>
    tpu.enqueue_indirect_dma source(%arg31 : memref<2000xf32, #tpu.memory_space<vmem>>) target(%dma_start3A_94 : memref<100352xf32, #tpu.memory_space<vmem_shared>>) offsets(%arg32 : memref<2000xi32, #tpu.memory_space<vmem>>) semaphore(%arg40 : memref<!tpu.dma_semaphore, #tpu.memory_space<semaphore_mem>>) {add = true}
    %dma_start3A_95 = arith.constant 0 : i32
    %dma_start3A_96 = tpu.memref_slice %arg14[%dma_start3A_95] : memref<100352xf32, #tpu.memory_space<vmem_shared>> -> memref<100352xf32, #tpu.memory_space<vmem_shared>>
    tpu.enqueue_indirect_dma source(%arg33 : memref<2000xf32, #tpu.memory_space<vmem>>) target(%dma_start3A_96 : memref<100352xf32, #tpu.memory_space<vmem_shared>>) offsets(%arg32 : memref<2000xi32, #tpu.memory_space<vmem>>) semaphore(%arg40 : memref<!tpu.dma_semaphore, #tpu.memory_space<semaphore_mem>>) {add = true}
    %dma_start3A_97 = arith.constant 0 : i32
    %dma_start3A_98 = tpu.memref_slice %arg15[%dma_start3A_97] : memref<100352xf32, #tpu.memory_space<vmem_shared>> -> memref<100352xf32, #tpu.memory_space<vmem_shared>>
    tpu.enqueue_indirect_dma source(%arg34 : memref<2000xf32, #tpu.memory_space<vmem>>) target(%dma_start3A_98 : memref<100352xf32, #tpu.memory_space<vmem_shared>>) offsets(%arg32 : memref<2000xi32, #tpu.memory_space<vmem>>) semaphore(%arg40 : memref<!tpu.dma_semaphore, #tpu.memory_space<semaphore_mem>>) {add = true}
    %dma_start3A_99 = arith.constant 0 : i32
    %dma_start3A_100 = tpu.memref_slice %arg16[%dma_start3A_99] : memref<100352xf32, #tpu.memory_space<vmem_shared>> -> memref<100352xf32, #tpu.memory_space<vmem_shared>>
    tpu.enqueue_indirect_dma source(%arg18 : memref<2000xf32, #tpu.memory_space<vmem>>) target(%dma_start3A_100 : memref<100352xf32, #tpu.memory_space<vmem_shared>>) offsets(%arg32 : memref<2000xi32, #tpu.memory_space<vmem>>) semaphore(%arg40 : memref<!tpu.dma_semaphore, #tpu.memory_space<semaphore_mem>>) {add = true}
    %add3A_101 = arith.constant 6000 : i32
    %add3A_102 = arith.addi %mul3A_18, %add3A_101 : i32
    %dma_start3A_103 = tpu.memref_slice %arg4[%add3A_102] : memref<3200000xi32, #tpu.memory_space<hbm>> -> memref<2000xi32, #tpu.memory_space<hbm>>
    %dma_start3A_104 = tpu.memref_slice %arg4[%add3A_102] : memref<3200000xi32, #tpu.memory_space<hbm>> -> memref<2000xi32, #tpu.memory_space<hbm>>
    tpu.enqueue_dma source(%dma_start3A_104 : memref<2000xi32, #tpu.memory_space<hbm>>) target(%arg27 : memref<2000xi32, #tpu.memory_space<vmem>>) target_semaphore(%arg36 : memref<!tpu.dma_semaphore, #tpu.memory_space<semaphore_mem>>)
    %dma_start3A_105 = tpu.memref_slice %arg5[%add3A_102] : memref<3200000xi32, #tpu.memory_space<hbm>> -> memref<2000xi32, #tpu.memory_space<hbm>>
    %dma_start3A_106 = tpu.memref_slice %arg5[%add3A_102] : memref<3200000xi32, #tpu.memory_space<hbm>> -> memref<2000xi32, #tpu.memory_space<hbm>>
    tpu.enqueue_dma source(%dma_start3A_106 : memref<2000xi32, #tpu.memory_space<hbm>>) target(%arg28 : memref<2000xi32, #tpu.memory_space<vmem>>) target_semaphore(%arg36 : memref<!tpu.dma_semaphore, #tpu.memory_space<semaphore_mem>>)
    %dma_start3A_107 = tpu.memref_slice %arg6[%add3A_102] : memref<3200000xf32, #tpu.memory_space<hbm>> -> memref<2000xf32, #tpu.memory_space<hbm>>
    %dma_start3A_108 = tpu.memref_slice %arg6[%add3A_102] : memref<3200000xf32, #tpu.memory_space<hbm>> -> memref<2000xf32, #tpu.memory_space<hbm>>
    tpu.enqueue_dma source(%dma_start3A_108 : memref<2000xf32, #tpu.memory_space<hbm>>) target(%arg29 : memref<2000xf32, #tpu.memory_space<vmem>>) target_semaphore(%arg36 : memref<!tpu.dma_semaphore, #tpu.memory_space<semaphore_mem>>)
    %dma_wait3A_109 = tpu.memref_slice %arg4[%mul3A_18] : memref<3200000xi32, #tpu.memory_space<hbm>> -> memref<2000xi32, #tpu.memory_space<hbm>>
    %dma_wait3A_110 = tpu.memref_slice %arg4[%mul3A_18] : memref<3200000xi32, #tpu.memory_space<hbm>> -> memref<2000xi32, #tpu.memory_space<hbm>>
    tpu.wait_dma2 semaphore(%arg35 : memref<!tpu.dma_semaphore, #tpu.memory_space<semaphore_mem>>) src(%dma_wait3A_110 : memref<2000xi32, #tpu.memory_space<hbm>>) dst(%arg19 : memref<2000xi32, #tpu.memory_space<vmem>>)
    %dma_wait3A_111 = tpu.memref_slice %arg5[%mul3A_18] : memref<3200000xi32, #tpu.memory_space<hbm>> -> memref<2000xi32, #tpu.memory_space<hbm>>
    %dma_wait3A_112 = tpu.memref_slice %arg5[%mul3A_18] : memref<3200000xi32, #tpu.memory_space<hbm>> -> memref<2000xi32, #tpu.memory_space<hbm>>
    tpu.wait_dma2 semaphore(%arg35 : memref<!tpu.dma_semaphore, #tpu.memory_space<semaphore_mem>>) src(%dma_wait3A_112 : memref<2000xi32, #tpu.memory_space<hbm>>) dst(%arg20 : memref<2000xi32, #tpu.memory_space<vmem>>)
    %dma_wait3A_113 = tpu.memref_slice %arg6[%mul3A_18] : memref<3200000xf32, #tpu.memory_space<hbm>> -> memref<2000xf32, #tpu.memory_space<hbm>>
    %dma_wait3A_114 = tpu.memref_slice %arg6[%mul3A_18] : memref<3200000xf32, #tpu.memory_space<hbm>> -> memref<2000xf32, #tpu.memory_space<hbm>>
    tpu.wait_dma2 semaphore(%arg35 : memref<!tpu.dma_semaphore, #tpu.memory_space<semaphore_mem>>) src(%dma_wait3A_114 : memref<2000xf32, #tpu.memory_space<hbm>>) dst(%arg21 : memref<2000xf32, #tpu.memory_space<vmem>>)
    %dma_wait3A_115 = arith.constant 0 : i32
    %dma_wait3A_116 = tpu.memref_slice %arg12[%dma_wait3A_115] : memref<100352xf32, #tpu.memory_space<vmem_shared>> -> memref<100352xf32, #tpu.memory_space<vmem_shared>>
    tpu.wait_indirect_dma semaphore(%arg39 : memref<!tpu.dma_semaphore, #tpu.memory_space<semaphore_mem>>) src(%arg22 : memref<2000xf32, #tpu.memory_space<vmem>>) dst(%dma_wait3A_116 : memref<100352xf32, #tpu.memory_space<vmem_shared>>)
    %dma_wait3A_117 = arith.constant 0 : i32
    %dma_wait3A_118 = tpu.memref_slice %arg13[%dma_wait3A_117] : memref<100352xf32, #tpu.memory_space<vmem_shared>> -> memref<100352xf32, #tpu.memory_space<vmem_shared>>
    tpu.wait_indirect_dma semaphore(%arg39 : memref<!tpu.dma_semaphore, #tpu.memory_space<semaphore_mem>>) src(%arg23 : memref<2000xf32, #tpu.memory_space<vmem>>) dst(%dma_wait3A_118 : memref<100352xf32, #tpu.memory_space<vmem_shared>>)
    %dma_wait3A_119 = arith.constant 0 : i32
    %dma_wait3A_120 = tpu.memref_slice %arg14[%dma_wait3A_119] : memref<100352xf32, #tpu.memory_space<vmem_shared>> -> memref<100352xf32, #tpu.memory_space<vmem_shared>>
    tpu.wait_indirect_dma semaphore(%arg39 : memref<!tpu.dma_semaphore, #tpu.memory_space<semaphore_mem>>) src(%arg25 : memref<2000xf32, #tpu.memory_space<vmem>>) dst(%dma_wait3A_120 : memref<100352xf32, #tpu.memory_space<vmem_shared>>)
    %dma_wait3A_121 = arith.constant 0 : i32
    %dma_wait3A_122 = tpu.memref_slice %arg15[%dma_wait3A_121] : memref<100352xf32, #tpu.memory_space<vmem_shared>> -> memref<100352xf32, #tpu.memory_space<vmem_shared>>
    tpu.wait_indirect_dma semaphore(%arg39 : memref<!tpu.dma_semaphore, #tpu.memory_space<semaphore_mem>>) src(%arg26 : memref<2000xf32, #tpu.memory_space<vmem>>) dst(%dma_wait3A_122 : memref<100352xf32, #tpu.memory_space<vmem_shared>>)
    %dma_wait3A_123 = arith.constant 0 : i32
    %dma_wait3A_124 = tpu.memref_slice %arg16[%dma_wait3A_123] : memref<100352xf32, #tpu.memory_space<vmem_shared>> -> memref<100352xf32, #tpu.memory_space<vmem_shared>>
    tpu.wait_indirect_dma semaphore(%arg39 : memref<!tpu.dma_semaphore, #tpu.memory_space<semaphore_mem>>) src(%arg18 : memref<2000xf32, #tpu.memory_space<vmem>>) dst(%dma_wait3A_124 : memref<100352xf32, #tpu.memory_space<vmem_shared>>)
    %dma_start3A_125 = arith.constant 0 : i32
    %dma_start3A_126 = tpu.memref_slice %arg2[%dma_start3A_125] : memref<100352xf32, #tpu.memory_space<hbm>> -> memref<100352xf32, #tpu.memory_space<hbm>>
    tpu.enqueue_indirect_dma source(%dma_start3A_126 : memref<100352xf32, #tpu.memory_space<hbm>>) target(%arg22 : memref<2000xf32, #tpu.memory_space<vmem>>) offsets(%arg19 : memref<2000xi32, #tpu.memory_space<vmem>>) semaphore(%arg37 : memref<!tpu.dma_semaphore, #tpu.memory_space<semaphore_mem>>)
    %dma_start3A_127 = arith.constant 0 : i32
    %dma_start3A_128 = tpu.memref_slice %arg3[%dma_start3A_127] : memref<100352xf32, #tpu.memory_space<hbm>> -> memref<100352xf32, #tpu.memory_space<hbm>>
    tpu.enqueue_indirect_dma source(%dma_start3A_128 : memref<100352xf32, #tpu.memory_space<hbm>>) target(%arg23 : memref<2000xf32, #tpu.memory_space<vmem>>) offsets(%arg19 : memref<2000xi32, #tpu.memory_space<vmem>>) semaphore(%arg37 : memref<!tpu.dma_semaphore, #tpu.memory_space<semaphore_mem>>)
    %scan3A_129 = arith.constant 0 : i32
    %scan3A_130 = arith.constant 0 : i32
    %scan3A_131 = arith.constant 23 : i32
    %scan3A_132 = arith.addi %scan3A_130, %scan3A_131 : i32
    %scan3A_133 = arith.constant 1 : i32
    scf.for %scan3A_216 = %scan3A_130 to %scan3A_132 step %scan3A_133  : i32 {
      %mul3A_217 = arith.constant 2 : i32
      %mul3A_218 = arith.muli %scan3A_216, %mul3A_217 : i32
      %add3A_219 = arith.constant 2 : i32
      %add3A_220 = arith.addi %add3A_219, %mul3A_218 : i32
      %dma_wait3A_221 = arith.constant 0 : i32
      %dma_wait3A_222 = tpu.memref_slice %arg2[%dma_wait3A_221] : memref<100352xf32, #tpu.memory_space<hbm>> -> memref<100352xf32, #tpu.memory_space<hbm>>
      tpu.wait_indirect_dma semaphore(%arg37 : memref<!tpu.dma_semaphore, #tpu.memory_space<semaphore_mem>>) src(%dma_wait3A_222 : memref<100352xf32, #tpu.memory_space<hbm>>) dst(%arg22 : memref<2000xf32, #tpu.memory_space<vmem>>)
      %dma_wait3A_223 = arith.constant 0 : i32
      %dma_wait3A_224 = tpu.memref_slice %arg3[%dma_wait3A_223] : memref<100352xf32, #tpu.memory_space<hbm>> -> memref<100352xf32, #tpu.memory_space<hbm>>
      tpu.wait_indirect_dma semaphore(%arg37 : memref<!tpu.dma_semaphore, #tpu.memory_space<semaphore_mem>>) src(%dma_wait3A_224 : memref<100352xf32, #tpu.memory_space<hbm>>) dst(%arg23 : memref<2000xf32, #tpu.memory_space<vmem>>)
      %scan3A_225 = arith.constant 0 : i32
      %scan3A_226 = arith.constant 0 : i32
      %scan3A_227 = arith.constant 125 : i32
      %scan3A_228 = arith.addi %scan3A_226, %scan3A_227 : i32
      %scan3A_229 = arith.constant 1 : i32
      scf.for %scan3A_325 = %scan3A_226 to %scan3A_228 step %scan3A_229  : i32 {
        %mul3A_326 = arith.constant 16 : i32
        %mul3A_327 = arith.muli %scan3A_325, %mul3A_326 : i32
        %get3A = arith.index_cast %mul3A_327 : i32 to index
        %get3A_328 = tpu.vector_load %arg21[%get3A] {strides = array<i32>} : memref<2000xf32, #tpu.memory_space<vmem>>, vector<16xf32>,
        %get3A_329 = vector.shape_cast %get3A_328 : vector<16xf32> to vector<16xf32>
        %neg3A = arith.constant 0.000000e+00 : f32
        %neg3A_330 = vector.broadcast %neg3A : f32 to vector<16xf32>
        %neg3A_331 = arith.subf %neg3A_330, %get3A_329 : vector<16xf32>
        %get3A_332 = arith.index_cast %mul3A_327 : i32 to index
        %get3A_333 = tpu.vector_load %arg22[%get3A_332] {strides = array<i32>} : memref<2000xf32, #tpu.memory_space<vmem>>, vector<16xf32>,
        %get3A_334 = vector.shape_cast %get3A_333 : vector<16xf32> to vector<16xf32>
        %mul3A_335 = arith.mulf %neg3A_331, %get3A_334 : vector<16xf32>
        %swap3A = arith.index_cast %mul3A_327 : i32 to index
        %swap3A_336 = tpu.vector_load %arg22[%swap3A] {strides = array<i32>} : memref<2000xf32, #tpu.memory_space<vmem>>, vector<16xf32>,
        %swap3A_337 = vector.shape_cast %swap3A_336 : vector<16xf32> to vector<16xf32>
        %swap3A_338 = vector.shape_cast %mul3A_335 : vector<16xf32> to vector<16xf32>
        tpu.vector_store %arg22[%swap3A], %swap3A_338 {strides = array<i32>} : memref<2000xf32, #tpu.memory_space<vmem>>, vector<16xf32>,
        %get3A_339 = arith.index_cast %mul3A_327 : i32 to index
        %get3A_340 = tpu.vector_load %arg23[%get3A_339] {strides = array<i32>} : memref<2000xf32, #tpu.memory_space<vmem>>, vector<16xf32>,
        %get3A_341 = vector.shape_cast %get3A_340 : vector<16xf32> to vector<16xf32>
        %mul3A_342 = arith.mulf %neg3A_331, %get3A_341 : vector<16xf32>
        %swap3A_343 = arith.index_cast %mul3A_327 : i32 to index
        %swap3A_344 = tpu.vector_load %arg23[%swap3A_343] {strides = array<i32>} : memref<2000xf32, #tpu.memory_space<vmem>>, vector<16xf32>,
        %swap3A_345 = vector.shape_cast %swap3A_344 : vector<16xf32> to vector<16xf32>
        %swap3A_346 = vector.shape_cast %mul3A_342 : vector<16xf32> to vector<16xf32>
        tpu.vector_store %arg23[%swap3A_343], %swap3A_346 {strides = array<i32>} : memref<2000xf32, #tpu.memory_space<vmem>>, vector<16xf32>,
        %swap3A_347 = arith.index_cast %mul3A_327 : i32 to index
        %swap3A_348 = tpu.vector_load %arg25[%swap3A_347] {strides = array<i32>} : memref<2000xf32, #tpu.memory_space<vmem>>, vector<16xf32>,
        %swap3A_349 = vector.shape_cast %swap3A_348 : vector<16xf32> to vector<16xf32>
        %swap3A_350 = vector.shape_cast %get3A_329 : vector<16xf32> to vector<16xf32>
        tpu.vector_store %arg25[%swap3A_347], %swap3A_350 {strides = array<i32>} : memref<2000xf32, #tpu.memory_space<vmem>>, vector<16xf32>,
        %mul3A_351 = arith.mulf %get3A_329, %get3A_329 : vector<16xf32>
        %swap3A_352 = arith.index_cast %mul3A_327 : i32 to index
        %swap3A_353 = tpu.vector_load %arg26[%swap3A_352] {strides = array<i32>} : memref<2000xf32, #tpu.memory_space<vmem>>, vector<16xf32>,
        %swap3A_354 = vector.shape_cast %swap3A_353 : vector<16xf32> to vector<16xf32>
        %swap3A_355 = vector.shape_cast %mul3A_351 : vector<16xf32> to vector<16xf32>
        tpu.vector_store %arg26[%swap3A_352], %swap3A_355 {strides = array<i32>} : memref<2000xf32, #tpu.memory_space<vmem>>, vector<16xf32>,
        %get3A_356 = arith.index_cast %mul3A_327 : i32 to index
        %get3A_357 = tpu.vector_load %arg20[%get3A_356] {strides = array<i32>} : memref<2000xi32, #tpu.memory_space<vmem>>, vector<16xi32>,
        %get3A_358 = vector.shape_cast %get3A_357 : vector<16xi32> to vector<16xi32>
        %swap3A_359 = arith.index_cast %mul3A_327 : i32 to index
        %swap3A_360 = tpu.vector_load %arg24[%swap3A_359] {strides = array<i32>} : memref<2000xi32, #tpu.memory_space<vmem>>, vector<16xi32>,
        %swap3A_361 = vector.shape_cast %swap3A_360 : vector<16xi32> to vector<16xi32>
        %swap3A_362 = vector.shape_cast %get3A_358 : vector<16xi32> to vector<16xi32>
        tpu.vector_store %arg24[%swap3A_359], %swap3A_362 {strides = array<i32>} : memref<2000xi32, #tpu.memory_space<vmem>>, vector<16xi32>,
      }
      %scan3A_230 = arith.constant 125 : i32
      %dma_start3A_231 = arith.constant 0 : i32
      %dma_start3A_232 = tpu.memref_slice %arg12[%dma_start3A_231] : memref<100352xf32, #tpu.memory_space<vmem_shared>> -> memref<100352xf32, #tpu.memory_space<vmem_shared>>
      tpu.enqueue_indirect_dma source(%arg22 : memref<2000xf32, #tpu.memory_space<vmem>>) target(%dma_start3A_232 : memref<100352xf32, #tpu.memory_space<vmem_shared>>) offsets(%arg24 : memref<2000xi32, #tpu.memory_space<vmem>>) semaphore(%arg39 : memref<!tpu.dma_semaphore, #tpu.memory_space<semaphore_mem>>) {add = true}
      %dma_start3A_233 = arith.constant 0 : i32
      %dma_start3A_234 = tpu.memref_slice %arg13[%dma_start3A_233] : memref<100352xf32, #tpu.memory_space<vmem_shared>> -> memref<100352xf32, #tpu.memory_space<vmem_shared>>
      tpu.enqueue_indirect_dma source(%arg23 : memref<2000xf32, #tpu.memory_space<vmem>>) target(%dma_start3A_234 : memref<100352xf32, #tpu.memory_space<vmem_shared>>) offsets(%arg24 : memref<2000xi32, #tpu.memory_space<vmem>>) semaphore(%arg39 : memref<!tpu.dma_semaphore, #tpu.memory_space<semaphore_mem>>) {add = true}
      %dma_start3A_235 = arith.constant 0 : i32
      %dma_start3A_236 = tpu.memref_slice %arg14[%dma_start3A_235] : memref<100352xf32, #tpu.memory_space<vmem_shared>> -> memref<100352xf32, #tpu.memory_space<vmem_shared>>
      tpu.enqueue_indirect_dma source(%arg25 : memref<2000xf32, #tpu.memory_space<vmem>>) target(%dma_start3A_236 : memref<100352xf32, #tpu.memory_space<vmem_shared>>) offsets(%arg24 : memref<2000xi32, #tpu.memory_space<vmem>>) semaphore(%arg39 : memref<!tpu.dma_semaphore, #tpu.memory_space<semaphore_mem>>) {add = true}
      %dma_start3A_237 = arith.constant 0 : i32
      %dma_start3A_238 = tpu.memref_slice %arg15[%dma_start3A_237] : memref<100352xf32, #tpu.memory_space<vmem_shared>> -> memref<100352xf32, #tpu.memory_space<vmem_shared>>
      tpu.enqueue_indirect_dma source(%arg26 : memref<2000xf32, #tpu.memory_space<vmem>>) target(%dma_start3A_238 : memref<100352xf32, #tpu.memory_space<vmem_shared>>) offsets(%arg24 : memref<2000xi32, #tpu.memory_space<vmem>>) semaphore(%arg39 : memref<!tpu.dma_semaphore, #tpu.memory_space<semaphore_mem>>) {add = true}
      %dma_start3A_239 = arith.constant 0 : i32
      %dma_start3A_240 = tpu.memref_slice %arg16[%dma_start3A_239] : memref<100352xf32, #tpu.memory_space<vmem_shared>> -> memref<100352xf32, #tpu.memory_space<vmem_shared>>
      tpu.enqueue_indirect_dma source(%arg18 : memref<2000xf32, #tpu.memory_space<vmem>>) target(%dma_start3A_240 : memref<100352xf32, #tpu.memory_space<vmem_shared>>) offsets(%arg24 : memref<2000xi32, #tpu.memory_space<vmem>>) semaphore(%arg39 : memref<!tpu.dma_semaphore, #tpu.memory_space<semaphore_mem>>) {add = true}
      %add3A_241 = arith.constant 2 : i32
      %add3A_242 = arith.addi %add3A_220, %add3A_241 : i32
      %mul3A_243 = arith.constant 2000 : i32
      %mul3A_244 = arith.muli %add3A_242, %mul3A_243 : i32
      %add3A_245 = arith.addi %mul3A_18, %mul3A_244 : i32
      %dma_start3A_246 = tpu.memref_slice %arg4[%add3A_245] : memref<3200000xi32, #tpu.memory_space<hbm>> -> memref<2000xi32, #tpu.memory_space<hbm>>
      %dma_start3A_247 = tpu.memref_slice %arg4[%add3A_245] : memref<3200000xi32, #tpu.memory_space<hbm>> -> memref<2000xi32, #tpu.memory_space<hbm>>
      tpu.enqueue_dma source(%dma_start3A_247 : memref<2000xi32, #tpu.memory_space<hbm>>) target(%arg19 : memref<2000xi32, #tpu.memory_space<vmem>>) target_semaphore(%arg35 : memref<!tpu.dma_semaphore, #tpu.memory_space<semaphore_mem>>)
      %dma_start3A_248 = tpu.memref_slice %arg5[%add3A_245] : memref<3200000xi32, #tpu.memory_space<hbm>> -> memref<2000xi32, #tpu.memory_space<hbm>>
      %dma_start3A_249 = tpu.memref_slice %arg5[%add3A_245] : memref<3200000xi32, #tpu.memory_space<hbm>> -> memref<2000xi32, #tpu.memory_space<hbm>>
      tpu.enqueue_dma source(%dma_start3A_249 : memref<2000xi32, #tpu.memory_space<hbm>>) target(%arg20 : memref<2000xi32, #tpu.memory_space<vmem>>) target_semaphore(%arg35 : memref<!tpu.dma_semaphore, #tpu.memory_space<semaphore_mem>>)
      %dma_start3A_250 = tpu.memref_slice %arg6[%add3A_245] : memref<3200000xf32, #tpu.memory_space<hbm>> -> memref<2000xf32, #tpu.memory_space<hbm>>
      %dma_start3A_251 = tpu.memref_slice %arg6[%add3A_245] : memref<3200000xf32, #tpu.memory_space<hbm>> -> memref<2000xf32, #tpu.memory_space<hbm>>
      tpu.enqueue_dma source(%dma_start3A_251 : memref<2000xf32, #tpu.memory_space<hbm>>) target(%arg21 : memref<2000xf32, #tpu.memory_space<vmem>>) target_semaphore(%arg35 : memref<!tpu.dma_semaphore, #tpu.memory_space<semaphore_mem>>)
      %dma_wait3A_252 = tpu.memref_slice %arg4[%mul3A_18] : memref<3200000xi32, #tpu.memory_space<hbm>> -> memref<2000xi32, #tpu.memory_space<hbm>>
      %dma_wait3A_253 = tpu.memref_slice %arg4[%mul3A_18] : memref<3200000xi32, #tpu.memory_space<hbm>> -> memref<2000xi32, #tpu.memory_space<hbm>>
      tpu.wait_dma2 semaphore(%arg36 : memref<!tpu.dma_semaphore, #tpu.memory_space<semaphore_mem>>) src(%dma_wait3A_253 : memref<2000xi32, #tpu.memory_space<hbm>>) dst(%arg27 : memref<2000xi32, #tpu.memory_space<vmem>>)
      %dma_wait3A_254 = tpu.memref_slice %arg5[%mul3A_18] : memref<3200000xi32, #tpu.memory_space<hbm>> -> memref<2000xi32, #tpu.memory_space<hbm>>
      %dma_wait3A_255 = tpu.memref_slice %arg5[%mul3A_18] : memref<3200000xi32, #tpu.memory_space<hbm>> -> memref<2000xi32, #tpu.memory_space<hbm>>
      tpu.wait_dma2 semaphore(%arg36 : memref<!tpu.dma_semaphore, #tpu.memory_space<semaphore_mem>>) src(%dma_wait3A_255 : memref<2000xi32, #tpu.memory_space<hbm>>) dst(%arg28 : memref<2000xi32, #tpu.memory_space<vmem>>)
      %dma_wait3A_256 = tpu.memref_slice %arg6[%mul3A_18] : memref<3200000xf32, #tpu.memory_space<hbm>> -> memref<2000xf32, #tpu.memory_space<hbm>>
      %dma_wait3A_257 = tpu.memref_slice %arg6[%mul3A_18] : memref<3200000xf32, #tpu.memory_space<hbm>> -> memref<2000xf32, #tpu.memory_space<hbm>>
      tpu.wait_dma2 semaphore(%arg36 : memref<!tpu.dma_semaphore, #tpu.memory_space<semaphore_mem>>) src(%dma_wait3A_257 : memref<2000xf32, #tpu.memory_space<hbm>>) dst(%arg29 : memref<2000xf32, #tpu.memory_space<vmem>>)
      %dma_wait3A_258 = arith.constant 0 : i32
      %dma_wait3A_259 = tpu.memref_slice %arg12[%dma_wait3A_258] : memref<100352xf32, #tpu.memory_space<vmem_shared>> -> memref<100352xf32, #tpu.memory_space<vmem_shared>>
      tpu.wait_indirect_dma semaphore(%arg40 : memref<!tpu.dma_semaphore, #tpu.memory_space<semaphore_mem>>) src(%arg30 : memref<2000xf32, #tpu.memory_space<vmem>>) dst(%dma_wait3A_259 : memref<100352xf32, #tpu.memory_space<vmem_shared>>)
      %dma_wait3A_260 = arith.constant 0 : i32
      %dma_wait3A_261 = tpu.memref_slice %arg13[%dma_wait3A_260] : memref<100352xf32, #tpu.memory_space<vmem_shared>> -> memref<100352xf32, #tpu.memory_space<vmem_shared>>
      tpu.wait_indirect_dma semaphore(%arg40 : memref<!tpu.dma_semaphore, #tpu.memory_space<semaphore_mem>>) src(%arg31 : memref<2000xf32, #tpu.memory_space<vmem>>) dst(%dma_wait3A_261 : memref<100352xf32, #tpu.memory_space<vmem_shared>>)
      %dma_wait3A_262 = arith.constant 0 : i32
      %dma_wait3A_263 = tpu.memref_slice %arg14[%dma_wait3A_262] : memref<100352xf32, #tpu.memory_space<vmem_shared>> -> memref<100352xf32, #tpu.memory_space<vmem_shared>>
      tpu.wait_indirect_dma semaphore(%arg40 : memref<!tpu.dma_semaphore, #tpu.memory_space<semaphore_mem>>) src(%arg33 : memref<2000xf32, #tpu.memory_space<vmem>>) dst(%dma_wait3A_263 : memref<100352xf32, #tpu.memory_space<vmem_shared>>)
      %dma_wait3A_264 = arith.constant 0 : i32
      %dma_wait3A_265 = tpu.memref_slice %arg15[%dma_wait3A_264] : memref<100352xf32, #tpu.memory_space<vmem_shared>> -> memref<100352xf32, #tpu.memory_space<vmem_shared>>
      tpu.wait_indirect_dma semaphore(%arg40 : memref<!tpu.dma_semaphore, #tpu.memory_space<semaphore_mem>>) src(%arg34 : memref<2000xf32, #tpu.memory_space<vmem>>) dst(%dma_wait3A_265 : memref<100352xf32, #tpu.memory_space<vmem_shared>>)
      %dma_wait3A_266 = arith.constant 0 : i32
      %dma_wait3A_267 = tpu.memref_slice %arg16[%dma_wait3A_266] : memref<100352xf32, #tpu.memory_space<vmem_shared>> -> memref<100352xf32, #tpu.memory_space<vmem_shared>>
      tpu.wait_indirect_dma semaphore(%arg40 : memref<!tpu.dma_semaphore, #tpu.memory_space<semaphore_mem>>) src(%arg18 : memref<2000xf32, #tpu.memory_space<vmem>>) dst(%dma_wait3A_267 : memref<100352xf32, #tpu.memory_space<vmem_shared>>)
      %dma_start3A_268 = arith.constant 0 : i32
      %dma_start3A_269 = tpu.memref_slice %arg2[%dma_start3A_268] : memref<100352xf32, #tpu.memory_space<hbm>> -> memref<100352xf32, #tpu.memory_space<hbm>>
      tpu.enqueue_indirect_dma source(%dma_start3A_269 : memref<100352xf32, #tpu.memory_space<hbm>>) target(%arg30 : memref<2000xf32, #tpu.memory_space<vmem>>) offsets(%arg27 : memref<2000xi32, #tpu.memory_space<vmem>>) semaphore(%arg38 : memref<!tpu.dma_semaphore, #tpu.memory_space<semaphore_mem>>)
      %dma_start3A_270 = arith.constant 0 : i32
      %dma_start3A_271 = tpu.memref_slice %arg3[%dma_start3A_270] : memref<100352xf32, #tpu.memory_space<hbm>> -> memref<100352xf32, #tpu.memory_space<hbm>>
      tpu.enqueue_indirect_dma source(%dma_start3A_271 : memref<100352xf32, #tpu.memory_space<hbm>>) target(%arg31 : memref<2000xf32, #tpu.memory_space<vmem>>) offsets(%arg27 : memref<2000xi32, #tpu.memory_space<vmem>>) semaphore(%arg38 : memref<!tpu.dma_semaphore, #tpu.memory_space<semaphore_mem>>)
      %add3A_272 = arith.constant 1 : i32
      %add3A_273 = arith.addi %add3A_220, %add3A_272 : i32
      %dma_wait3A_274 = arith.constant 0 : i32
      %dma_wait3A_275 = tpu.memref_slice %arg2[%dma_wait3A_274] : memref<100352xf32, #tpu.memory_space<hbm>> -> memref<100352xf32, #tpu.memory_space<hbm>>
      tpu.wait_indirect_dma semaphore(%arg38 : memref<!tpu.dma_semaphore, #tpu.memory_space<semaphore_mem>>) src(%dma_wait3A_275 : memref<100352xf32, #tpu.memory_space<hbm>>) dst(%arg30 : memref<2000xf32, #tpu.memory_space<vmem>>)
      %dma_wait3A_276 = arith.constant 0 : i32
      %dma_wait3A_277 = tpu.memref_slice %arg3[%dma_wait3A_276] : memref<100352xf32, #tpu.memory_space<hbm>> -> memref<100352xf32, #tpu.memory_space<hbm>>
      tpu.wait_indirect_dma semaphore(%arg38 : memref<!tpu.dma_semaphore, #tpu.memory_space<semaphore_mem>>) src(%dma_wait3A_277 : memref<100352xf32, #tpu.memory_space<hbm>>) dst(%arg31 : memref<2000xf32, #tpu.memory_space<vmem>>)
      %scan3A_278 = arith.constant 0 : i32
      %scan3A_279 = arith.constant 0 : i32
      %scan3A_280 = arith.constant 125 : i32
      %scan3A_281 = arith.addi %scan3A_279, %scan3A_280 : i32
      %scan3A_282 = arith.constant 1 : i32
      scf.for %scan3A_325 = %scan3A_279 to %scan3A_281 step %scan3A_282  : i32 {
        %mul3A_326 = arith.constant 16 : i32
        %mul3A_327 = arith.muli %scan3A_325, %mul3A_326 : i32
        %get3A = arith.index_cast %mul3A_327 : i32 to index
        %get3A_328 = tpu.vector_load %arg29[%get3A] {strides = array<i32>} : memref<2000xf32, #tpu.memory_space<vmem>>, vector<16xf32>,
        %get3A_329 = vector.shape_cast %get3A_328 : vector<16xf32> to vector<16xf32>
        %neg3A = arith.constant 0.000000e+00 : f32
        %neg3A_330 = vector.broadcast %neg3A : f32 to vector<16xf32>
        %neg3A_331 = arith.subf %neg3A_330, %get3A_329 : vector<16xf32>
        %get3A_332 = arith.index_cast %mul3A_327 : i32 to index
        %get3A_333 = tpu.vector_load %arg30[%get3A_332] {strides = array<i32>} : memref<2000xf32, #tpu.memory_space<vmem>>, vector<16xf32>,
        %get3A_334 = vector.shape_cast %get3A_333 : vector<16xf32> to vector<16xf32>
        %mul3A_335 = arith.mulf %neg3A_331, %get3A_334 : vector<16xf32>
        %swap3A = arith.index_cast %mul3A_327 : i32 to index
        %swap3A_336 = tpu.vector_load %arg30[%swap3A] {strides = array<i32>} : memref<2000xf32, #tpu.memory_space<vmem>>, vector<16xf32>,
        %swap3A_337 = vector.shape_cast %swap3A_336 : vector<16xf32> to vector<16xf32>
        %swap3A_338 = vector.shape_cast %mul3A_335 : vector<16xf32> to vector<16xf32>
        tpu.vector_store %arg30[%swap3A], %swap3A_338 {strides = array<i32>} : memref<2000xf32, #tpu.memory_space<vmem>>, vector<16xf32>,
        %get3A_339 = arith.index_cast %mul3A_327 : i32 to index
        %get3A_340 = tpu.vector_load %arg31[%get3A_339] {strides = array<i32>} : memref<2000xf32, #tpu.memory_space<vmem>>, vector<16xf32>,
        %get3A_341 = vector.shape_cast %get3A_340 : vector<16xf32> to vector<16xf32>
        %mul3A_342 = arith.mulf %neg3A_331, %get3A_341 : vector<16xf32>
        %swap3A_343 = arith.index_cast %mul3A_327 : i32 to index
        %swap3A_344 = tpu.vector_load %arg31[%swap3A_343] {strides = array<i32>} : memref<2000xf32, #tpu.memory_space<vmem>>, vector<16xf32>,
        %swap3A_345 = vector.shape_cast %swap3A_344 : vector<16xf32> to vector<16xf32>
        %swap3A_346 = vector.shape_cast %mul3A_342 : vector<16xf32> to vector<16xf32>
        tpu.vector_store %arg31[%swap3A_343], %swap3A_346 {strides = array<i32>} : memref<2000xf32, #tpu.memory_space<vmem>>, vector<16xf32>,
        %swap3A_347 = arith.index_cast %mul3A_327 : i32 to index
        %swap3A_348 = tpu.vector_load %arg33[%swap3A_347] {strides = array<i32>} : memref<2000xf32, #tpu.memory_space<vmem>>, vector<16xf32>,
        %swap3A_349 = vector.shape_cast %swap3A_348 : vector<16xf32> to vector<16xf32>
        %swap3A_350 = vector.shape_cast %get3A_329 : vector<16xf32> to vector<16xf32>
        tpu.vector_store %arg33[%swap3A_347], %swap3A_350 {strides = array<i32>} : memref<2000xf32, #tpu.memory_space<vmem>>, vector<16xf32>,
        %mul3A_351 = arith.mulf %get3A_329, %get3A_329 : vector<16xf32>
        %swap3A_352 = arith.index_cast %mul3A_327 : i32 to index
        %swap3A_353 = tpu.vector_load %arg34[%swap3A_352] {strides = array<i32>} : memref<2000xf32, #tpu.memory_space<vmem>>, vector<16xf32>,
        %swap3A_354 = vector.shape_cast %swap3A_353 : vector<16xf32> to vector<16xf32>
        %swap3A_355 = vector.shape_cast %mul3A_351 : vector<16xf32> to vector<16xf32>
        tpu.vector_store %arg34[%swap3A_352], %swap3A_355 {strides = array<i32>} : memref<2000xf32, #tpu.memory_space<vmem>>, vector<16xf32>,
        %get3A_356 = arith.index_cast %mul3A_327 : i32 to index
        %get3A_357 = tpu.vector_load %arg28[%get3A_356] {strides = array<i32>} : memref<2000xi32, #tpu.memory_space<vmem>>, vector<16xi32>,
        %get3A_358 = vector.shape_cast %get3A_357 : vector<16xi32> to vector<16xi32>
        %swap3A_359 = arith.index_cast %mul3A_327 : i32 to index
        %swap3A_360 = tpu.vector_load %arg32[%swap3A_359] {strides = array<i32>} : memref<2000xi32, #tpu.memory_space<vmem>>, vector<16xi32>,
        %swap3A_361 = vector.shape_cast %swap3A_360 : vector<16xi32> to vector<16xi32>
        %swap3A_362 = vector.shape_cast %get3A_358 : vector<16xi32> to vector<16xi32>
        tpu.vector_store %arg32[%swap3A_359], %swap3A_362 {strides = array<i32>} : memref<2000xi32, #tpu.memory_space<vmem>>, vector<16xi32>,
      }
      %scan3A_283 = arith.constant 125 : i32
      %dma_start3A_284 = arith.constant 0 : i32
      %dma_start3A_285 = tpu.memref_slice %arg12[%dma_start3A_284] : memref<100352xf32, #tpu.memory_space<vmem_shared>> -> memref<100352xf32, #tpu.memory_space<vmem_shared>>
      tpu.enqueue_indirect_dma source(%arg30 : memref<2000xf32, #tpu.memory_space<vmem>>) target(%dma_start3A_285 : memref<100352xf32, #tpu.memory_space<vmem_shared>>) offsets(%arg32 : memref<2000xi32, #tpu.memory_space<vmem>>) semaphore(%arg40 : memref<!tpu.dma_semaphore, #tpu.memory_space<semaphore_mem>>) {add = true}
      %dma_start3A_286 = arith.constant 0 : i32
      %dma_start3A_287 = tpu.memref_slice %arg13[%dma_start3A_286] : memref<100352xf32, #tpu.memory_space<vmem_shared>> -> memref<100352xf32, #tpu.memory_space<vmem_shared>>
      tpu.enqueue_indirect_dma source(%arg31 : memref<2000xf32, #tpu.memory_space<vmem>>) target(%dma_start3A_287 : memref<100352xf32, #tpu.memory_space<vmem_shared>>) offsets(%arg32 : memref<2000xi32, #tpu.memory_space<vmem>>) semaphore(%arg40 : memref<!tpu.dma_semaphore, #tpu.memory_space<semaphore_mem>>) {add = true}
      %dma_start3A_288 = arith.constant 0 : i32
      %dma_start3A_289 = tpu.memref_slice %arg14[%dma_start3A_288] : memref<100352xf32, #tpu.memory_space<vmem_shared>> -> memref<100352xf32, #tpu.memory_space<vmem_shared>>
      tpu.enqueue_indirect_dma source(%arg33 : memref<2000xf32, #tpu.memory_space<vmem>>) target(%dma_start3A_289 : memref<100352xf32, #tpu.memory_space<vmem_shared>>) offsets(%arg32 : memref<2000xi32, #tpu.memory_space<vmem>>) semaphore(%arg40 : memref<!tpu.dma_semaphore, #tpu.memory_space<semaphore_mem>>) {add = true}
      %dma_start3A_290 = arith.constant 0 : i32
      %dma_start3A_291 = tpu.memref_slice %arg15[%dma_start3A_290] : memref<100352xf32, #tpu.memory_space<vmem_shared>> -> memref<100352xf32, #tpu.memory_space<vmem_shared>>
      tpu.enqueue_indirect_dma source(%arg34 : memref<2000xf32, #tpu.memory_space<vmem>>) target(%dma_start3A_291 : memref<100352xf32, #tpu.memory_space<vmem_shared>>) offsets(%arg32 : memref<2000xi32, #tpu.memory_space<vmem>>) semaphore(%arg40 : memref<!tpu.dma_semaphore, #tpu.memory_space<semaphore_mem>>) {add = true}
      %dma_start3A_292 = arith.constant 0 : i32
      %dma_start3A_293 = tpu.memref_slice %arg16[%dma_start3A_292] : memref<100352xf32, #tpu.memory_space<vmem_shared>> -> memref<100352xf32, #tpu.memory_space<vmem_shared>>
      tpu.enqueue_indirect_dma source(%arg18 : memref<2000xf32, #tpu.memory_space<vmem>>) target(%dma_start3A_293 : memref<100352xf32, #tpu.memory_space<vmem_shared>>) offsets(%arg32 : memref<2000xi32, #tpu.memory_space<vmem>>) semaphore(%arg40 : memref<!tpu.dma_semaphore, #tpu.memory_space<semaphore_mem>>) {add = true}
      %add3A_294 = arith.constant 2 : i32
      %add3A_295 = arith.addi %add3A_273, %add3A_294 : i32
      %mul3A_296 = arith.constant 2000 : i32
      %mul3A_297 = arith.muli %add3A_295, %mul3A_296 : i32
      %add3A_298 = arith.addi %mul3A_18, %mul3A_297 : i32
      %dma_start3A_299 = tpu.memref_slice %arg4[%add3A_298] : memref<3200000xi32, #tpu.memory_space<hbm>> -> memref<2000xi32, #tpu.memory_space<hbm>>
      %dma_start3A_300 = tpu.memref_slice %arg4[%add3A_298] : memref<3200000xi32, #tpu.memory_space<hbm>> -> memref<2000xi32, #tpu.memory_space<hbm>>
      tpu.enqueue_dma source(%dma_start3A_300 : memref<2000xi32, #tpu.memory_space<hbm>>) target(%arg27 : memref<2000xi32, #tpu.memory_space<vmem>>) target_semaphore(%arg36 : memref<!tpu.dma_semaphore, #tpu.memory_space<semaphore_mem>>)
      %dma_start3A_301 = tpu.memref_slice %arg5[%add3A_298] : memref<3200000xi32, #tpu.memory_space<hbm>> -> memref<2000xi32, #tpu.memory_space<hbm>>
      %dma_start3A_302 = tpu.memref_slice %arg5[%add3A_298] : memref<3200000xi32, #tpu.memory_space<hbm>> -> memref<2000xi32, #tpu.memory_space<hbm>>
      tpu.enqueue_dma source(%dma_start3A_302 : memref<2000xi32, #tpu.memory_space<hbm>>) target(%arg28 : memref<2000xi32, #tpu.memory_space<vmem>>) target_semaphore(%arg36 : memref<!tpu.dma_semaphore, #tpu.memory_space<semaphore_mem>>)
      %dma_start3A_303 = tpu.memref_slice %arg6[%add3A_298] : memref<3200000xf32, #tpu.memory_space<hbm>> -> memref<2000xf32, #tpu.memory_space<hbm>>
      %dma_start3A_304 = tpu.memref_slice %arg6[%add3A_298] : memref<3200000xf32, #tpu.memory_space<hbm>> -> memref<2000xf32, #tpu.memory_space<hbm>>
      tpu.enqueue_dma source(%dma_start3A_304 : memref<2000xf32, #tpu.memory_space<hbm>>) target(%arg29 : memref<2000xf32, #tpu.memory_space<vmem>>) target_semaphore(%arg36 : memref<!tpu.dma_semaphore, #tpu.memory_space<semaphore_mem>>)
      %dma_wait3A_305 = tpu.memref_slice %arg4[%mul3A_18] : memref<3200000xi32, #tpu.memory_space<hbm>> -> memref<2000xi32, #tpu.memory_space<hbm>>
      %dma_wait3A_306 = tpu.memref_slice %arg4[%mul3A_18] : memref<3200000xi32, #tpu.memory_space<hbm>> -> memref<2000xi32, #tpu.memory_space<hbm>>
      tpu.wait_dma2 semaphore(%arg35 : memref<!tpu.dma_semaphore, #tpu.memory_space<semaphore_mem>>) src(%dma_wait3A_306 : memref<2000xi32, #tpu.memory_space<hbm>>) dst(%arg19 : memref<2000xi32, #tpu.memory_space<vmem>>)
      %dma_wait3A_307 = tpu.memref_slice %arg5[%mul3A_18] : memref<3200000xi32, #tpu.memory_space<hbm>> -> memref<2000xi32, #tpu.memory_space<hbm>>
      %dma_wait3A_308 = tpu.memref_slice %arg5[%mul3A_18] : memref<3200000xi32, #tpu.memory_space<hbm>> -> memref<2000xi32, #tpu.memory_space<hbm>>
      tpu.wait_dma2 semaphore(%arg35 : memref<!tpu.dma_semaphore, #tpu.memory_space<semaphore_mem>>) src(%dma_wait3A_308 : memref<2000xi32, #tpu.memory_space<hbm>>) dst(%arg20 : memref<2000xi32, #tpu.memory_space<vmem>>)
      %dma_wait3A_309 = tpu.memref_slice %arg6[%mul3A_18] : memref<3200000xf32, #tpu.memory_space<hbm>> -> memref<2000xf32, #tpu.memory_space<hbm>>
      %dma_wait3A_310 = tpu.memref_slice %arg6[%mul3A_18] : memref<3200000xf32, #tpu.memory_space<hbm>> -> memref<2000xf32, #tpu.memory_space<hbm>>
      tpu.wait_dma2 semaphore(%arg35 : memref<!tpu.dma_semaphore, #tpu.memory_space<semaphore_mem>>) src(%dma_wait3A_310 : memref<2000xf32, #tpu.memory_space<hbm>>) dst(%arg21 : memref<2000xf32, #tpu.memory_space<vmem>>)
      %dma_wait3A_311 = arith.constant 0 : i32
      %dma_wait3A_312 = tpu.memref_slice %arg12[%dma_wait3A_311] : memref<100352xf32, #tpu.memory_space<vmem_shared>> -> memref<100352xf32, #tpu.memory_space<vmem_shared>>
      tpu.wait_indirect_dma semaphore(%arg39 : memref<!tpu.dma_semaphore, #tpu.memory_space<semaphore_mem>>) src(%arg22 : memref<2000xf32, #tpu.memory_space<vmem>>) dst(%dma_wait3A_312 : memref<100352xf32, #tpu.memory_space<vmem_shared>>)
      %dma_wait3A_313 = arith.constant 0 : i32
      %dma_wait3A_314 = tpu.memref_slice %arg13[%dma_wait3A_313] : memref<100352xf32, #tpu.memory_space<vmem_shared>> -> memref<100352xf32, #tpu.memory_space<vmem_shared>>
      tpu.wait_indirect_dma semaphore(%arg39 : memref<!tpu.dma_semaphore, #tpu.memory_space<semaphore_mem>>) src(%arg23 : memref<2000xf32, #tpu.memory_space<vmem>>) dst(%dma_wait3A_314 : memref<100352xf32, #tpu.memory_space<vmem_shared>>)
      %dma_wait3A_315 = arith.constant 0 : i32
      %dma_wait3A_316 = tpu.memref_slice %arg14[%dma_wait3A_315] : memref<100352xf32, #tpu.memory_space<vmem_shared>> -> memref<100352xf32, #tpu.memory_space<vmem_shared>>
      tpu.wait_indirect_dma semaphore(%arg39 : memref<!tpu.dma_semaphore, #tpu.memory_space<semaphore_mem>>) src(%arg25 : memref<2000xf32, #tpu.memory_space<vmem>>) dst(%dma_wait3A_316 : memref<100352xf32, #tpu.memory_space<vmem_shared>>)
      %dma_wait3A_317 = arith.constant 0 : i32
      %dma_wait3A_318 = tpu.memref_slice %arg15[%dma_wait3A_317] : memref<100352xf32, #tpu.memory_space<vmem_shared>> -> memref<100352xf32, #tpu.memory_space<vmem_shared>>
      tpu.wait_indirect_dma semaphore(%arg39 : memref<!tpu.dma_semaphore, #tpu.memory_space<semaphore_mem>>) src(%arg26 : memref<2000xf32, #tpu.memory_space<vmem>>) dst(%dma_wait3A_318 : memref<100352xf32, #tpu.memory_space<vmem_shared>>)
      %dma_wait3A_319 = arith.constant 0 : i32
      %dma_wait3A_320 = tpu.memref_slice %arg16[%dma_wait3A_319] : memref<100352xf32, #tpu.memory_space<vmem_shared>> -> memref<100352xf32, #tpu.memory_space<vmem_shared>>
      tpu.wait_indirect_dma semaphore(%arg39 : memref<!tpu.dma_semaphore, #tpu.memory_space<semaphore_mem>>) src(%arg18 : memref<2000xf32, #tpu.memory_space<vmem>>) dst(%dma_wait3A_320 : memref<100352xf32, #tpu.memory_space<vmem_shared>>)
      %dma_start3A_321 = arith.constant 0 : i32
      %dma_start3A_322 = tpu.memref_slice %arg2[%dma_start3A_321] : memref<100352xf32, #tpu.memory_space<hbm>> -> memref<100352xf32, #tpu.memory_space<hbm>>
      tpu.enqueue_indirect_dma source(%dma_start3A_322 : memref<100352xf32, #tpu.memory_space<hbm>>) target(%arg22 : memref<2000xf32, #tpu.memory_space<vmem>>) offsets(%arg19 : memref<2000xi32, #tpu.memory_space<vmem>>) semaphore(%arg37 : memref<!tpu.dma_semaphore, #tpu.memory_space<semaphore_mem>>)
      %dma_start3A_323 = arith.constant 0 : i32
      %dma_start3A_324 = tpu.memref_slice %arg3[%dma_start3A_323] : memref<100352xf32, #tpu.memory_space<hbm>> -> memref<100352xf32, #tpu.memory_space<hbm>>
      tpu.enqueue_indirect_dma source(%dma_start3A_324 : memref<100352xf32, #tpu.memory_space<hbm>>) target(%arg23 : memref<2000xf32, #tpu.memory_space<vmem>>) offsets(%arg19 : memref<2000xi32, #tpu.memory_space<vmem>>) semaphore(%arg37 : memref<!tpu.dma_semaphore, #tpu.memory_space<semaphore_mem>>)
    }
    %scan3A_134 = arith.constant 23 : i32
    %dma_wait3A_135 = arith.constant 0 : i32
    %dma_wait3A_136 = tpu.memref_slice %arg2[%dma_wait3A_135] : memref<100352xf32, #tpu.memory_space<hbm>> -> memref<100352xf32, #tpu.memory_space<hbm>>
    tpu.wait_indirect_dma semaphore(%arg37 : memref<!tpu.dma_semaphore, #tpu.memory_space<semaphore_mem>>) src(%dma_wait3A_136 : memref<100352xf32, #tpu.memory_space<hbm>>) dst(%arg22 : memref<2000xf32, #tpu.memory_space<vmem>>)
    %dma_wait3A_137 = arith.constant 0 : i32
    %dma_wait3A_138 = tpu.memref_slice %arg3[%dma_wait3A_137] : memref<100352xf32, #tpu.memory_space<hbm>> -> memref<100352xf32, #tpu.memory_space<hbm>>
    tpu.wait_indirect_dma semaphore(%arg37 : memref<!tpu.dma_semaphore, #tpu.memory_space<semaphore_mem>>) src(%dma_wait3A_138 : memref<100352xf32, #tpu.memory_space<hbm>>) dst(%arg23 : memref<2000xf32, #tpu.memory_space<vmem>>)
    %scan3A_139 = arith.constant 0 : i32
    %scan3A_140 = arith.constant 0 : i32
    %scan3A_141 = arith.constant 125 : i32
    %scan3A_142 = arith.addi %scan3A_140, %scan3A_141 : i32
    %scan3A_143 = arith.constant 1 : i32
    scf.for %scan3A_216 = %scan3A_140 to %scan3A_142 step %scan3A_143  : i32 {
      %mul3A_217 = arith.constant 16 : i32
      %mul3A_218 = arith.muli %scan3A_216, %mul3A_217 : i32
      %get3A = arith.index_cast %mul3A_218 : i32 to index
      %get3A_219 = tpu.vector_load %arg21[%get3A] {strides = array<i32>} : memref<2000xf32, #tpu.memory_space<vmem>>, vector<16xf32>,
      %get3A_220 = vector.shape_cast %get3A_219 : vector<16xf32> to vector<16xf32>
      %neg3A = arith.constant 0.000000e+00 : f32
      %neg3A_221 = vector.broadcast %neg3A : f32 to vector<16xf32>
      %neg3A_222 = arith.subf %neg3A_221, %get3A_220 : vector<16xf32>
      %get3A_223 = arith.index_cast %mul3A_218 : i32 to index
      %get3A_224 = tpu.vector_load %arg22[%get3A_223] {strides = array<i32>} : memref<2000xf32, #tpu.memory_space<vmem>>, vector<16xf32>,
      %get3A_225 = vector.shape_cast %get3A_224 : vector<16xf32> to vector<16xf32>
      %mul3A_226 = arith.mulf %neg3A_222, %get3A_225 : vector<16xf32>
      %swap3A = arith.index_cast %mul3A_218 : i32 to index
      %swap3A_227 = tpu.vector_load %arg22[%swap3A] {strides = array<i32>} : memref<2000xf32, #tpu.memory_space<vmem>>, vector<16xf32>,
      %swap3A_228 = vector.shape_cast %swap3A_227 : vector<16xf32> to vector<16xf32>
      %swap3A_229 = vector.shape_cast %mul3A_226 : vector<16xf32> to vector<16xf32>
      tpu.vector_store %arg22[%swap3A], %swap3A_229 {strides = array<i32>} : memref<2000xf32, #tpu.memory_space<vmem>>, vector<16xf32>,
      %get3A_230 = arith.index_cast %mul3A_218 : i32 to index
      %get3A_231 = tpu.vector_load %arg23[%get3A_230] {strides = array<i32>} : memref<2000xf32, #tpu.memory_space<vmem>>, vector<16xf32>,
      %get3A_232 = vector.shape_cast %get3A_231 : vector<16xf32> to vector<16xf32>
      %mul3A_233 = arith.mulf %neg3A_222, %get3A_232 : vector<16xf32>
      %swap3A_234 = arith.index_cast %mul3A_218 : i32 to index
      %swap3A_235 = tpu.vector_load %arg23[%swap3A_234] {strides = array<i32>} : memref<2000xf32, #tpu.memory_space<vmem>>, vector<16xf32>,
      %swap3A_236 = vector.shape_cast %swap3A_235 : vector<16xf32> to vector<16xf32>
      %swap3A_237 = vector.shape_cast %mul3A_233 : vector<16xf32> to vector<16xf32>
      tpu.vector_store %arg23[%swap3A_234], %swap3A_237 {strides = array<i32>} : memref<2000xf32, #tpu.memory_space<vmem>>, vector<16xf32>,
      %swap3A_238 = arith.index_cast %mul3A_218 : i32 to index
      %swap3A_239 = tpu.vector_load %arg25[%swap3A_238] {strides = array<i32>} : memref<2000xf32, #tpu.memory_space<vmem>>, vector<16xf32>,
      %swap3A_240 = vector.shape_cast %swap3A_239 : vector<16xf32> to vector<16xf32>
      %swap3A_241 = vector.shape_cast %get3A_220 : vector<16xf32> to vector<16xf32>
      tpu.vector_store %arg25[%swap3A_238], %swap3A_241 {strides = array<i32>} : memref<2000xf32, #tpu.memory_space<vmem>>, vector<16xf32>,
      %mul3A_242 = arith.mulf %get3A_220, %get3A_220 : vector<16xf32>
      %swap3A_243 = arith.index_cast %mul3A_218 : i32 to index
      %swap3A_244 = tpu.vector_load %arg26[%swap3A_243] {strides = array<i32>} : memref<2000xf32, #tpu.memory_space<vmem>>, vector<16xf32>,
      %swap3A_245 = vector.shape_cast %swap3A_244 : vector<16xf32> to vector<16xf32>
      %swap3A_246 = vector.shape_cast %mul3A_242 : vector<16xf32> to vector<16xf32>
      tpu.vector_store %arg26[%swap3A_243], %swap3A_246 {strides = array<i32>} : memref<2000xf32, #tpu.memory_space<vmem>>, vector<16xf32>,
      %get3A_247 = arith.index_cast %mul3A_218 : i32 to index
      %get3A_248 = tpu.vector_load %arg20[%get3A_247] {strides = array<i32>} : memref<2000xi32, #tpu.memory_space<vmem>>, vector<16xi32>,
      %get3A_249 = vector.shape_cast %get3A_248 : vector<16xi32> to vector<16xi32>
      %swap3A_250 = arith.index_cast %mul3A_218 : i32 to index
      %swap3A_251 = tpu.vector_load %arg24[%swap3A_250] {strides = array<i32>} : memref<2000xi32, #tpu.memory_space<vmem>>, vector<16xi32>,
      %swap3A_252 = vector.shape_cast %swap3A_251 : vector<16xi32> to vector<16xi32>
      %swap3A_253 = vector.shape_cast %get3A_249 : vector<16xi32> to vector<16xi32>
      tpu.vector_store %arg24[%swap3A_250], %swap3A_253 {strides = array<i32>} : memref<2000xi32, #tpu.memory_space<vmem>>, vector<16xi32>,
    }
    %scan3A_144 = arith.constant 125 : i32
    %dma_start3A_145 = arith.constant 0 : i32
    %dma_start3A_146 = tpu.memref_slice %arg12[%dma_start3A_145] : memref<100352xf32, #tpu.memory_space<vmem_shared>> -> memref<100352xf32, #tpu.memory_space<vmem_shared>>
    tpu.enqueue_indirect_dma source(%arg22 : memref<2000xf32, #tpu.memory_space<vmem>>) target(%dma_start3A_146 : memref<100352xf32, #tpu.memory_space<vmem_shared>>) offsets(%arg24 : memref<2000xi32, #tpu.memory_space<vmem>>) semaphore(%arg39 : memref<!tpu.dma_semaphore, #tpu.memory_space<semaphore_mem>>) {add = true}
    %dma_start3A_147 = arith.constant 0 : i32
    %dma_start3A_148 = tpu.memref_slice %arg13[%dma_start3A_147] : memref<100352xf32, #tpu.memory_space<vmem_shared>> -> memref<100352xf32, #tpu.memory_space<vmem_shared>>
    tpu.enqueue_indirect_dma source(%arg23 : memref<2000xf32, #tpu.memory_space<vmem>>) target(%dma_start3A_148 : memref<100352xf32, #tpu.memory_space<vmem_shared>>) offsets(%arg24 : memref<2000xi32, #tpu.memory_space<vmem>>) semaphore(%arg39 : memref<!tpu.dma_semaphore, #tpu.memory_space<semaphore_mem>>) {add = true}
    %dma_start3A_149 = arith.constant 0 : i32
    %dma_start3A_150 = tpu.memref_slice %arg14[%dma_start3A_149] : memref<100352xf32, #tpu.memory_space<vmem_shared>> -> memref<100352xf32, #tpu.memory_space<vmem_shared>>
    tpu.enqueue_indirect_dma source(%arg25 : memref<2000xf32, #tpu.memory_space<vmem>>) target(%dma_start3A_150 : memref<100352xf32, #tpu.memory_space<vmem_shared>>) offsets(%arg24 : memref<2000xi32, #tpu.memory_space<vmem>>) semaphore(%arg39 : memref<!tpu.dma_semaphore, #tpu.memory_space<semaphore_mem>>) {add = true}
    %dma_start3A_151 = arith.constant 0 : i32
    %dma_start3A_152 = tpu.memref_slice %arg15[%dma_start3A_151] : memref<100352xf32, #tpu.memory_space<vmem_shared>> -> memref<100352xf32, #tpu.memory_space<vmem_shared>>
    tpu.enqueue_indirect_dma source(%arg26 : memref<2000xf32, #tpu.memory_space<vmem>>) target(%dma_start3A_152 : memref<100352xf32, #tpu.memory_space<vmem_shared>>) offsets(%arg24 : memref<2000xi32, #tpu.memory_space<vmem>>) semaphore(%arg39 : memref<!tpu.dma_semaphore, #tpu.memory_space<semaphore_mem>>) {add = true}
    %dma_start3A_153 = arith.constant 0 : i32
    %dma_start3A_154 = tpu.memref_slice %arg16[%dma_start3A_153] : memref<100352xf32, #tpu.memory_space<vmem_shared>> -> memref<100352xf32, #tpu.memory_space<vmem_shared>>
    tpu.enqueue_indirect_dma source(%arg18 : memref<2000xf32, #tpu.memory_space<vmem>>) target(%dma_start3A_154 : memref<100352xf32, #tpu.memory_space<vmem_shared>>) offsets(%arg24 : memref<2000xi32, #tpu.memory_space<vmem>>) semaphore(%arg39 : memref<!tpu.dma_semaphore, #tpu.memory_space<semaphore_mem>>) {add = true}
    %dma_wait3A_155 = tpu.memref_slice %arg4[%mul3A_18] : memref<3200000xi32, #tpu.memory_space<hbm>> -> memref<2000xi32, #tpu.memory_space<hbm>>
    %dma_wait3A_156 = tpu.memref_slice %arg4[%mul3A_18] : memref<3200000xi32, #tpu.memory_space<hbm>> -> memref<2000xi32, #tpu.memory_space<hbm>>
    tpu.wait_dma2 semaphore(%arg36 : memref<!tpu.dma_semaphore, #tpu.memory_space<semaphore_mem>>) src(%dma_wait3A_156 : memref<2000xi32, #tpu.memory_space<hbm>>) dst(%arg27 : memref<2000xi32, #tpu.memory_space<vmem>>)
    %dma_wait3A_157 = tpu.memref_slice %arg5[%mul3A_18] : memref<3200000xi32, #tpu.memory_space<hbm>> -> memref<2000xi32, #tpu.memory_space<hbm>>
    %dma_wait3A_158 = tpu.memref_slice %arg5[%mul3A_18] : memref<3200000xi32, #tpu.memory_space<hbm>> -> memref<2000xi32, #tpu.memory_space<hbm>>
    tpu.wait_dma2 semaphore(%arg36 : memref<!tpu.dma_semaphore, #tpu.memory_space<semaphore_mem>>) src(%dma_wait3A_158 : memref<2000xi32, #tpu.memory_space<hbm>>) dst(%arg28 : memref<2000xi32, #tpu.memory_space<vmem>>)
    %dma_wait3A_159 = tpu.memref_slice %arg6[%mul3A_18] : memref<3200000xf32, #tpu.memory_space<hbm>> -> memref<2000xf32, #tpu.memory_space<hbm>>
    %dma_wait3A_160 = tpu.memref_slice %arg6[%mul3A_18] : memref<3200000xf32, #tpu.memory_space<hbm>> -> memref<2000xf32, #tpu.memory_space<hbm>>
    tpu.wait_dma2 semaphore(%arg36 : memref<!tpu.dma_semaphore, #tpu.memory_space<semaphore_mem>>) src(%dma_wait3A_160 : memref<2000xf32, #tpu.memory_space<hbm>>) dst(%arg29 : memref<2000xf32, #tpu.memory_space<vmem>>)
    %dma_wait3A_161 = arith.constant 0 : i32
    %dma_wait3A_162 = tpu.memref_slice %arg12[%dma_wait3A_161] : memref<100352xf32, #tpu.memory_space<vmem_shared>> -> memref<100352xf32, #tpu.memory_space<vmem_shared>>
    tpu.wait_indirect_dma semaphore(%arg40 : memref<!tpu.dma_semaphore, #tpu.memory_space<semaphore_mem>>) src(%arg30 : memref<2000xf32, #tpu.memory_space<vmem>>) dst(%dma_wait3A_162 : memref<100352xf32, #tpu.memory_space<vmem_shared>>)
    %dma_wait3A_163 = arith.constant 0 : i32
    %dma_wait3A_164 = tpu.memref_slice %arg13[%dma_wait3A_163] : memref<100352xf32, #tpu.memory_space<vmem_shared>> -> memref<100352xf32, #tpu.memory_space<vmem_shared>>
    tpu.wait_indirect_dma semaphore(%arg40 : memref<!tpu.dma_semaphore, #tpu.memory_space<semaphore_mem>>) src(%arg31 : memref<2000xf32, #tpu.memory_space<vmem>>) dst(%dma_wait3A_164 : memref<100352xf32, #tpu.memory_space<vmem_shared>>)
    %dma_wait3A_165 = arith.constant 0 : i32
    %dma_wait3A_166 = tpu.memref_slice %arg14[%dma_wait3A_165] : memref<100352xf32, #tpu.memory_space<vmem_shared>> -> memref<100352xf32, #tpu.memory_space<vmem_shared>>
    tpu.wait_indirect_dma semaphore(%arg40 : memref<!tpu.dma_semaphore, #tpu.memory_space<semaphore_mem>>) src(%arg33 : memref<2000xf32, #tpu.memory_space<vmem>>) dst(%dma_wait3A_166 : memref<100352xf32, #tpu.memory_space<vmem_shared>>)
    %dma_wait3A_167 = arith.constant 0 : i32
    %dma_wait3A_168 = tpu.memref_slice %arg15[%dma_wait3A_167] : memref<100352xf32, #tpu.memory_space<vmem_shared>> -> memref<100352xf32, #tpu.memory_space<vmem_shared>>
    tpu.wait_indirect_dma semaphore(%arg40 : memref<!tpu.dma_semaphore, #tpu.memory_space<semaphore_mem>>) src(%arg34 : memref<2000xf32, #tpu.memory_space<vmem>>) dst(%dma_wait3A_168 : memref<100352xf32, #tpu.memory_space<vmem_shared>>)
    %dma_wait3A_169 = arith.constant 0 : i32
    %dma_wait3A_170 = tpu.memref_slice %arg16[%dma_wait3A_169] : memref<100352xf32, #tpu.memory_space<vmem_shared>> -> memref<100352xf32, #tpu.memory_space<vmem_shared>>
    tpu.wait_indirect_dma semaphore(%arg40 : memref<!tpu.dma_semaphore, #tpu.memory_space<semaphore_mem>>) src(%arg18 : memref<2000xf32, #tpu.memory_space<vmem>>) dst(%dma_wait3A_170 : memref<100352xf32, #tpu.memory_space<vmem_shared>>)
    %dma_start3A_171 = arith.constant 0 : i32
    %dma_start3A_172 = tpu.memref_slice %arg2[%dma_start3A_171] : memref<100352xf32, #tpu.memory_space<hbm>> -> memref<100352xf32, #tpu.memory_space<hbm>>
    tpu.enqueue_indirect_dma source(%dma_start3A_172 : memref<100352xf32, #tpu.memory_space<hbm>>) target(%arg30 : memref<2000xf32, #tpu.memory_space<vmem>>) offsets(%arg27 : memref<2000xi32, #tpu.memory_space<vmem>>) semaphore(%arg38 : memref<!tpu.dma_semaphore, #tpu.memory_space<semaphore_mem>>)
    %dma_start3A_173 = arith.constant 0 : i32
    %dma_start3A_174 = tpu.memref_slice %arg3[%dma_start3A_173] : memref<100352xf32, #tpu.memory_space<hbm>> -> memref<100352xf32, #tpu.memory_space<hbm>>
    tpu.enqueue_indirect_dma source(%dma_start3A_174 : memref<100352xf32, #tpu.memory_space<hbm>>) target(%arg31 : memref<2000xf32, #tpu.memory_space<vmem>>) offsets(%arg27 : memref<2000xi32, #tpu.memory_space<vmem>>) semaphore(%arg38 : memref<!tpu.dma_semaphore, #tpu.memory_space<semaphore_mem>>)
    %dma_wait3A_175 = arith.constant 0 : i32
    %dma_wait3A_176 = tpu.memref_slice %arg2[%dma_wait3A_175] : memref<100352xf32, #tpu.memory_space<hbm>> -> memref<100352xf32, #tpu.memory_space<hbm>>
    tpu.wait_indirect_dma semaphore(%arg38 : memref<!tpu.dma_semaphore, #tpu.memory_space<semaphore_mem>>) src(%dma_wait3A_176 : memref<100352xf32, #tpu.memory_space<hbm>>) dst(%arg30 : memref<2000xf32, #tpu.memory_space<vmem>>)
    %dma_wait3A_177 = arith.constant 0 : i32
    %dma_wait3A_178 = tpu.memref_slice %arg3[%dma_wait3A_177] : memref<100352xf32, #tpu.memory_space<hbm>> -> memref<100352xf32, #tpu.memory_space<hbm>>
    tpu.wait_indirect_dma semaphore(%arg38 : memref<!tpu.dma_semaphore, #tpu.memory_space<semaphore_mem>>) src(%dma_wait3A_178 : memref<100352xf32, #tpu.memory_space<hbm>>) dst(%arg31 : memref<2000xf32, #tpu.memory_space<vmem>>)
    %scan3A_179 = arith.constant 0 : i32
    %scan3A_180 = arith.constant 0 : i32
    %scan3A_181 = arith.constant 125 : i32
    %scan3A_182 = arith.addi %scan3A_180, %scan3A_181 : i32
    %scan3A_183 = arith.constant 1 : i32
    scf.for %scan3A_216 = %scan3A_180 to %scan3A_182 step %scan3A_183  : i32 {
      %mul3A_217 = arith.constant 16 : i32
      %mul3A_218 = arith.muli %scan3A_216, %mul3A_217 : i32
      %get3A = arith.index_cast %mul3A_218 : i32 to index
      %get3A_219 = tpu.vector_load %arg29[%get3A] {strides = array<i32>} : memref<2000xf32, #tpu.memory_space<vmem>>, vector<16xf32>,
      %get3A_220 = vector.shape_cast %get3A_219 : vector<16xf32> to vector<16xf32>
      %neg3A = arith.constant 0.000000e+00 : f32
      %neg3A_221 = vector.broadcast %neg3A : f32 to vector<16xf32>
      %neg3A_222 = arith.subf %neg3A_221, %get3A_220 : vector<16xf32>
      %get3A_223 = arith.index_cast %mul3A_218 : i32 to index
      %get3A_224 = tpu.vector_load %arg30[%get3A_223] {strides = array<i32>} : memref<2000xf32, #tpu.memory_space<vmem>>, vector<16xf32>,
      %get3A_225 = vector.shape_cast %get3A_224 : vector<16xf32> to vector<16xf32>
      %mul3A_226 = arith.mulf %neg3A_222, %get3A_225 : vector<16xf32>
      %swap3A = arith.index_cast %mul3A_218 : i32 to index
      %swap3A_227 = tpu.vector_load %arg30[%swap3A] {strides = array<i32>} : memref<2000xf32, #tpu.memory_space<vmem>>, vector<16xf32>,
      %swap3A_228 = vector.shape_cast %swap3A_227 : vector<16xf32> to vector<16xf32>
      %swap3A_229 = vector.shape_cast %mul3A_226 : vector<16xf32> to vector<16xf32>
      tpu.vector_store %arg30[%swap3A], %swap3A_229 {strides = array<i32>} : memref<2000xf32, #tpu.memory_space<vmem>>, vector<16xf32>,
      %get3A_230 = arith.index_cast %mul3A_218 : i32 to index
      %get3A_231 = tpu.vector_load %arg31[%get3A_230] {strides = array<i32>} : memref<2000xf32, #tpu.memory_space<vmem>>, vector<16xf32>,
      %get3A_232 = vector.shape_cast %get3A_231 : vector<16xf32> to vector<16xf32>
      %mul3A_233 = arith.mulf %neg3A_222, %get3A_232 : vector<16xf32>
      %swap3A_234 = arith.index_cast %mul3A_218 : i32 to index
      %swap3A_235 = tpu.vector_load %arg31[%swap3A_234] {strides = array<i32>} : memref<2000xf32, #tpu.memory_space<vmem>>, vector<16xf32>,
      %swap3A_236 = vector.shape_cast %swap3A_235 : vector<16xf32> to vector<16xf32>
      %swap3A_237 = vector.shape_cast %mul3A_233 : vector<16xf32> to vector<16xf32>
      tpu.vector_store %arg31[%swap3A_234], %swap3A_237 {strides = array<i32>} : memref<2000xf32, #tpu.memory_space<vmem>>, vector<16xf32>,
      %swap3A_238 = arith.index_cast %mul3A_218 : i32 to index
      %swap3A_239 = tpu.vector_load %arg33[%swap3A_238] {strides = array<i32>} : memref<2000xf32, #tpu.memory_space<vmem>>, vector<16xf32>,
      %swap3A_240 = vector.shape_cast %swap3A_239 : vector<16xf32> to vector<16xf32>
      %swap3A_241 = vector.shape_cast %get3A_220 : vector<16xf32> to vector<16xf32>
      tpu.vector_store %arg33[%swap3A_238], %swap3A_241 {strides = array<i32>} : memref<2000xf32, #tpu.memory_space<vmem>>, vector<16xf32>,
      %mul3A_242 = arith.mulf %get3A_220, %get3A_220 : vector<16xf32>
      %swap3A_243 = arith.index_cast %mul3A_218 : i32 to index
      %swap3A_244 = tpu.vector_load %arg34[%swap3A_243] {strides = array<i32>} : memref<2000xf32, #tpu.memory_space<vmem>>, vector<16xf32>,
      %swap3A_245 = vector.shape_cast %swap3A_244 : vector<16xf32> to vector<16xf32>
      %swap3A_246 = vector.shape_cast %mul3A_242 : vector<16xf32> to vector<16xf32>
      tpu.vector_store %arg34[%swap3A_243], %swap3A_246 {strides = array<i32>} : memref<2000xf32, #tpu.memory_space<vmem>>, vector<16xf32>,
      %get3A_247 = arith.index_cast %mul3A_218 : i32 to index
      %get3A_248 = tpu.vector_load %arg28[%get3A_247] {strides = array<i32>} : memref<2000xi32, #tpu.memory_space<vmem>>, vector<16xi32>,
      %get3A_249 = vector.shape_cast %get3A_248 : vector<16xi32> to vector<16xi32>
      %swap3A_250 = arith.index_cast %mul3A_218 : i32 to index
      %swap3A_251 = tpu.vector_load %arg32[%swap3A_250] {strides = array<i32>} : memref<2000xi32, #tpu.memory_space<vmem>>, vector<16xi32>,
      %swap3A_252 = vector.shape_cast %swap3A_251 : vector<16xi32> to vector<16xi32>
      %swap3A_253 = vector.shape_cast %get3A_249 : vector<16xi32> to vector<16xi32>
      tpu.vector_store %arg32[%swap3A_250], %swap3A_253 {strides = array<i32>} : memref<2000xi32, #tpu.memory_space<vmem>>, vector<16xi32>,
    }
    %scan3A_184 = arith.constant 125 : i32
    %dma_start3A_185 = arith.constant 0 : i32
    %dma_start3A_186 = tpu.memref_slice %arg12[%dma_start3A_185] : memref<100352xf32, #tpu.memory_space<vmem_shared>> -> memref<100352xf32, #tpu.memory_space<vmem_shared>>
    tpu.enqueue_indirect_dma source(%arg30 : memref<2000xf32, #tpu.memory_space<vmem>>) target(%dma_start3A_186 : memref<100352xf32, #tpu.memory_space<vmem_shared>>) offsets(%arg32 : memref<2000xi32, #tpu.memory_space<vmem>>) semaphore(%arg40 : memref<!tpu.dma_semaphore, #tpu.memory_space<semaphore_mem>>) {add = true}
    %dma_start3A_187 = arith.constant 0 : i32
    %dma_start3A_188 = tpu.memref_slice %arg13[%dma_start3A_187] : memref<100352xf32, #tpu.memory_space<vmem_shared>> -> memref<100352xf32, #tpu.memory_space<vmem_shared>>
    tpu.enqueue_indirect_dma source(%arg31 : memref<2000xf32, #tpu.memory_space<vmem>>) target(%dma_start3A_188 : memref<100352xf32, #tpu.memory_space<vmem_shared>>) offsets(%arg32 : memref<2000xi32, #tpu.memory_space<vmem>>) semaphore(%arg40 : memref<!tpu.dma_semaphore, #tpu.memory_space<semaphore_mem>>) {add = true}
    %dma_start3A_189 = arith.constant 0 : i32
    %dma_start3A_190 = tpu.memref_slice %arg14[%dma_start3A_189] : memref<100352xf32, #tpu.memory_space<vmem_shared>> -> memref<100352xf32, #tpu.memory_space<vmem_shared>>
    tpu.enqueue_indirect_dma source(%arg33 : memref<2000xf32, #tpu.memory_space<vmem>>) target(%dma_start3A_190 : memref<100352xf32, #tpu.memory_space<vmem_shared>>) offsets(%arg32 : memref<2000xi32, #tpu.memory_space<vmem>>) semaphore(%arg40 : memref<!tpu.dma_semaphore, #tpu.memory_space<semaphore_mem>>) {add = true}
    %dma_start3A_191 = arith.constant 0 : i32
    %dma_start3A_192 = tpu.memref_slice %arg15[%dma_start3A_191] : memref<100352xf32, #tpu.memory_space<vmem_shared>> -> memref<100352xf32, #tpu.memory_space<vmem_shared>>
    tpu.enqueue_indirect_dma source(%arg34 : memref<2000xf32, #tpu.memory_space<vmem>>) target(%dma_start3A_192 : memref<100352xf32, #tpu.memory_space<vmem_shared>>) offsets(%arg32 : memref<2000xi32, #tpu.memory_space<vmem>>) semaphore(%arg40 : memref<!tpu.dma_semaphore, #tpu.memory_space<semaphore_mem>>) {add = true}
    %dma_start3A_193 = arith.constant 0 : i32
    %dma_start3A_194 = tpu.memref_slice %arg16[%dma_start3A_193] : memref<100352xf32, #tpu.memory_space<vmem_shared>> -> memref<100352xf32, #tpu.memory_space<vmem_shared>>
    tpu.enqueue_indirect_dma source(%arg18 : memref<2000xf32, #tpu.memory_space<vmem>>) target(%dma_start3A_194 : memref<100352xf32, #tpu.memory_space<vmem_shared>>) offsets(%arg32 : memref<2000xi32, #tpu.memory_space<vmem>>) semaphore(%arg40 : memref<!tpu.dma_semaphore, #tpu.memory_space<semaphore_mem>>) {add = true}
    %dma_wait3A_195 = arith.constant 0 : i32
    %dma_wait3A_196 = tpu.memref_slice %arg12[%dma_wait3A_195] : memref<100352xf32, #tpu.memory_space<vmem_shared>> -> memref<100352xf32, #tpu.memory_space<vmem_shared>>
    tpu.wait_indirect_dma semaphore(%arg39 : memref<!tpu.dma_semaphore, #tpu.memory_space<semaphore_mem>>) src(%arg22 : memref<2000xf32, #tpu.memory_space<vmem>>) dst(%dma_wait3A_196 : memref<100352xf32, #tpu.memory_space<vmem_shared>>)
    %dma_wait3A_197 = arith.constant 0 : i32
    %dma_wait3A_198 = tpu.memref_slice %arg13[%dma_wait3A_197] : memref<100352xf32, #tpu.memory_space<vmem_shared>> -> memref<100352xf32, #tpu.memory_space<vmem_shared>>
    tpu.wait_indirect_dma semaphore(%arg39 : memref<!tpu.dma_semaphore, #tpu.memory_space<semaphore_mem>>) src(%arg23 : memref<2000xf32, #tpu.memory_space<vmem>>) dst(%dma_wait3A_198 : memref<100352xf32, #tpu.memory_space<vmem_shared>>)
    %dma_wait3A_199 = arith.constant 0 : i32
    %dma_wait3A_200 = tpu.memref_slice %arg14[%dma_wait3A_199] : memref<100352xf32, #tpu.memory_space<vmem_shared>> -> memref<100352xf32, #tpu.memory_space<vmem_shared>>
    tpu.wait_indirect_dma semaphore(%arg39 : memref<!tpu.dma_semaphore, #tpu.memory_space<semaphore_mem>>) src(%arg25 : memref<2000xf32, #tpu.memory_space<vmem>>) dst(%dma_wait3A_200 : memref<100352xf32, #tpu.memory_space<vmem_shared>>)
    %dma_wait3A_201 = arith.constant 0 : i32
    %dma_wait3A_202 = tpu.memref_slice %arg15[%dma_wait3A_201] : memref<100352xf32, #tpu.memory_space<vmem_shared>> -> memref<100352xf32, #tpu.memory_space<vmem_shared>>
    tpu.wait_indirect_dma semaphore(%arg39 : memref<!tpu.dma_semaphore, #tpu.memory_space<semaphore_mem>>) src(%arg26 : memref<2000xf32, #tpu.memory_space<vmem>>) dst(%dma_wait3A_202 : memref<100352xf32, #tpu.memory_space<vmem_shared>>)
    %dma_wait3A_203 = arith.constant 0 : i32
    %dma_wait3A_204 = tpu.memref_slice %arg16[%dma_wait3A_203] : memref<100352xf32, #tpu.memory_space<vmem_shared>> -> memref<100352xf32, #tpu.memory_space<vmem_shared>>
    tpu.wait_indirect_dma semaphore(%arg39 : memref<!tpu.dma_semaphore, #tpu.memory_space<semaphore_mem>>) src(%arg18 : memref<2000xf32, #tpu.memory_space<vmem>>) dst(%dma_wait3A_204 : memref<100352xf32, #tpu.memory_space<vmem_shared>>)
    %dma_wait3A_205 = arith.constant 0 : i32
    %dma_wait3A_206 = tpu.memref_slice %arg12[%dma_wait3A_205] : memref<100352xf32, #tpu.memory_space<vmem_shared>> -> memref<100352xf32, #tpu.memory_space<vmem_shared>>
    tpu.wait_indirect_dma semaphore(%arg40 : memref<!tpu.dma_semaphore, #tpu.memory_space<semaphore_mem>>) src(%arg30 : memref<2000xf32, #tpu.memory_space<vmem>>) dst(%dma_wait3A_206 : memref<100352xf32, #tpu.memory_space<vmem_shared>>)
    %dma_wait3A_207 = arith.constant 0 : i32
    %dma_wait3A_208 = tpu.memref_slice %arg13[%dma_wait3A_207] : memref<100352xf32, #tpu.memory_space<vmem_shared>> -> memref<100352xf32, #tpu.memory_space<vmem_shared>>
    tpu.wait_indirect_dma semaphore(%arg40 : memref<!tpu.dma_semaphore, #tpu.memory_space<semaphore_mem>>) src(%arg31 : memref<2000xf32, #tpu.memory_space<vmem>>) dst(%dma_wait3A_208 : memref<100352xf32, #tpu.memory_space<vmem_shared>>)
    %dma_wait3A_209 = arith.constant 0 : i32
    %dma_wait3A_210 = tpu.memref_slice %arg14[%dma_wait3A_209] : memref<100352xf32, #tpu.memory_space<vmem_shared>> -> memref<100352xf32, #tpu.memory_space<vmem_shared>>
    tpu.wait_indirect_dma semaphore(%arg40 : memref<!tpu.dma_semaphore, #tpu.memory_space<semaphore_mem>>) src(%arg33 : memref<2000xf32, #tpu.memory_space<vmem>>) dst(%dma_wait3A_210 : memref<100352xf32, #tpu.memory_space<vmem_shared>>)
    %dma_wait3A_211 = arith.constant 0 : i32
    %dma_wait3A_212 = tpu.memref_slice %arg15[%dma_wait3A_211] : memref<100352xf32, #tpu.memory_space<vmem_shared>> -> memref<100352xf32, #tpu.memory_space<vmem_shared>>
    tpu.wait_indirect_dma semaphore(%arg40 : memref<!tpu.dma_semaphore, #tpu.memory_space<semaphore_mem>>) src(%arg34 : memref<2000xf32, #tpu.memory_space<vmem>>) dst(%dma_wait3A_212 : memref<100352xf32, #tpu.memory_space<vmem_shared>>)
    %dma_wait3A_213 = arith.constant 0 : i32
    %dma_wait3A_214 = tpu.memref_slice %arg16[%dma_wait3A_213] : memref<100352xf32, #tpu.memory_space<vmem_shared>> -> memref<100352xf32, #tpu.memory_space<vmem_shared>>
    tpu.wait_indirect_dma semaphore(%arg40 : memref<!tpu.dma_semaphore, #tpu.memory_space<semaphore_mem>>) src(%arg18 : memref<2000xf32, #tpu.memory_space<vmem>>) dst(%dma_wait3A_214 : memref<100352xf32, #tpu.memory_space<vmem_shared>>)
    %barrier3A_215 = arith.constant 0 : index
    tpu.barrier barrier_id(%barrier3A_215)
    "tpu.region"() ({
      %run_scoped3A = tpu.sem_alloc : memref<!tpu.dma_semaphore, #tpu.memory_space<semaphore_mem>>
      %dma_start3A_216 = tpu.memref_slice %arg7[%arg0, %mul3A_2] : memref<2x100352xf32, #tpu.memory_space<hbm>> -> memref<1x6272xf32, #tpu.memory_space<hbm>>
      %dma_start3A_217 = tpu.memref_squeeze %dma_start3A_216 : memref<1x6272xf32, #tpu.memory_space<hbm>> -> memref<6272xf32, #tpu.memory_space<hbm>>
      %dma_start3A_218 = tpu.memref_slice %arg12[%mul3A_2] : memref<100352xf32, #tpu.memory_space<vmem_shared>> -> memref<6272xf32, #tpu.memory_space<vmem_shared>>
      tpu.enqueue_dma source(%dma_start3A_218 : memref<6272xf32, #tpu.memory_space<vmem_shared>>) target(%dma_start3A_217 : memref<6272xf32, #tpu.memory_space<hbm>>) target_semaphore(%run_scoped3A : memref<!tpu.dma_semaphore, #tpu.memory_space<semaphore_mem>>)
      %dma_wait3A_219 = tpu.memref_slice %arg7[%arg0, %mul3A_2] : memref<2x100352xf32, #tpu.memory_space<hbm>> -> memref<1x6272xf32, #tpu.memory_space<hbm>>
      %dma_wait3A_220 = tpu.memref_squeeze %dma_wait3A_219 : memref<1x6272xf32, #tpu.memory_space<hbm>> -> memref<6272xf32, #tpu.memory_space<hbm>>
      %dma_wait3A_221 = tpu.memref_slice %arg12[%mul3A_2] : memref<100352xf32, #tpu.memory_space<vmem_shared>> -> memref<6272xf32, #tpu.memory_space<vmem_shared>>
      tpu.wait_dma2 semaphore(%run_scoped3A : memref<!tpu.dma_semaphore, #tpu.memory_space<semaphore_mem>>) src(%dma_wait3A_221 : memref<6272xf32, #tpu.memory_space<vmem_shared>>) dst(%dma_wait3A_220 : memref<6272xf32, #tpu.memory_space<hbm>>)
      tpu.yield
    }) : () -> ()
    "tpu.region"() ({
      %run_scoped3A = tpu.sem_alloc : memref<!tpu.dma_semaphore, #tpu.memory_space<semaphore_mem>>
      %dma_start3A_216 = tpu.memref_slice %arg8[%arg0, %mul3A_2] : memref<2x100352xf32, #tpu.memory_space<hbm>> -> memref<1x6272xf32, #tpu.memory_space<hbm>>
      %dma_start3A_217 = tpu.memref_squeeze %dma_start3A_216 : memref<1x6272xf32, #tpu.memory_space<hbm>> -> memref<6272xf32, #tpu.memory_space<hbm>>
      %dma_start3A_218 = tpu.memref_slice %arg13[%mul3A_2] : memref<100352xf32, #tpu.memory_space<vmem_shared>> -> memref<6272xf32, #tpu.memory_space<vmem_shared>>
      tpu.enqueue_dma source(%dma_start3A_218 : memref<6272xf32, #tpu.memory_space<vmem_shared>>) target(%dma_start3A_217 : memref<6272xf32, #tpu.memory_space<hbm>>) target_semaphore(%run_scoped3A : memref<!tpu.dma_semaphore, #tpu.memory_space<semaphore_mem>>)
      %dma_wait3A_219 = tpu.memref_slice %arg8[%arg0, %mul3A_2] : memref<2x100352xf32, #tpu.memory_space<hbm>> -> memref<1x6272xf32, #tpu.memory_space<hbm>>
      %dma_wait3A_220 = tpu.memref_squeeze %dma_wait3A_219 : memref<1x6272xf32, #tpu.memory_space<hbm>> -> memref<6272xf32, #tpu.memory_space<hbm>>
      %dma_wait3A_221 = tpu.memref_slice %arg13[%mul3A_2] : memref<100352xf32, #tpu.memory_space<vmem_shared>> -> memref<6272xf32, #tpu.memory_space<vmem_shared>>
      tpu.wait_dma2 semaphore(%run_scoped3A : memref<!tpu.dma_semaphore, #tpu.memory_space<semaphore_mem>>) src(%dma_wait3A_221 : memref<6272xf32, #tpu.memory_space<vmem_shared>>) dst(%dma_wait3A_220 : memref<6272xf32, #tpu.memory_space<hbm>>)
      tpu.yield
    }) : () -> ()
    "tpu.region"() ({
      %run_scoped3A = tpu.sem_alloc : memref<!tpu.dma_semaphore, #tpu.memory_space<semaphore_mem>>
      %dma_start3A_216 = tpu.memref_slice %arg9[%arg0, %mul3A_2] : memref<2x100352xf32, #tpu.memory_space<hbm>> -> memref<1x6272xf32, #tpu.memory_space<hbm>>
      %dma_start3A_217 = tpu.memref_squeeze %dma_start3A_216 : memref<1x6272xf32, #tpu.memory_space<hbm>> -> memref<6272xf32, #tpu.memory_space<hbm>>
      %dma_start3A_218 = tpu.memref_slice %arg14[%mul3A_2] : memref<100352xf32, #tpu.memory_space<vmem_shared>> -> memref<6272xf32, #tpu.memory_space<vmem_shared>>
      tpu.enqueue_dma source(%dma_start3A_218 : memref<6272xf32, #tpu.memory_space<vmem_shared>>) target(%dma_start3A_217 : memref<6272xf32, #tpu.memory_space<hbm>>) target_semaphore(%run_scoped3A : memref<!tpu.dma_semaphore, #tpu.memory_space<semaphore_mem>>)
      %dma_wait3A_219 = tpu.memref_slice %arg9[%arg0, %mul3A_2] : memref<2x100352xf32, #tpu.memory_space<hbm>> -> memref<1x6272xf32, #tpu.memory_space<hbm>>
      %dma_wait3A_220 = tpu.memref_squeeze %dma_wait3A_219 : memref<1x6272xf32, #tpu.memory_space<hbm>> -> memref<6272xf32, #tpu.memory_space<hbm>>
      %dma_wait3A_221 = tpu.memref_slice %arg14[%mul3A_2] : memref<100352xf32, #tpu.memory_space<vmem_shared>> -> memref<6272xf32, #tpu.memory_space<vmem_shared>>
      tpu.wait_dma2 semaphore(%run_scoped3A : memref<!tpu.dma_semaphore, #tpu.memory_space<semaphore_mem>>) src(%dma_wait3A_221 : memref<6272xf32, #tpu.memory_space<vmem_shared>>) dst(%dma_wait3A_220 : memref<6272xf32, #tpu.memory_space<hbm>>)
      tpu.yield
    }) : () -> ()
    "tpu.region"() ({
      %run_scoped3A = tpu.sem_alloc : memref<!tpu.dma_semaphore, #tpu.memory_space<semaphore_mem>>
      %dma_start3A_216 = tpu.memref_slice %arg10[%arg0, %mul3A_2] : memref<2x100352xf32, #tpu.memory_space<hbm>> -> memref<1x6272xf32, #tpu.memory_space<hbm>>
      %dma_start3A_217 = tpu.memref_squeeze %dma_start3A_216 : memref<1x6272xf32, #tpu.memory_space<hbm>> -> memref<6272xf32, #tpu.memory_space<hbm>>
      %dma_start3A_218 = tpu.memref_slice %arg15[%mul3A_2] : memref<100352xf32, #tpu.memory_space<vmem_shared>> -> memref<6272xf32, #tpu.memory_space<vmem_shared>>
      tpu.enqueue_dma source(%dma_start3A_218 : memref<6272xf32, #tpu.memory_space<vmem_shared>>) target(%dma_start3A_217 : memref<6272xf32, #tpu.memory_space<hbm>>) target_semaphore(%run_scoped3A : memref<!tpu.dma_semaphore, #tpu.memory_space<semaphore_mem>>)
      %dma_wait3A_219 = tpu.memref_slice %arg10[%arg0, %mul3A_2] : memref<2x100352xf32, #tpu.memory_space<hbm>> -> memref<1x6272xf32, #tpu.memory_space<hbm>>
      %dma_wait3A_220 = tpu.memref_squeeze %dma_wait3A_219 : memref<1x6272xf32, #tpu.memory_space<hbm>> -> memref<6272xf32, #tpu.memory_space<hbm>>
      %dma_wait3A_221 = tpu.memref_slice %arg15[%mul3A_2] : memref<100352xf32, #tpu.memory_space<vmem_shared>> -> memref<6272xf32, #tpu.memory_space<vmem_shared>>
      tpu.wait_dma2 semaphore(%run_scoped3A : memref<!tpu.dma_semaphore, #tpu.memory_space<semaphore_mem>>) src(%dma_wait3A_221 : memref<6272xf32, #tpu.memory_space<vmem_shared>>) dst(%dma_wait3A_220 : memref<6272xf32, #tpu.memory_space<hbm>>)
      tpu.yield
    }) : () -> ()
    "tpu.region"() ({
      %run_scoped3A = tpu.sem_alloc : memref<!tpu.dma_semaphore, #tpu.memory_space<semaphore_mem>>
      %dma_start3A_216 = tpu.memref_slice %arg11[%arg0, %mul3A_2] : memref<2x100352xf32, #tpu.memory_space<hbm>> -> memref<1x6272xf32, #tpu.memory_space<hbm>>
      %dma_start3A_217 = tpu.memref_squeeze %dma_start3A_216 : memref<1x6272xf32, #tpu.memory_space<hbm>> -> memref<6272xf32, #tpu.memory_space<hbm>>
      %dma_start3A_218 = tpu.memref_slice %arg16[%mul3A_2] : memref<100352xf32, #tpu.memory_space<vmem_shared>> -> memref<6272xf32, #tpu.memory_space<vmem_shared>>
      tpu.enqueue_dma source(%dma_start3A_218 : memref<6272xf32, #tpu.memory_space<vmem_shared>>) target(%dma_start3A_217 : memref<6272xf32, #tpu.memory_space<hbm>>) target_semaphore(%run_scoped3A : memref<!tpu.dma_semaphore, #tpu.memory_space<semaphore_mem>>)
      %dma_wait3A_219 = tpu.memref_slice %arg11[%arg0, %mul3A_2] : memref<2x100352xf32, #tpu.memory_space<hbm>> -> memref<1x6272xf32, #tpu.memory_space<hbm>>
      %dma_wait3A_220 = tpu.memref_squeeze %dma_wait3A_219 : memref<1x6272xf32, #tpu.memory_space<hbm>> -> memref<6272xf32, #tpu.memory_space<hbm>>
      %dma_wait3A_221 = tpu.memref_slice %arg16[%mul3A_2] : memref<100352xf32, #tpu.memory_space<vmem_shared>> -> memref<6272xf32, #tpu.memory_space<vmem_shared>>
      tpu.wait_dma2 semaphore(%run_scoped3A : memref<!tpu.dma_semaphore, #tpu.memory_space<semaphore_mem>>) src(%dma_wait3A_221 : memref<6272xf32, #tpu.memory_space<vmem_shared>>) dst(%dma_wait3A_220 : memref<6272xf32, #tpu.memory_space<hbm>>)
      tpu.yield
    }) : () -> ()
    return
  }
}

#map = affine_map<(d0, d1) -> (0)>
#map1 = affine_map<(d0, d1) -> (0, 0)>
module attributes {stable_mosaic.version = 14 : i64} {
  func.func @body(%arg0: i32, %arg1: i32, %arg2: memref<100000xf32, #tpu.memory_space<hbm>>, %arg3: memref<100000xf32, #tpu.memory_space<hbm>>, %arg4: memref<3200000xi32, #tpu.memory_space<hbm>>, %arg5: memref<3200000xi32, #tpu.memory_space<hbm>>, %arg6: memref<3200000xf32, #tpu.memory_space<hbm>>, %arg7: memref<2x100352xf32, #tpu.memory_space<hbm>>, %arg8: memref<2x100352xf32, #tpu.memory_space<hbm>>, %arg9: memref<100352xf32, #tpu.memory_space<vmem_shared>>, %arg10: memref<100352xf32, #tpu.memory_space<vmem_shared>>, %arg11: memref<6272xf32, #tpu.memory_space<vmem>>, %arg12: memref<2000xi32, #tpu.memory_space<vmem>>, %arg13: memref<2000xi32, #tpu.memory_space<vmem>>, %arg14: memref<2000xf32, #tpu.memory_space<vmem>>, %arg15: memref<2000xf32, #tpu.memory_space<vmem>>, %arg16: memref<2000xf32, #tpu.memory_space<vmem>>, %arg17: memref<2000xi32, #tpu.memory_space<vmem>>, %arg18: memref<2000xi32, #tpu.memory_space<vmem>>, %arg19: memref<2000xi32, #tpu.memory_space<vmem>>, %arg20: memref<2000xf32, #tpu.memory_space<vmem>>, %arg21: memref<2000xf32, #tpu.memory_space<vmem>>, %arg22: memref<2000xf32, #tpu.memory_space<vmem>>, %arg23: memref<2000xi32, #tpu.memory_space<vmem>>, %arg24: memref<!tpu.dma_semaphore, #tpu.memory_space<semaphore_mem>>, %arg25: memref<!tpu.dma_semaphore, #tpu.memory_space<semaphore_mem>>, %arg26: memref<!tpu.dma_semaphore, #tpu.memory_space<semaphore_mem>>, %arg27: memref<!tpu.dma_semaphore, #tpu.memory_space<semaphore_mem>>, %arg28: memref<!tpu.dma_semaphore, #tpu.memory_space<semaphore_mem>>, %arg29: memref<!tpu.dma_semaphore, #tpu.memory_space<semaphore_mem>>) attributes {dimension_semantics = [#tpu.dimension_semantics<core_parallel>, #tpu.dimension_semantics<subcore_parallel>], iteration_bounds = array<i64: 2, 16>, scalar_prefetch = 0 : i64, scratch_operands = 21 : i64, tpu.core_type = #tpu.core_type<sc_vector_subcore>, window_params = [{transform_indices = #map}, {transform_indices = #map}, {transform_indices = #map}, {transform_indices = #map}, {transform_indices = #map}, {transform_indices = #map1}, {transform_indices = #map1}]} {
    %mul3A = arith.constant 16 : i32
    %mul3A_0 = arith.muli %arg0, %mul3A : i32
    %add3A = arith.addi %mul3A_0, %arg1 : i32
    %mul3A_1 = arith.constant 6272 : i32
    %mul3A_2 = arith.muli %arg1, %mul3A_1 : i32
    %broadcast_in_dim3A = arith.constant 0.000000e+00 : f32
    %broadcast_in_dim3A_3 = vector.broadcast %broadcast_in_dim3A : f32 to vector<16xf32>
    %scan3A = arith.constant 0 : i32
    %scan3A_4 = arith.constant 0 : i32
    %scan3A_5 = arith.constant 392 : i32
    %scan3A_6 = arith.addi %scan3A_4, %scan3A_5 : i32
    %scan3A_7 = arith.constant 1 : i32
    scf.for %scan3A_160 = %scan3A_4 to %scan3A_6 step %scan3A_7  : i32 {
      %mul3A_161 = arith.constant 16 : i32
      %mul3A_162 = arith.muli %scan3A_160, %mul3A_161 : i32
      %swap3A = arith.index_cast %mul3A_162 : i32 to index
      %swap3A_163 = tpu.vector_load %arg11[%swap3A] {strides = array<i32>} : memref<6272xf32, #tpu.memory_space<vmem>>, vector<16xf32>,
      %swap3A_164 = vector.shape_cast %swap3A_163 : vector<16xf32> to vector<16xf32>
      %swap3A_165 = vector.shape_cast %broadcast_in_dim3A_3 : vector<16xf32> to vector<16xf32>
      tpu.vector_store %arg11[%swap3A], %swap3A_165 {strides = array<i32>} : memref<6272xf32, #tpu.memory_space<vmem>>, vector<16xf32>,
    }
    %scan3A_8 = arith.constant 392 : i32
    "tpu.region"() ({
      %run_scoped3A = tpu.sem_alloc : memref<!tpu.dma_semaphore, #tpu.memory_space<semaphore_mem>>
      %dma_start3A_160 = tpu.memref_slice %arg9[%mul3A_2] : memref<100352xf32, #tpu.memory_space<vmem_shared>> -> memref<6272xf32, #tpu.memory_space<vmem_shared>>
      %dma_start3A_161 = tpu.memref_slice %arg9[%mul3A_2] : memref<100352xf32, #tpu.memory_space<vmem_shared>> -> memref<6272xf32, #tpu.memory_space<vmem_shared>>
      tpu.enqueue_dma source(%arg11 : memref<6272xf32, #tpu.memory_space<vmem>>) target(%dma_start3A_161 : memref<6272xf32, #tpu.memory_space<vmem_shared>>) target_semaphore(%run_scoped3A : memref<!tpu.dma_semaphore, #tpu.memory_space<semaphore_mem>>)
      %dma_wait3A_162 = tpu.memref_slice %arg9[%mul3A_2] : memref<100352xf32, #tpu.memory_space<vmem_shared>> -> memref<6272xf32, #tpu.memory_space<vmem_shared>>
      %dma_wait3A_163 = tpu.memref_slice %arg9[%mul3A_2] : memref<100352xf32, #tpu.memory_space<vmem_shared>> -> memref<6272xf32, #tpu.memory_space<vmem_shared>>
      tpu.wait_dma2 semaphore(%run_scoped3A : memref<!tpu.dma_semaphore, #tpu.memory_space<semaphore_mem>>) src(%arg11 : memref<6272xf32, #tpu.memory_space<vmem>>) dst(%dma_wait3A_163 : memref<6272xf32, #tpu.memory_space<vmem_shared>>)
      tpu.yield
    }) : () -> ()
    "tpu.region"() ({
      %run_scoped3A = tpu.sem_alloc : memref<!tpu.dma_semaphore, #tpu.memory_space<semaphore_mem>>
      %dma_start3A_160 = tpu.memref_slice %arg10[%mul3A_2] : memref<100352xf32, #tpu.memory_space<vmem_shared>> -> memref<6272xf32, #tpu.memory_space<vmem_shared>>
      %dma_start3A_161 = tpu.memref_slice %arg10[%mul3A_2] : memref<100352xf32, #tpu.memory_space<vmem_shared>> -> memref<6272xf32, #tpu.memory_space<vmem_shared>>
      tpu.enqueue_dma source(%arg11 : memref<6272xf32, #tpu.memory_space<vmem>>) target(%dma_start3A_161 : memref<6272xf32, #tpu.memory_space<vmem_shared>>) target_semaphore(%run_scoped3A : memref<!tpu.dma_semaphore, #tpu.memory_space<semaphore_mem>>)
      %dma_wait3A_162 = tpu.memref_slice %arg10[%mul3A_2] : memref<100352xf32, #tpu.memory_space<vmem_shared>> -> memref<6272xf32, #tpu.memory_space<vmem_shared>>
      %dma_wait3A_163 = tpu.memref_slice %arg10[%mul3A_2] : memref<100352xf32, #tpu.memory_space<vmem_shared>> -> memref<6272xf32, #tpu.memory_space<vmem_shared>>
      tpu.wait_dma2 semaphore(%run_scoped3A : memref<!tpu.dma_semaphore, #tpu.memory_space<semaphore_mem>>) src(%arg11 : memref<6272xf32, #tpu.memory_space<vmem>>) dst(%dma_wait3A_163 : memref<6272xf32, #tpu.memory_space<vmem_shared>>)
      tpu.yield
    }) : () -> ()
    %barrier3A = arith.constant 0 : index
    tpu.barrier barrier_id(%barrier3A)
    %mul3A_9 = arith.constant 100000 : i32
    %mul3A_10 = arith.muli %add3A, %mul3A_9 : i32
    %add3A_11 = arith.constant 0 : i32
    %add3A_12 = arith.addi %mul3A_10, %add3A_11 : i32
    %dma_start3A = tpu.memref_slice %arg4[%add3A_12] : memref<3200000xi32, #tpu.memory_space<hbm>> -> memref<2000xi32, #tpu.memory_space<hbm>>
    %dma_start3A_13 = tpu.memref_slice %arg4[%add3A_12] : memref<3200000xi32, #tpu.memory_space<hbm>> -> memref<2000xi32, #tpu.memory_space<hbm>>
    tpu.enqueue_dma source(%dma_start3A_13 : memref<2000xi32, #tpu.memory_space<hbm>>) target(%arg12 : memref<2000xi32, #tpu.memory_space<vmem>>) target_semaphore(%arg24 : memref<!tpu.dma_semaphore, #tpu.memory_space<semaphore_mem>>)
    %dma_start3A_14 = tpu.memref_slice %arg5[%add3A_12] : memref<3200000xi32, #tpu.memory_space<hbm>> -> memref<2000xi32, #tpu.memory_space<hbm>>
    %dma_start3A_15 = tpu.memref_slice %arg5[%add3A_12] : memref<3200000xi32, #tpu.memory_space<hbm>> -> memref<2000xi32, #tpu.memory_space<hbm>>
    tpu.enqueue_dma source(%dma_start3A_15 : memref<2000xi32, #tpu.memory_space<hbm>>) target(%arg13 : memref<2000xi32, #tpu.memory_space<vmem>>) target_semaphore(%arg24 : memref<!tpu.dma_semaphore, #tpu.memory_space<semaphore_mem>>)
    %dma_start3A_16 = tpu.memref_slice %arg6[%add3A_12] : memref<3200000xf32, #tpu.memory_space<hbm>> -> memref<2000xf32, #tpu.memory_space<hbm>>
    %dma_start3A_17 = tpu.memref_slice %arg6[%add3A_12] : memref<3200000xf32, #tpu.memory_space<hbm>> -> memref<2000xf32, #tpu.memory_space<hbm>>
    tpu.enqueue_dma source(%dma_start3A_17 : memref<2000xf32, #tpu.memory_space<hbm>>) target(%arg14 : memref<2000xf32, #tpu.memory_space<vmem>>) target_semaphore(%arg24 : memref<!tpu.dma_semaphore, #tpu.memory_space<semaphore_mem>>)
    %dma_wait3A = tpu.memref_slice %arg4[%mul3A_10] : memref<3200000xi32, #tpu.memory_space<hbm>> -> memref<2000xi32, #tpu.memory_space<hbm>>
    %dma_wait3A_18 = tpu.memref_slice %arg4[%mul3A_10] : memref<3200000xi32, #tpu.memory_space<hbm>> -> memref<2000xi32, #tpu.memory_space<hbm>>
    tpu.wait_dma2 semaphore(%arg24 : memref<!tpu.dma_semaphore, #tpu.memory_space<semaphore_mem>>) src(%dma_wait3A_18 : memref<2000xi32, #tpu.memory_space<hbm>>) dst(%arg12 : memref<2000xi32, #tpu.memory_space<vmem>>)
    %dma_wait3A_19 = tpu.memref_slice %arg5[%mul3A_10] : memref<3200000xi32, #tpu.memory_space<hbm>> -> memref<2000xi32, #tpu.memory_space<hbm>>
    %dma_wait3A_20 = tpu.memref_slice %arg5[%mul3A_10] : memref<3200000xi32, #tpu.memory_space<hbm>> -> memref<2000xi32, #tpu.memory_space<hbm>>
    tpu.wait_dma2 semaphore(%arg24 : memref<!tpu.dma_semaphore, #tpu.memory_space<semaphore_mem>>) src(%dma_wait3A_20 : memref<2000xi32, #tpu.memory_space<hbm>>) dst(%arg13 : memref<2000xi32, #tpu.memory_space<vmem>>)
    %dma_wait3A_21 = tpu.memref_slice %arg6[%mul3A_10] : memref<3200000xf32, #tpu.memory_space<hbm>> -> memref<2000xf32, #tpu.memory_space<hbm>>
    %dma_wait3A_22 = tpu.memref_slice %arg6[%mul3A_10] : memref<3200000xf32, #tpu.memory_space<hbm>> -> memref<2000xf32, #tpu.memory_space<hbm>>
    tpu.wait_dma2 semaphore(%arg24 : memref<!tpu.dma_semaphore, #tpu.memory_space<semaphore_mem>>) src(%dma_wait3A_22 : memref<2000xf32, #tpu.memory_space<hbm>>) dst(%arg14 : memref<2000xf32, #tpu.memory_space<vmem>>)
    %dma_start3A_23 = arith.constant 0 : i32
    %dma_start3A_24 = tpu.memref_slice %arg2[%dma_start3A_23] : memref<100000xf32, #tpu.memory_space<hbm>> -> memref<100000xf32, #tpu.memory_space<hbm>>
    tpu.enqueue_indirect_dma source(%dma_start3A_24 : memref<100000xf32, #tpu.memory_space<hbm>>) target(%arg15 : memref<2000xf32, #tpu.memory_space<vmem>>) offsets(%arg12 : memref<2000xi32, #tpu.memory_space<vmem>>) semaphore(%arg26 : memref<!tpu.dma_semaphore, #tpu.memory_space<semaphore_mem>>)
    %dma_start3A_25 = arith.constant 0 : i32
    %dma_start3A_26 = tpu.memref_slice %arg3[%dma_start3A_25] : memref<100000xf32, #tpu.memory_space<hbm>> -> memref<100000xf32, #tpu.memory_space<hbm>>
    tpu.enqueue_indirect_dma source(%dma_start3A_26 : memref<100000xf32, #tpu.memory_space<hbm>>) target(%arg16 : memref<2000xf32, #tpu.memory_space<vmem>>) offsets(%arg12 : memref<2000xi32, #tpu.memory_space<vmem>>) semaphore(%arg26 : memref<!tpu.dma_semaphore, #tpu.memory_space<semaphore_mem>>)
    %add3A_27 = arith.constant 2000 : i32
    %add3A_28 = arith.addi %mul3A_10, %add3A_27 : i32
    %dma_start3A_29 = tpu.memref_slice %arg4[%add3A_28] : memref<3200000xi32, #tpu.memory_space<hbm>> -> memref<2000xi32, #tpu.memory_space<hbm>>
    %dma_start3A_30 = tpu.memref_slice %arg4[%add3A_28] : memref<3200000xi32, #tpu.memory_space<hbm>> -> memref<2000xi32, #tpu.memory_space<hbm>>
    tpu.enqueue_dma source(%dma_start3A_30 : memref<2000xi32, #tpu.memory_space<hbm>>) target(%arg18 : memref<2000xi32, #tpu.memory_space<vmem>>) target_semaphore(%arg25 : memref<!tpu.dma_semaphore, #tpu.memory_space<semaphore_mem>>)
    %dma_start3A_31 = tpu.memref_slice %arg5[%add3A_28] : memref<3200000xi32, #tpu.memory_space<hbm>> -> memref<2000xi32, #tpu.memory_space<hbm>>
    %dma_start3A_32 = tpu.memref_slice %arg5[%add3A_28] : memref<3200000xi32, #tpu.memory_space<hbm>> -> memref<2000xi32, #tpu.memory_space<hbm>>
    tpu.enqueue_dma source(%dma_start3A_32 : memref<2000xi32, #tpu.memory_space<hbm>>) target(%arg19 : memref<2000xi32, #tpu.memory_space<vmem>>) target_semaphore(%arg25 : memref<!tpu.dma_semaphore, #tpu.memory_space<semaphore_mem>>)
    %dma_start3A_33 = tpu.memref_slice %arg6[%add3A_28] : memref<3200000xf32, #tpu.memory_space<hbm>> -> memref<2000xf32, #tpu.memory_space<hbm>>
    %dma_start3A_34 = tpu.memref_slice %arg6[%add3A_28] : memref<3200000xf32, #tpu.memory_space<hbm>> -> memref<2000xf32, #tpu.memory_space<hbm>>
    tpu.enqueue_dma source(%dma_start3A_34 : memref<2000xf32, #tpu.memory_space<hbm>>) target(%arg20 : memref<2000xf32, #tpu.memory_space<vmem>>) target_semaphore(%arg25 : memref<!tpu.dma_semaphore, #tpu.memory_space<semaphore_mem>>)
    %dma_wait3A_35 = arith.constant 0 : i32
    %dma_wait3A_36 = tpu.memref_slice %arg2[%dma_wait3A_35] : memref<100000xf32, #tpu.memory_space<hbm>> -> memref<100000xf32, #tpu.memory_space<hbm>>
    tpu.wait_indirect_dma semaphore(%arg26 : memref<!tpu.dma_semaphore, #tpu.memory_space<semaphore_mem>>) src(%dma_wait3A_36 : memref<100000xf32, #tpu.memory_space<hbm>>) dst(%arg15 : memref<2000xf32, #tpu.memory_space<vmem>>)
    %dma_wait3A_37 = arith.constant 0 : i32
    %dma_wait3A_38 = tpu.memref_slice %arg3[%dma_wait3A_37] : memref<100000xf32, #tpu.memory_space<hbm>> -> memref<100000xf32, #tpu.memory_space<hbm>>
    tpu.wait_indirect_dma semaphore(%arg26 : memref<!tpu.dma_semaphore, #tpu.memory_space<semaphore_mem>>) src(%dma_wait3A_38 : memref<100000xf32, #tpu.memory_space<hbm>>) dst(%arg16 : memref<2000xf32, #tpu.memory_space<vmem>>)
    %scan3A_39 = arith.constant 0 : i32
    %scan3A_40 = arith.constant 0 : i32
    %scan3A_41 = arith.constant 125 : i32
    %scan3A_42 = arith.addi %scan3A_40, %scan3A_41 : i32
    %scan3A_43 = arith.constant 1 : i32
    scf.for %scan3A_160 = %scan3A_40 to %scan3A_42 step %scan3A_43  : i32 {
      %mul3A_161 = arith.constant 16 : i32
      %mul3A_162 = arith.muli %scan3A_160, %mul3A_161 : i32
      %get3A = arith.index_cast %mul3A_162 : i32 to index
      %get3A_163 = tpu.vector_load %arg14[%get3A] {strides = array<i32>} : memref<2000xf32, #tpu.memory_space<vmem>>, vector<16xf32>,
      %get3A_164 = vector.shape_cast %get3A_163 : vector<16xf32> to vector<16xf32>
      %neg3A = arith.constant 0.000000e+00 : f32
      %neg3A_165 = vector.broadcast %neg3A : f32 to vector<16xf32>
      %neg3A_166 = arith.subf %neg3A_165, %get3A_164 : vector<16xf32>
      %get3A_167 = arith.index_cast %mul3A_162 : i32 to index
      %get3A_168 = tpu.vector_load %arg15[%get3A_167] {strides = array<i32>} : memref<2000xf32, #tpu.memory_space<vmem>>, vector<16xf32>,
      %get3A_169 = vector.shape_cast %get3A_168 : vector<16xf32> to vector<16xf32>
      %mul3A_170 = arith.mulf %neg3A_166, %get3A_169 : vector<16xf32>
      %swap3A = arith.index_cast %mul3A_162 : i32 to index
      %swap3A_171 = tpu.vector_load %arg15[%swap3A] {strides = array<i32>} : memref<2000xf32, #tpu.memory_space<vmem>>, vector<16xf32>,
      %swap3A_172 = vector.shape_cast %swap3A_171 : vector<16xf32> to vector<16xf32>
      %swap3A_173 = vector.shape_cast %mul3A_170 : vector<16xf32> to vector<16xf32>
      tpu.vector_store %arg15[%swap3A], %swap3A_173 {strides = array<i32>} : memref<2000xf32, #tpu.memory_space<vmem>>, vector<16xf32>,
      %get3A_174 = arith.index_cast %mul3A_162 : i32 to index
      %get3A_175 = tpu.vector_load %arg16[%get3A_174] {strides = array<i32>} : memref<2000xf32, #tpu.memory_space<vmem>>, vector<16xf32>,
      %get3A_176 = vector.shape_cast %get3A_175 : vector<16xf32> to vector<16xf32>
      %mul3A_177 = arith.mulf %neg3A_166, %get3A_176 : vector<16xf32>
      %swap3A_178 = arith.index_cast %mul3A_162 : i32 to index
      %swap3A_179 = tpu.vector_load %arg16[%swap3A_178] {strides = array<i32>} : memref<2000xf32, #tpu.memory_space<vmem>>, vector<16xf32>,
      %swap3A_180 = vector.shape_cast %swap3A_179 : vector<16xf32> to vector<16xf32>
      %swap3A_181 = vector.shape_cast %mul3A_177 : vector<16xf32> to vector<16xf32>
      tpu.vector_store %arg16[%swap3A_178], %swap3A_181 {strides = array<i32>} : memref<2000xf32, #tpu.memory_space<vmem>>, vector<16xf32>,
      %get3A_182 = arith.index_cast %mul3A_162 : i32 to index
      %get3A_183 = tpu.vector_load %arg13[%get3A_182] {strides = array<i32>} : memref<2000xi32, #tpu.memory_space<vmem>>, vector<16xi32>,
      %get3A_184 = vector.shape_cast %get3A_183 : vector<16xi32> to vector<16xi32>
      %swap3A_185 = arith.index_cast %mul3A_162 : i32 to index
      %swap3A_186 = tpu.vector_load %arg17[%swap3A_185] {strides = array<i32>} : memref<2000xi32, #tpu.memory_space<vmem>>, vector<16xi32>,
      %swap3A_187 = vector.shape_cast %swap3A_186 : vector<16xi32> to vector<16xi32>
      %swap3A_188 = vector.shape_cast %get3A_184 : vector<16xi32> to vector<16xi32>
      tpu.vector_store %arg17[%swap3A_185], %swap3A_188 {strides = array<i32>} : memref<2000xi32, #tpu.memory_space<vmem>>, vector<16xi32>,
    }
    %scan3A_44 = arith.constant 125 : i32
    %dma_start3A_45 = arith.constant 0 : i32
    %dma_start3A_46 = tpu.memref_slice %arg9[%dma_start3A_45] : memref<100352xf32, #tpu.memory_space<vmem_shared>> -> memref<100352xf32, #tpu.memory_space<vmem_shared>>
    tpu.enqueue_indirect_dma source(%arg15 : memref<2000xf32, #tpu.memory_space<vmem>>) target(%dma_start3A_46 : memref<100352xf32, #tpu.memory_space<vmem_shared>>) offsets(%arg17 : memref<2000xi32, #tpu.memory_space<vmem>>) semaphore(%arg28 : memref<!tpu.dma_semaphore, #tpu.memory_space<semaphore_mem>>) {add = true}
    %dma_start3A_47 = arith.constant 0 : i32
    %dma_start3A_48 = tpu.memref_slice %arg10[%dma_start3A_47] : memref<100352xf32, #tpu.memory_space<vmem_shared>> -> memref<100352xf32, #tpu.memory_space<vmem_shared>>
    tpu.enqueue_indirect_dma source(%arg16 : memref<2000xf32, #tpu.memory_space<vmem>>) target(%dma_start3A_48 : memref<100352xf32, #tpu.memory_space<vmem_shared>>) offsets(%arg17 : memref<2000xi32, #tpu.memory_space<vmem>>) semaphore(%arg28 : memref<!tpu.dma_semaphore, #tpu.memory_space<semaphore_mem>>) {add = true}
    %add3A_49 = arith.constant 4000 : i32
    %add3A_50 = arith.addi %mul3A_10, %add3A_49 : i32
    %dma_start3A_51 = tpu.memref_slice %arg4[%add3A_50] : memref<3200000xi32, #tpu.memory_space<hbm>> -> memref<2000xi32, #tpu.memory_space<hbm>>
    %dma_start3A_52 = tpu.memref_slice %arg4[%add3A_50] : memref<3200000xi32, #tpu.memory_space<hbm>> -> memref<2000xi32, #tpu.memory_space<hbm>>
    tpu.enqueue_dma source(%dma_start3A_52 : memref<2000xi32, #tpu.memory_space<hbm>>) target(%arg12 : memref<2000xi32, #tpu.memory_space<vmem>>) target_semaphore(%arg24 : memref<!tpu.dma_semaphore, #tpu.memory_space<semaphore_mem>>)
    %dma_start3A_53 = tpu.memref_slice %arg5[%add3A_50] : memref<3200000xi32, #tpu.memory_space<hbm>> -> memref<2000xi32, #tpu.memory_space<hbm>>
    %dma_start3A_54 = tpu.memref_slice %arg5[%add3A_50] : memref<3200000xi32, #tpu.memory_space<hbm>> -> memref<2000xi32, #tpu.memory_space<hbm>>
    tpu.enqueue_dma source(%dma_start3A_54 : memref<2000xi32, #tpu.memory_space<hbm>>) target(%arg13 : memref<2000xi32, #tpu.memory_space<vmem>>) target_semaphore(%arg24 : memref<!tpu.dma_semaphore, #tpu.memory_space<semaphore_mem>>)
    %dma_start3A_55 = tpu.memref_slice %arg6[%add3A_50] : memref<3200000xf32, #tpu.memory_space<hbm>> -> memref<2000xf32, #tpu.memory_space<hbm>>
    %dma_start3A_56 = tpu.memref_slice %arg6[%add3A_50] : memref<3200000xf32, #tpu.memory_space<hbm>> -> memref<2000xf32, #tpu.memory_space<hbm>>
    tpu.enqueue_dma source(%dma_start3A_56 : memref<2000xf32, #tpu.memory_space<hbm>>) target(%arg14 : memref<2000xf32, #tpu.memory_space<vmem>>) target_semaphore(%arg24 : memref<!tpu.dma_semaphore, #tpu.memory_space<semaphore_mem>>)
    %dma_wait3A_57 = tpu.memref_slice %arg4[%mul3A_10] : memref<3200000xi32, #tpu.memory_space<hbm>> -> memref<2000xi32, #tpu.memory_space<hbm>>
    %dma_wait3A_58 = tpu.memref_slice %arg4[%mul3A_10] : memref<3200000xi32, #tpu.memory_space<hbm>> -> memref<2000xi32, #tpu.memory_space<hbm>>
    tpu.wait_dma2 semaphore(%arg25 : memref<!tpu.dma_semaphore, #tpu.memory_space<semaphore_mem>>) src(%dma_wait3A_58 : memref<2000xi32, #tpu.memory_space<hbm>>) dst(%arg18 : memref<2000xi32, #tpu.memory_space<vmem>>)
    %dma_wait3A_59 = tpu.memref_slice %arg5[%mul3A_10] : memref<3200000xi32, #tpu.memory_space<hbm>> -> memref<2000xi32, #tpu.memory_space<hbm>>
    %dma_wait3A_60 = tpu.memref_slice %arg5[%mul3A_10] : memref<3200000xi32, #tpu.memory_space<hbm>> -> memref<2000xi32, #tpu.memory_space<hbm>>
    tpu.wait_dma2 semaphore(%arg25 : memref<!tpu.dma_semaphore, #tpu.memory_space<semaphore_mem>>) src(%dma_wait3A_60 : memref<2000xi32, #tpu.memory_space<hbm>>) dst(%arg19 : memref<2000xi32, #tpu.memory_space<vmem>>)
    %dma_wait3A_61 = tpu.memref_slice %arg6[%mul3A_10] : memref<3200000xf32, #tpu.memory_space<hbm>> -> memref<2000xf32, #tpu.memory_space<hbm>>
    %dma_wait3A_62 = tpu.memref_slice %arg6[%mul3A_10] : memref<3200000xf32, #tpu.memory_space<hbm>> -> memref<2000xf32, #tpu.memory_space<hbm>>
    tpu.wait_dma2 semaphore(%arg25 : memref<!tpu.dma_semaphore, #tpu.memory_space<semaphore_mem>>) src(%dma_wait3A_62 : memref<2000xf32, #tpu.memory_space<hbm>>) dst(%arg20 : memref<2000xf32, #tpu.memory_space<vmem>>)
    %dma_start3A_63 = arith.constant 0 : i32
    %dma_start3A_64 = tpu.memref_slice %arg2[%dma_start3A_63] : memref<100000xf32, #tpu.memory_space<hbm>> -> memref<100000xf32, #tpu.memory_space<hbm>>
    tpu.enqueue_indirect_dma source(%dma_start3A_64 : memref<100000xf32, #tpu.memory_space<hbm>>) target(%arg21 : memref<2000xf32, #tpu.memory_space<vmem>>) offsets(%arg18 : memref<2000xi32, #tpu.memory_space<vmem>>) semaphore(%arg27 : memref<!tpu.dma_semaphore, #tpu.memory_space<semaphore_mem>>)
    %dma_start3A_65 = arith.constant 0 : i32
    %dma_start3A_66 = tpu.memref_slice %arg3[%dma_start3A_65] : memref<100000xf32, #tpu.memory_space<hbm>> -> memref<100000xf32, #tpu.memory_space<hbm>>
    tpu.enqueue_indirect_dma source(%dma_start3A_66 : memref<100000xf32, #tpu.memory_space<hbm>>) target(%arg22 : memref<2000xf32, #tpu.memory_space<vmem>>) offsets(%arg18 : memref<2000xi32, #tpu.memory_space<vmem>>) semaphore(%arg27 : memref<!tpu.dma_semaphore, #tpu.memory_space<semaphore_mem>>)
    %dma_wait3A_67 = arith.constant 0 : i32
    %dma_wait3A_68 = tpu.memref_slice %arg2[%dma_wait3A_67] : memref<100000xf32, #tpu.memory_space<hbm>> -> memref<100000xf32, #tpu.memory_space<hbm>>
    tpu.wait_indirect_dma semaphore(%arg27 : memref<!tpu.dma_semaphore, #tpu.memory_space<semaphore_mem>>) src(%dma_wait3A_68 : memref<100000xf32, #tpu.memory_space<hbm>>) dst(%arg21 : memref<2000xf32, #tpu.memory_space<vmem>>)
    %dma_wait3A_69 = arith.constant 0 : i32
    %dma_wait3A_70 = tpu.memref_slice %arg3[%dma_wait3A_69] : memref<100000xf32, #tpu.memory_space<hbm>> -> memref<100000xf32, #tpu.memory_space<hbm>>
    tpu.wait_indirect_dma semaphore(%arg27 : memref<!tpu.dma_semaphore, #tpu.memory_space<semaphore_mem>>) src(%dma_wait3A_70 : memref<100000xf32, #tpu.memory_space<hbm>>) dst(%arg22 : memref<2000xf32, #tpu.memory_space<vmem>>)
    %scan3A_71 = arith.constant 0 : i32
    %scan3A_72 = arith.constant 0 : i32
    %scan3A_73 = arith.constant 125 : i32
    %scan3A_74 = arith.addi %scan3A_72, %scan3A_73 : i32
    %scan3A_75 = arith.constant 1 : i32
    scf.for %scan3A_160 = %scan3A_72 to %scan3A_74 step %scan3A_75  : i32 {
      %mul3A_161 = arith.constant 16 : i32
      %mul3A_162 = arith.muli %scan3A_160, %mul3A_161 : i32
      %get3A = arith.index_cast %mul3A_162 : i32 to index
      %get3A_163 = tpu.vector_load %arg20[%get3A] {strides = array<i32>} : memref<2000xf32, #tpu.memory_space<vmem>>, vector<16xf32>,
      %get3A_164 = vector.shape_cast %get3A_163 : vector<16xf32> to vector<16xf32>
      %neg3A = arith.constant 0.000000e+00 : f32
      %neg3A_165 = vector.broadcast %neg3A : f32 to vector<16xf32>
      %neg3A_166 = arith.subf %neg3A_165, %get3A_164 : vector<16xf32>
      %get3A_167 = arith.index_cast %mul3A_162 : i32 to index
      %get3A_168 = tpu.vector_load %arg21[%get3A_167] {strides = array<i32>} : memref<2000xf32, #tpu.memory_space<vmem>>, vector<16xf32>,
      %get3A_169 = vector.shape_cast %get3A_168 : vector<16xf32> to vector<16xf32>
      %mul3A_170 = arith.mulf %neg3A_166, %get3A_169 : vector<16xf32>
      %swap3A = arith.index_cast %mul3A_162 : i32 to index
      %swap3A_171 = tpu.vector_load %arg21[%swap3A] {strides = array<i32>} : memref<2000xf32, #tpu.memory_space<vmem>>, vector<16xf32>,
      %swap3A_172 = vector.shape_cast %swap3A_171 : vector<16xf32> to vector<16xf32>
      %swap3A_173 = vector.shape_cast %mul3A_170 : vector<16xf32> to vector<16xf32>
      tpu.vector_store %arg21[%swap3A], %swap3A_173 {strides = array<i32>} : memref<2000xf32, #tpu.memory_space<vmem>>, vector<16xf32>,
      %get3A_174 = arith.index_cast %mul3A_162 : i32 to index
      %get3A_175 = tpu.vector_load %arg22[%get3A_174] {strides = array<i32>} : memref<2000xf32, #tpu.memory_space<vmem>>, vector<16xf32>,
      %get3A_176 = vector.shape_cast %get3A_175 : vector<16xf32> to vector<16xf32>
      %mul3A_177 = arith.mulf %neg3A_166, %get3A_176 : vector<16xf32>
      %swap3A_178 = arith.index_cast %mul3A_162 : i32 to index
      %swap3A_179 = tpu.vector_load %arg22[%swap3A_178] {strides = array<i32>} : memref<2000xf32, #tpu.memory_space<vmem>>, vector<16xf32>,
      %swap3A_180 = vector.shape_cast %swap3A_179 : vector<16xf32> to vector<16xf32>
      %swap3A_181 = vector.shape_cast %mul3A_177 : vector<16xf32> to vector<16xf32>
      tpu.vector_store %arg22[%swap3A_178], %swap3A_181 {strides = array<i32>} : memref<2000xf32, #tpu.memory_space<vmem>>, vector<16xf32>,
      %get3A_182 = arith.index_cast %mul3A_162 : i32 to index
      %get3A_183 = tpu.vector_load %arg19[%get3A_182] {strides = array<i32>} : memref<2000xi32, #tpu.memory_space<vmem>>, vector<16xi32>,
      %get3A_184 = vector.shape_cast %get3A_183 : vector<16xi32> to vector<16xi32>
      %swap3A_185 = arith.index_cast %mul3A_162 : i32 to index
      %swap3A_186 = tpu.vector_load %arg23[%swap3A_185] {strides = array<i32>} : memref<2000xi32, #tpu.memory_space<vmem>>, vector<16xi32>,
      %swap3A_187 = vector.shape_cast %swap3A_186 : vector<16xi32> to vector<16xi32>
      %swap3A_188 = vector.shape_cast %get3A_184 : vector<16xi32> to vector<16xi32>
      tpu.vector_store %arg23[%swap3A_185], %swap3A_188 {strides = array<i32>} : memref<2000xi32, #tpu.memory_space<vmem>>, vector<16xi32>,
    }
    %scan3A_76 = arith.constant 125 : i32
    %dma_start3A_77 = arith.constant 0 : i32
    %dma_start3A_78 = tpu.memref_slice %arg9[%dma_start3A_77] : memref<100352xf32, #tpu.memory_space<vmem_shared>> -> memref<100352xf32, #tpu.memory_space<vmem_shared>>
    tpu.enqueue_indirect_dma source(%arg21 : memref<2000xf32, #tpu.memory_space<vmem>>) target(%dma_start3A_78 : memref<100352xf32, #tpu.memory_space<vmem_shared>>) offsets(%arg23 : memref<2000xi32, #tpu.memory_space<vmem>>) semaphore(%arg29 : memref<!tpu.dma_semaphore, #tpu.memory_space<semaphore_mem>>) {add = true}
    %dma_start3A_79 = arith.constant 0 : i32
    %dma_start3A_80 = tpu.memref_slice %arg10[%dma_start3A_79] : memref<100352xf32, #tpu.memory_space<vmem_shared>> -> memref<100352xf32, #tpu.memory_space<vmem_shared>>
    tpu.enqueue_indirect_dma source(%arg22 : memref<2000xf32, #tpu.memory_space<vmem>>) target(%dma_start3A_80 : memref<100352xf32, #tpu.memory_space<vmem_shared>>) offsets(%arg23 : memref<2000xi32, #tpu.memory_space<vmem>>) semaphore(%arg29 : memref<!tpu.dma_semaphore, #tpu.memory_space<semaphore_mem>>) {add = true}
    %add3A_81 = arith.constant 6000 : i32
    %add3A_82 = arith.addi %mul3A_10, %add3A_81 : i32
    %dma_start3A_83 = tpu.memref_slice %arg4[%add3A_82] : memref<3200000xi32, #tpu.memory_space<hbm>> -> memref<2000xi32, #tpu.memory_space<hbm>>
    %dma_start3A_84 = tpu.memref_slice %arg4[%add3A_82] : memref<3200000xi32, #tpu.memory_space<hbm>> -> memref<2000xi32, #tpu.memory_space<hbm>>
    tpu.enqueue_dma source(%dma_start3A_84 : memref<2000xi32, #tpu.memory_space<hbm>>) target(%arg18 : memref<2000xi32, #tpu.memory_space<vmem>>) target_semaphore(%arg25 : memref<!tpu.dma_semaphore, #tpu.memory_space<semaphore_mem>>)
    %dma_start3A_85 = tpu.memref_slice %arg5[%add3A_82] : memref<3200000xi32, #tpu.memory_space<hbm>> -> memref<2000xi32, #tpu.memory_space<hbm>>
    %dma_start3A_86 = tpu.memref_slice %arg5[%add3A_82] : memref<3200000xi32, #tpu.memory_space<hbm>> -> memref<2000xi32, #tpu.memory_space<hbm>>
    tpu.enqueue_dma source(%dma_start3A_86 : memref<2000xi32, #tpu.memory_space<hbm>>) target(%arg19 : memref<2000xi32, #tpu.memory_space<vmem>>) target_semaphore(%arg25 : memref<!tpu.dma_semaphore, #tpu.memory_space<semaphore_mem>>)
    %dma_start3A_87 = tpu.memref_slice %arg6[%add3A_82] : memref<3200000xf32, #tpu.memory_space<hbm>> -> memref<2000xf32, #tpu.memory_space<hbm>>
    %dma_start3A_88 = tpu.memref_slice %arg6[%add3A_82] : memref<3200000xf32, #tpu.memory_space<hbm>> -> memref<2000xf32, #tpu.memory_space<hbm>>
    tpu.enqueue_dma source(%dma_start3A_88 : memref<2000xf32, #tpu.memory_space<hbm>>) target(%arg20 : memref<2000xf32, #tpu.memory_space<vmem>>) target_semaphore(%arg25 : memref<!tpu.dma_semaphore, #tpu.memory_space<semaphore_mem>>)
    %dma_wait3A_89 = tpu.memref_slice %arg4[%mul3A_10] : memref<3200000xi32, #tpu.memory_space<hbm>> -> memref<2000xi32, #tpu.memory_space<hbm>>
    %dma_wait3A_90 = tpu.memref_slice %arg4[%mul3A_10] : memref<3200000xi32, #tpu.memory_space<hbm>> -> memref<2000xi32, #tpu.memory_space<hbm>>
    tpu.wait_dma2 semaphore(%arg24 : memref<!tpu.dma_semaphore, #tpu.memory_space<semaphore_mem>>) src(%dma_wait3A_90 : memref<2000xi32, #tpu.memory_space<hbm>>) dst(%arg12 : memref<2000xi32, #tpu.memory_space<vmem>>)
    %dma_wait3A_91 = tpu.memref_slice %arg5[%mul3A_10] : memref<3200000xi32, #tpu.memory_space<hbm>> -> memref<2000xi32, #tpu.memory_space<hbm>>
    %dma_wait3A_92 = tpu.memref_slice %arg5[%mul3A_10] : memref<3200000xi32, #tpu.memory_space<hbm>> -> memref<2000xi32, #tpu.memory_space<hbm>>
    tpu.wait_dma2 semaphore(%arg24 : memref<!tpu.dma_semaphore, #tpu.memory_space<semaphore_mem>>) src(%dma_wait3A_92 : memref<2000xi32, #tpu.memory_space<hbm>>) dst(%arg13 : memref<2000xi32, #tpu.memory_space<vmem>>)
    %dma_wait3A_93 = tpu.memref_slice %arg6[%mul3A_10] : memref<3200000xf32, #tpu.memory_space<hbm>> -> memref<2000xf32, #tpu.memory_space<hbm>>
    %dma_wait3A_94 = tpu.memref_slice %arg6[%mul3A_10] : memref<3200000xf32, #tpu.memory_space<hbm>> -> memref<2000xf32, #tpu.memory_space<hbm>>
    tpu.wait_dma2 semaphore(%arg24 : memref<!tpu.dma_semaphore, #tpu.memory_space<semaphore_mem>>) src(%dma_wait3A_94 : memref<2000xf32, #tpu.memory_space<hbm>>) dst(%arg14 : memref<2000xf32, #tpu.memory_space<vmem>>)
    %dma_wait3A_95 = arith.constant 0 : i32
    %dma_wait3A_96 = tpu.memref_slice %arg9[%dma_wait3A_95] : memref<100352xf32, #tpu.memory_space<vmem_shared>> -> memref<100352xf32, #tpu.memory_space<vmem_shared>>
    tpu.wait_indirect_dma semaphore(%arg28 : memref<!tpu.dma_semaphore, #tpu.memory_space<semaphore_mem>>) src(%arg15 : memref<2000xf32, #tpu.memory_space<vmem>>) dst(%dma_wait3A_96 : memref<100352xf32, #tpu.memory_space<vmem_shared>>)
    %dma_wait3A_97 = arith.constant 0 : i32
    %dma_wait3A_98 = tpu.memref_slice %arg10[%dma_wait3A_97] : memref<100352xf32, #tpu.memory_space<vmem_shared>> -> memref<100352xf32, #tpu.memory_space<vmem_shared>>
    tpu.wait_indirect_dma semaphore(%arg28 : memref<!tpu.dma_semaphore, #tpu.memory_space<semaphore_mem>>) src(%arg16 : memref<2000xf32, #tpu.memory_space<vmem>>) dst(%dma_wait3A_98 : memref<100352xf32, #tpu.memory_space<vmem_shared>>)
    %dma_start3A_99 = arith.constant 0 : i32
    %dma_start3A_100 = tpu.memref_slice %arg2[%dma_start3A_99] : memref<100000xf32, #tpu.memory_space<hbm>> -> memref<100000xf32, #tpu.memory_space<hbm>>
    tpu.enqueue_indirect_dma source(%dma_start3A_100 : memref<100000xf32, #tpu.memory_space<hbm>>) target(%arg15 : memref<2000xf32, #tpu.memory_space<vmem>>) offsets(%arg12 : memref<2000xi32, #tpu.memory_space<vmem>>) semaphore(%arg26 : memref<!tpu.dma_semaphore, #tpu.memory_space<semaphore_mem>>)
    %dma_start3A_101 = arith.constant 0 : i32
    %dma_start3A_102 = tpu.memref_slice %arg3[%dma_start3A_101] : memref<100000xf32, #tpu.memory_space<hbm>> -> memref<100000xf32, #tpu.memory_space<hbm>>
    tpu.enqueue_indirect_dma source(%dma_start3A_102 : memref<100000xf32, #tpu.memory_space<hbm>>) target(%arg16 : memref<2000xf32, #tpu.memory_space<vmem>>) offsets(%arg12 : memref<2000xi32, #tpu.memory_space<vmem>>) semaphore(%arg26 : memref<!tpu.dma_semaphore, #tpu.memory_space<semaphore_mem>>)
    %scan3A_103 = arith.constant 0 : i32
    %scan3A_104 = arith.constant 0 : i32
    %scan3A_105 = arith.constant 23 : i32
    %scan3A_106 = arith.addi %scan3A_104, %scan3A_105 : i32
    %scan3A_107 = arith.constant 1 : i32
    scf.for %scan3A_160 = %scan3A_104 to %scan3A_106 step %scan3A_107  : i32 {
      %mul3A_161 = arith.constant 2 : i32
      %mul3A_162 = arith.muli %scan3A_160, %mul3A_161 : i32
      %add3A_163 = arith.constant 2 : i32
      %add3A_164 = arith.addi %add3A_163, %mul3A_162 : i32
      %dma_wait3A_165 = arith.constant 0 : i32
      %dma_wait3A_166 = tpu.memref_slice %arg2[%dma_wait3A_165] : memref<100000xf32, #tpu.memory_space<hbm>> -> memref<100000xf32, #tpu.memory_space<hbm>>
      tpu.wait_indirect_dma semaphore(%arg26 : memref<!tpu.dma_semaphore, #tpu.memory_space<semaphore_mem>>) src(%dma_wait3A_166 : memref<100000xf32, #tpu.memory_space<hbm>>) dst(%arg15 : memref<2000xf32, #tpu.memory_space<vmem>>)
      %dma_wait3A_167 = arith.constant 0 : i32
      %dma_wait3A_168 = tpu.memref_slice %arg3[%dma_wait3A_167] : memref<100000xf32, #tpu.memory_space<hbm>> -> memref<100000xf32, #tpu.memory_space<hbm>>
      tpu.wait_indirect_dma semaphore(%arg26 : memref<!tpu.dma_semaphore, #tpu.memory_space<semaphore_mem>>) src(%dma_wait3A_168 : memref<100000xf32, #tpu.memory_space<hbm>>) dst(%arg16 : memref<2000xf32, #tpu.memory_space<vmem>>)
      %scan3A_169 = arith.constant 0 : i32
      %scan3A_170 = arith.constant 0 : i32
      %scan3A_171 = arith.constant 125 : i32
      %scan3A_172 = arith.addi %scan3A_170, %scan3A_171 : i32
      %scan3A_173 = arith.constant 1 : i32
      scf.for %scan3A_245 = %scan3A_170 to %scan3A_172 step %scan3A_173  : i32 {
        %mul3A_246 = arith.constant 16 : i32
        %mul3A_247 = arith.muli %scan3A_245, %mul3A_246 : i32
        %get3A = arith.index_cast %mul3A_247 : i32 to index
        %get3A_248 = tpu.vector_load %arg14[%get3A] {strides = array<i32>} : memref<2000xf32, #tpu.memory_space<vmem>>, vector<16xf32>,
        %get3A_249 = vector.shape_cast %get3A_248 : vector<16xf32> to vector<16xf32>
        %neg3A = arith.constant 0.000000e+00 : f32
        %neg3A_250 = vector.broadcast %neg3A : f32 to vector<16xf32>
        %neg3A_251 = arith.subf %neg3A_250, %get3A_249 : vector<16xf32>
        %get3A_252 = arith.index_cast %mul3A_247 : i32 to index
        %get3A_253 = tpu.vector_load %arg15[%get3A_252] {strides = array<i32>} : memref<2000xf32, #tpu.memory_space<vmem>>, vector<16xf32>,
        %get3A_254 = vector.shape_cast %get3A_253 : vector<16xf32> to vector<16xf32>
        %mul3A_255 = arith.mulf %neg3A_251, %get3A_254 : vector<16xf32>
        %swap3A = arith.index_cast %mul3A_247 : i32 to index
        %swap3A_256 = tpu.vector_load %arg15[%swap3A] {strides = array<i32>} : memref<2000xf32, #tpu.memory_space<vmem>>, vector<16xf32>,
        %swap3A_257 = vector.shape_cast %swap3A_256 : vector<16xf32> to vector<16xf32>
        %swap3A_258 = vector.shape_cast %mul3A_255 : vector<16xf32> to vector<16xf32>
        tpu.vector_store %arg15[%swap3A], %swap3A_258 {strides = array<i32>} : memref<2000xf32, #tpu.memory_space<vmem>>, vector<16xf32>,
        %get3A_259 = arith.index_cast %mul3A_247 : i32 to index
        %get3A_260 = tpu.vector_load %arg16[%get3A_259] {strides = array<i32>} : memref<2000xf32, #tpu.memory_space<vmem>>, vector<16xf32>,
        %get3A_261 = vector.shape_cast %get3A_260 : vector<16xf32> to vector<16xf32>
        %mul3A_262 = arith.mulf %neg3A_251, %get3A_261 : vector<16xf32>
        %swap3A_263 = arith.index_cast %mul3A_247 : i32 to index
        %swap3A_264 = tpu.vector_load %arg16[%swap3A_263] {strides = array<i32>} : memref<2000xf32, #tpu.memory_space<vmem>>, vector<16xf32>,
        %swap3A_265 = vector.shape_cast %swap3A_264 : vector<16xf32> to vector<16xf32>
        %swap3A_266 = vector.shape_cast %mul3A_262 : vector<16xf32> to vector<16xf32>
        tpu.vector_store %arg16[%swap3A_263], %swap3A_266 {strides = array<i32>} : memref<2000xf32, #tpu.memory_space<vmem>>, vector<16xf32>,
        %get3A_267 = arith.index_cast %mul3A_247 : i32 to index
        %get3A_268 = tpu.vector_load %arg13[%get3A_267] {strides = array<i32>} : memref<2000xi32, #tpu.memory_space<vmem>>, vector<16xi32>,
        %get3A_269 = vector.shape_cast %get3A_268 : vector<16xi32> to vector<16xi32>
        %swap3A_270 = arith.index_cast %mul3A_247 : i32 to index
        %swap3A_271 = tpu.vector_load %arg17[%swap3A_270] {strides = array<i32>} : memref<2000xi32, #tpu.memory_space<vmem>>, vector<16xi32>,
        %swap3A_272 = vector.shape_cast %swap3A_271 : vector<16xi32> to vector<16xi32>
        %swap3A_273 = vector.shape_cast %get3A_269 : vector<16xi32> to vector<16xi32>
        tpu.vector_store %arg17[%swap3A_270], %swap3A_273 {strides = array<i32>} : memref<2000xi32, #tpu.memory_space<vmem>>, vector<16xi32>,
      }
      %scan3A_174 = arith.constant 125 : i32
      %dma_start3A_175 = arith.constant 0 : i32
      %dma_start3A_176 = tpu.memref_slice %arg9[%dma_start3A_175] : memref<100352xf32, #tpu.memory_space<vmem_shared>> -> memref<100352xf32, #tpu.memory_space<vmem_shared>>
      tpu.enqueue_indirect_dma source(%arg15 : memref<2000xf32, #tpu.memory_space<vmem>>) target(%dma_start3A_176 : memref<100352xf32, #tpu.memory_space<vmem_shared>>) offsets(%arg17 : memref<2000xi32, #tpu.memory_space<vmem>>) semaphore(%arg28 : memref<!tpu.dma_semaphore, #tpu.memory_space<semaphore_mem>>) {add = true}
      %dma_start3A_177 = arith.constant 0 : i32
      %dma_start3A_178 = tpu.memref_slice %arg10[%dma_start3A_177] : memref<100352xf32, #tpu.memory_space<vmem_shared>> -> memref<100352xf32, #tpu.memory_space<vmem_shared>>
      tpu.enqueue_indirect_dma source(%arg16 : memref<2000xf32, #tpu.memory_space<vmem>>) target(%dma_start3A_178 : memref<100352xf32, #tpu.memory_space<vmem_shared>>) offsets(%arg17 : memref<2000xi32, #tpu.memory_space<vmem>>) semaphore(%arg28 : memref<!tpu.dma_semaphore, #tpu.memory_space<semaphore_mem>>) {add = true}
      %add3A_179 = arith.constant 2 : i32
      %add3A_180 = arith.addi %add3A_164, %add3A_179 : i32
      %mul3A_181 = arith.constant 2000 : i32
      %mul3A_182 = arith.muli %add3A_180, %mul3A_181 : i32
      %add3A_183 = arith.addi %mul3A_10, %mul3A_182 : i32
      %dma_start3A_184 = tpu.memref_slice %arg4[%add3A_183] : memref<3200000xi32, #tpu.memory_space<hbm>> -> memref<2000xi32, #tpu.memory_space<hbm>>
      %dma_start3A_185 = tpu.memref_slice %arg4[%add3A_183] : memref<3200000xi32, #tpu.memory_space<hbm>> -> memref<2000xi32, #tpu.memory_space<hbm>>
      tpu.enqueue_dma source(%dma_start3A_185 : memref<2000xi32, #tpu.memory_space<hbm>>) target(%arg12 : memref<2000xi32, #tpu.memory_space<vmem>>) target_semaphore(%arg24 : memref<!tpu.dma_semaphore, #tpu.memory_space<semaphore_mem>>)
      %dma_start3A_186 = tpu.memref_slice %arg5[%add3A_183] : memref<3200000xi32, #tpu.memory_space<hbm>> -> memref<2000xi32, #tpu.memory_space<hbm>>
      %dma_start3A_187 = tpu.memref_slice %arg5[%add3A_183] : memref<3200000xi32, #tpu.memory_space<hbm>> -> memref<2000xi32, #tpu.memory_space<hbm>>
      tpu.enqueue_dma source(%dma_start3A_187 : memref<2000xi32, #tpu.memory_space<hbm>>) target(%arg13 : memref<2000xi32, #tpu.memory_space<vmem>>) target_semaphore(%arg24 : memref<!tpu.dma_semaphore, #tpu.memory_space<semaphore_mem>>)
      %dma_start3A_188 = tpu.memref_slice %arg6[%add3A_183] : memref<3200000xf32, #tpu.memory_space<hbm>> -> memref<2000xf32, #tpu.memory_space<hbm>>
      %dma_start3A_189 = tpu.memref_slice %arg6[%add3A_183] : memref<3200000xf32, #tpu.memory_space<hbm>> -> memref<2000xf32, #tpu.memory_space<hbm>>
      tpu.enqueue_dma source(%dma_start3A_189 : memref<2000xf32, #tpu.memory_space<hbm>>) target(%arg14 : memref<2000xf32, #tpu.memory_space<vmem>>) target_semaphore(%arg24 : memref<!tpu.dma_semaphore, #tpu.memory_space<semaphore_mem>>)
      %dma_wait3A_190 = tpu.memref_slice %arg4[%mul3A_10] : memref<3200000xi32, #tpu.memory_space<hbm>> -> memref<2000xi32, #tpu.memory_space<hbm>>
      %dma_wait3A_191 = tpu.memref_slice %arg4[%mul3A_10] : memref<3200000xi32, #tpu.memory_space<hbm>> -> memref<2000xi32, #tpu.memory_space<hbm>>
      tpu.wait_dma2 semaphore(%arg25 : memref<!tpu.dma_semaphore, #tpu.memory_space<semaphore_mem>>) src(%dma_wait3A_191 : memref<2000xi32, #tpu.memory_space<hbm>>) dst(%arg18 : memref<2000xi32, #tpu.memory_space<vmem>>)
      %dma_wait3A_192 = tpu.memref_slice %arg5[%mul3A_10] : memref<3200000xi32, #tpu.memory_space<hbm>> -> memref<2000xi32, #tpu.memory_space<hbm>>
      %dma_wait3A_193 = tpu.memref_slice %arg5[%mul3A_10] : memref<3200000xi32, #tpu.memory_space<hbm>> -> memref<2000xi32, #tpu.memory_space<hbm>>
      tpu.wait_dma2 semaphore(%arg25 : memref<!tpu.dma_semaphore, #tpu.memory_space<semaphore_mem>>) src(%dma_wait3A_193 : memref<2000xi32, #tpu.memory_space<hbm>>) dst(%arg19 : memref<2000xi32, #tpu.memory_space<vmem>>)
      %dma_wait3A_194 = tpu.memref_slice %arg6[%mul3A_10] : memref<3200000xf32, #tpu.memory_space<hbm>> -> memref<2000xf32, #tpu.memory_space<hbm>>
      %dma_wait3A_195 = tpu.memref_slice %arg6[%mul3A_10] : memref<3200000xf32, #tpu.memory_space<hbm>> -> memref<2000xf32, #tpu.memory_space<hbm>>
      tpu.wait_dma2 semaphore(%arg25 : memref<!tpu.dma_semaphore, #tpu.memory_space<semaphore_mem>>) src(%dma_wait3A_195 : memref<2000xf32, #tpu.memory_space<hbm>>) dst(%arg20 : memref<2000xf32, #tpu.memory_space<vmem>>)
      %dma_wait3A_196 = arith.constant 0 : i32
      %dma_wait3A_197 = tpu.memref_slice %arg9[%dma_wait3A_196] : memref<100352xf32, #tpu.memory_space<vmem_shared>> -> memref<100352xf32, #tpu.memory_space<vmem_shared>>
      tpu.wait_indirect_dma semaphore(%arg29 : memref<!tpu.dma_semaphore, #tpu.memory_space<semaphore_mem>>) src(%arg21 : memref<2000xf32, #tpu.memory_space<vmem>>) dst(%dma_wait3A_197 : memref<100352xf32, #tpu.memory_space<vmem_shared>>)
      %dma_wait3A_198 = arith.constant 0 : i32
      %dma_wait3A_199 = tpu.memref_slice %arg10[%dma_wait3A_198] : memref<100352xf32, #tpu.memory_space<vmem_shared>> -> memref<100352xf32, #tpu.memory_space<vmem_shared>>
      tpu.wait_indirect_dma semaphore(%arg29 : memref<!tpu.dma_semaphore, #tpu.memory_space<semaphore_mem>>) src(%arg22 : memref<2000xf32, #tpu.memory_space<vmem>>) dst(%dma_wait3A_199 : memref<100352xf32, #tpu.memory_space<vmem_shared>>)
      %dma_start3A_200 = arith.constant 0 : i32
      %dma_start3A_201 = tpu.memref_slice %arg2[%dma_start3A_200] : memref<100000xf32, #tpu.memory_space<hbm>> -> memref<100000xf32, #tpu.memory_space<hbm>>
      tpu.enqueue_indirect_dma source(%dma_start3A_201 : memref<100000xf32, #tpu.memory_space<hbm>>) target(%arg21 : memref<2000xf32, #tpu.memory_space<vmem>>) offsets(%arg18 : memref<2000xi32, #tpu.memory_space<vmem>>) semaphore(%arg27 : memref<!tpu.dma_semaphore, #tpu.memory_space<semaphore_mem>>)
      %dma_start3A_202 = arith.constant 0 : i32
      %dma_start3A_203 = tpu.memref_slice %arg3[%dma_start3A_202] : memref<100000xf32, #tpu.memory_space<hbm>> -> memref<100000xf32, #tpu.memory_space<hbm>>
      tpu.enqueue_indirect_dma source(%dma_start3A_203 : memref<100000xf32, #tpu.memory_space<hbm>>) target(%arg22 : memref<2000xf32, #tpu.memory_space<vmem>>) offsets(%arg18 : memref<2000xi32, #tpu.memory_space<vmem>>) semaphore(%arg27 : memref<!tpu.dma_semaphore, #tpu.memory_space<semaphore_mem>>)
      %add3A_204 = arith.constant 1 : i32
      %add3A_205 = arith.addi %add3A_164, %add3A_204 : i32
      %dma_wait3A_206 = arith.constant 0 : i32
      %dma_wait3A_207 = tpu.memref_slice %arg2[%dma_wait3A_206] : memref<100000xf32, #tpu.memory_space<hbm>> -> memref<100000xf32, #tpu.memory_space<hbm>>
      tpu.wait_indirect_dma semaphore(%arg27 : memref<!tpu.dma_semaphore, #tpu.memory_space<semaphore_mem>>) src(%dma_wait3A_207 : memref<100000xf32, #tpu.memory_space<hbm>>) dst(%arg21 : memref<2000xf32, #tpu.memory_space<vmem>>)
      %dma_wait3A_208 = arith.constant 0 : i32
      %dma_wait3A_209 = tpu.memref_slice %arg3[%dma_wait3A_208] : memref<100000xf32, #tpu.memory_space<hbm>> -> memref<100000xf32, #tpu.memory_space<hbm>>
      tpu.wait_indirect_dma semaphore(%arg27 : memref<!tpu.dma_semaphore, #tpu.memory_space<semaphore_mem>>) src(%dma_wait3A_209 : memref<100000xf32, #tpu.memory_space<hbm>>) dst(%arg22 : memref<2000xf32, #tpu.memory_space<vmem>>)
      %scan3A_210 = arith.constant 0 : i32
      %scan3A_211 = arith.constant 0 : i32
      %scan3A_212 = arith.constant 125 : i32
      %scan3A_213 = arith.addi %scan3A_211, %scan3A_212 : i32
      %scan3A_214 = arith.constant 1 : i32
      scf.for %scan3A_245 = %scan3A_211 to %scan3A_213 step %scan3A_214  : i32 {
        %mul3A_246 = arith.constant 16 : i32
        %mul3A_247 = arith.muli %scan3A_245, %mul3A_246 : i32
        %get3A = arith.index_cast %mul3A_247 : i32 to index
        %get3A_248 = tpu.vector_load %arg20[%get3A] {strides = array<i32>} : memref<2000xf32, #tpu.memory_space<vmem>>, vector<16xf32>,
        %get3A_249 = vector.shape_cast %get3A_248 : vector<16xf32> to vector<16xf32>
        %neg3A = arith.constant 0.000000e+00 : f32
        %neg3A_250 = vector.broadcast %neg3A : f32 to vector<16xf32>
        %neg3A_251 = arith.subf %neg3A_250, %get3A_249 : vector<16xf32>
        %get3A_252 = arith.index_cast %mul3A_247 : i32 to index
        %get3A_253 = tpu.vector_load %arg21[%get3A_252] {strides = array<i32>} : memref<2000xf32, #tpu.memory_space<vmem>>, vector<16xf32>,
        %get3A_254 = vector.shape_cast %get3A_253 : vector<16xf32> to vector<16xf32>
        %mul3A_255 = arith.mulf %neg3A_251, %get3A_254 : vector<16xf32>
        %swap3A = arith.index_cast %mul3A_247 : i32 to index
        %swap3A_256 = tpu.vector_load %arg21[%swap3A] {strides = array<i32>} : memref<2000xf32, #tpu.memory_space<vmem>>, vector<16xf32>,
        %swap3A_257 = vector.shape_cast %swap3A_256 : vector<16xf32> to vector<16xf32>
        %swap3A_258 = vector.shape_cast %mul3A_255 : vector<16xf32> to vector<16xf32>
        tpu.vector_store %arg21[%swap3A], %swap3A_258 {strides = array<i32>} : memref<2000xf32, #tpu.memory_space<vmem>>, vector<16xf32>,
        %get3A_259 = arith.index_cast %mul3A_247 : i32 to index
        %get3A_260 = tpu.vector_load %arg22[%get3A_259] {strides = array<i32>} : memref<2000xf32, #tpu.memory_space<vmem>>, vector<16xf32>,
        %get3A_261 = vector.shape_cast %get3A_260 : vector<16xf32> to vector<16xf32>
        %mul3A_262 = arith.mulf %neg3A_251, %get3A_261 : vector<16xf32>
        %swap3A_263 = arith.index_cast %mul3A_247 : i32 to index
        %swap3A_264 = tpu.vector_load %arg22[%swap3A_263] {strides = array<i32>} : memref<2000xf32, #tpu.memory_space<vmem>>, vector<16xf32>,
        %swap3A_265 = vector.shape_cast %swap3A_264 : vector<16xf32> to vector<16xf32>
        %swap3A_266 = vector.shape_cast %mul3A_262 : vector<16xf32> to vector<16xf32>
        tpu.vector_store %arg22[%swap3A_263], %swap3A_266 {strides = array<i32>} : memref<2000xf32, #tpu.memory_space<vmem>>, vector<16xf32>,
        %get3A_267 = arith.index_cast %mul3A_247 : i32 to index
        %get3A_268 = tpu.vector_load %arg19[%get3A_267] {strides = array<i32>} : memref<2000xi32, #tpu.memory_space<vmem>>, vector<16xi32>,
        %get3A_269 = vector.shape_cast %get3A_268 : vector<16xi32> to vector<16xi32>
        %swap3A_270 = arith.index_cast %mul3A_247 : i32 to index
        %swap3A_271 = tpu.vector_load %arg23[%swap3A_270] {strides = array<i32>} : memref<2000xi32, #tpu.memory_space<vmem>>, vector<16xi32>,
        %swap3A_272 = vector.shape_cast %swap3A_271 : vector<16xi32> to vector<16xi32>
        %swap3A_273 = vector.shape_cast %get3A_269 : vector<16xi32> to vector<16xi32>
        tpu.vector_store %arg23[%swap3A_270], %swap3A_273 {strides = array<i32>} : memref<2000xi32, #tpu.memory_space<vmem>>, vector<16xi32>,
      }
      %scan3A_215 = arith.constant 125 : i32
      %dma_start3A_216 = arith.constant 0 : i32
      %dma_start3A_217 = tpu.memref_slice %arg9[%dma_start3A_216] : memref<100352xf32, #tpu.memory_space<vmem_shared>> -> memref<100352xf32, #tpu.memory_space<vmem_shared>>
      tpu.enqueue_indirect_dma source(%arg21 : memref<2000xf32, #tpu.memory_space<vmem>>) target(%dma_start3A_217 : memref<100352xf32, #tpu.memory_space<vmem_shared>>) offsets(%arg23 : memref<2000xi32, #tpu.memory_space<vmem>>) semaphore(%arg29 : memref<!tpu.dma_semaphore, #tpu.memory_space<semaphore_mem>>) {add = true}
      %dma_start3A_218 = arith.constant 0 : i32
      %dma_start3A_219 = tpu.memref_slice %arg10[%dma_start3A_218] : memref<100352xf32, #tpu.memory_space<vmem_shared>> -> memref<100352xf32, #tpu.memory_space<vmem_shared>>
      tpu.enqueue_indirect_dma source(%arg22 : memref<2000xf32, #tpu.memory_space<vmem>>) target(%dma_start3A_219 : memref<100352xf32, #tpu.memory_space<vmem_shared>>) offsets(%arg23 : memref<2000xi32, #tpu.memory_space<vmem>>) semaphore(%arg29 : memref<!tpu.dma_semaphore, #tpu.memory_space<semaphore_mem>>) {add = true}
      %add3A_220 = arith.constant 2 : i32
      %add3A_221 = arith.addi %add3A_205, %add3A_220 : i32
      %mul3A_222 = arith.constant 2000 : i32
      %mul3A_223 = arith.muli %add3A_221, %mul3A_222 : i32
      %add3A_224 = arith.addi %mul3A_10, %mul3A_223 : i32
      %dma_start3A_225 = tpu.memref_slice %arg4[%add3A_224] : memref<3200000xi32, #tpu.memory_space<hbm>> -> memref<2000xi32, #tpu.memory_space<hbm>>
      %dma_start3A_226 = tpu.memref_slice %arg4[%add3A_224] : memref<3200000xi32, #tpu.memory_space<hbm>> -> memref<2000xi32, #tpu.memory_space<hbm>>
      tpu.enqueue_dma source(%dma_start3A_226 : memref<2000xi32, #tpu.memory_space<hbm>>) target(%arg18 : memref<2000xi32, #tpu.memory_space<vmem>>) target_semaphore(%arg25 : memref<!tpu.dma_semaphore, #tpu.memory_space<semaphore_mem>>)
      %dma_start3A_227 = tpu.memref_slice %arg5[%add3A_224] : memref<3200000xi32, #tpu.memory_space<hbm>> -> memref<2000xi32, #tpu.memory_space<hbm>>
      %dma_start3A_228 = tpu.memref_slice %arg5[%add3A_224] : memref<3200000xi32, #tpu.memory_space<hbm>> -> memref<2000xi32, #tpu.memory_space<hbm>>
      tpu.enqueue_dma source(%dma_start3A_228 : memref<2000xi32, #tpu.memory_space<hbm>>) target(%arg19 : memref<2000xi32, #tpu.memory_space<vmem>>) target_semaphore(%arg25 : memref<!tpu.dma_semaphore, #tpu.memory_space<semaphore_mem>>)
      %dma_start3A_229 = tpu.memref_slice %arg6[%add3A_224] : memref<3200000xf32, #tpu.memory_space<hbm>> -> memref<2000xf32, #tpu.memory_space<hbm>>
      %dma_start3A_230 = tpu.memref_slice %arg6[%add3A_224] : memref<3200000xf32, #tpu.memory_space<hbm>> -> memref<2000xf32, #tpu.memory_space<hbm>>
      tpu.enqueue_dma source(%dma_start3A_230 : memref<2000xf32, #tpu.memory_space<hbm>>) target(%arg20 : memref<2000xf32, #tpu.memory_space<vmem>>) target_semaphore(%arg25 : memref<!tpu.dma_semaphore, #tpu.memory_space<semaphore_mem>>)
      %dma_wait3A_231 = tpu.memref_slice %arg4[%mul3A_10] : memref<3200000xi32, #tpu.memory_space<hbm>> -> memref<2000xi32, #tpu.memory_space<hbm>>
      %dma_wait3A_232 = tpu.memref_slice %arg4[%mul3A_10] : memref<3200000xi32, #tpu.memory_space<hbm>> -> memref<2000xi32, #tpu.memory_space<hbm>>
      tpu.wait_dma2 semaphore(%arg24 : memref<!tpu.dma_semaphore, #tpu.memory_space<semaphore_mem>>) src(%dma_wait3A_232 : memref<2000xi32, #tpu.memory_space<hbm>>) dst(%arg12 : memref<2000xi32, #tpu.memory_space<vmem>>)
      %dma_wait3A_233 = tpu.memref_slice %arg5[%mul3A_10] : memref<3200000xi32, #tpu.memory_space<hbm>> -> memref<2000xi32, #tpu.memory_space<hbm>>
      %dma_wait3A_234 = tpu.memref_slice %arg5[%mul3A_10] : memref<3200000xi32, #tpu.memory_space<hbm>> -> memref<2000xi32, #tpu.memory_space<hbm>>
      tpu.wait_dma2 semaphore(%arg24 : memref<!tpu.dma_semaphore, #tpu.memory_space<semaphore_mem>>) src(%dma_wait3A_234 : memref<2000xi32, #tpu.memory_space<hbm>>) dst(%arg13 : memref<2000xi32, #tpu.memory_space<vmem>>)
      %dma_wait3A_235 = tpu.memref_slice %arg6[%mul3A_10] : memref<3200000xf32, #tpu.memory_space<hbm>> -> memref<2000xf32, #tpu.memory_space<hbm>>
      %dma_wait3A_236 = tpu.memref_slice %arg6[%mul3A_10] : memref<3200000xf32, #tpu.memory_space<hbm>> -> memref<2000xf32, #tpu.memory_space<hbm>>
      tpu.wait_dma2 semaphore(%arg24 : memref<!tpu.dma_semaphore, #tpu.memory_space<semaphore_mem>>) src(%dma_wait3A_236 : memref<2000xf32, #tpu.memory_space<hbm>>) dst(%arg14 : memref<2000xf32, #tpu.memory_space<vmem>>)
      %dma_wait3A_237 = arith.constant 0 : i32
      %dma_wait3A_238 = tpu.memref_slice %arg9[%dma_wait3A_237] : memref<100352xf32, #tpu.memory_space<vmem_shared>> -> memref<100352xf32, #tpu.memory_space<vmem_shared>>
      tpu.wait_indirect_dma semaphore(%arg28 : memref<!tpu.dma_semaphore, #tpu.memory_space<semaphore_mem>>) src(%arg15 : memref<2000xf32, #tpu.memory_space<vmem>>) dst(%dma_wait3A_238 : memref<100352xf32, #tpu.memory_space<vmem_shared>>)
      %dma_wait3A_239 = arith.constant 0 : i32
      %dma_wait3A_240 = tpu.memref_slice %arg10[%dma_wait3A_239] : memref<100352xf32, #tpu.memory_space<vmem_shared>> -> memref<100352xf32, #tpu.memory_space<vmem_shared>>
      tpu.wait_indirect_dma semaphore(%arg28 : memref<!tpu.dma_semaphore, #tpu.memory_space<semaphore_mem>>) src(%arg16 : memref<2000xf32, #tpu.memory_space<vmem>>) dst(%dma_wait3A_240 : memref<100352xf32, #tpu.memory_space<vmem_shared>>)
      %dma_start3A_241 = arith.constant 0 : i32
      %dma_start3A_242 = tpu.memref_slice %arg2[%dma_start3A_241] : memref<100000xf32, #tpu.memory_space<hbm>> -> memref<100000xf32, #tpu.memory_space<hbm>>
      tpu.enqueue_indirect_dma source(%dma_start3A_242 : memref<100000xf32, #tpu.memory_space<hbm>>) target(%arg15 : memref<2000xf32, #tpu.memory_space<vmem>>) offsets(%arg12 : memref<2000xi32, #tpu.memory_space<vmem>>) semaphore(%arg26 : memref<!tpu.dma_semaphore, #tpu.memory_space<semaphore_mem>>)
      %dma_start3A_243 = arith.constant 0 : i32
      %dma_start3A_244 = tpu.memref_slice %arg3[%dma_start3A_243] : memref<100000xf32, #tpu.memory_space<hbm>> -> memref<100000xf32, #tpu.memory_space<hbm>>
      tpu.enqueue_indirect_dma source(%dma_start3A_244 : memref<100000xf32, #tpu.memory_space<hbm>>) target(%arg16 : memref<2000xf32, #tpu.memory_space<vmem>>) offsets(%arg12 : memref<2000xi32, #tpu.memory_space<vmem>>) semaphore(%arg26 : memref<!tpu.dma_semaphore, #tpu.memory_space<semaphore_mem>>)
    }
    %scan3A_108 = arith.constant 23 : i32
    %dma_wait3A_109 = arith.constant 0 : i32
    %dma_wait3A_110 = tpu.memref_slice %arg2[%dma_wait3A_109] : memref<100000xf32, #tpu.memory_space<hbm>> -> memref<100000xf32, #tpu.memory_space<hbm>>
    tpu.wait_indirect_dma semaphore(%arg26 : memref<!tpu.dma_semaphore, #tpu.memory_space<semaphore_mem>>) src(%dma_wait3A_110 : memref<100000xf32, #tpu.memory_space<hbm>>) dst(%arg15 : memref<2000xf32, #tpu.memory_space<vmem>>)
    %dma_wait3A_111 = arith.constant 0 : i32
    %dma_wait3A_112 = tpu.memref_slice %arg3[%dma_wait3A_111] : memref<100000xf32, #tpu.memory_space<hbm>> -> memref<100000xf32, #tpu.memory_space<hbm>>
    tpu.wait_indirect_dma semaphore(%arg26 : memref<!tpu.dma_semaphore, #tpu.memory_space<semaphore_mem>>) src(%dma_wait3A_112 : memref<100000xf32, #tpu.memory_space<hbm>>) dst(%arg16 : memref<2000xf32, #tpu.memory_space<vmem>>)
    %scan3A_113 = arith.constant 0 : i32
    %scan3A_114 = arith.constant 0 : i32
    %scan3A_115 = arith.constant 125 : i32
    %scan3A_116 = arith.addi %scan3A_114, %scan3A_115 : i32
    %scan3A_117 = arith.constant 1 : i32
    scf.for %scan3A_160 = %scan3A_114 to %scan3A_116 step %scan3A_117  : i32 {
      %mul3A_161 = arith.constant 16 : i32
      %mul3A_162 = arith.muli %scan3A_160, %mul3A_161 : i32
      %get3A = arith.index_cast %mul3A_162 : i32 to index
      %get3A_163 = tpu.vector_load %arg14[%get3A] {strides = array<i32>} : memref<2000xf32, #tpu.memory_space<vmem>>, vector<16xf32>,
      %get3A_164 = vector.shape_cast %get3A_163 : vector<16xf32> to vector<16xf32>
      %neg3A = arith.constant 0.000000e+00 : f32
      %neg3A_165 = vector.broadcast %neg3A : f32 to vector<16xf32>
      %neg3A_166 = arith.subf %neg3A_165, %get3A_164 : vector<16xf32>
      %get3A_167 = arith.index_cast %mul3A_162 : i32 to index
      %get3A_168 = tpu.vector_load %arg15[%get3A_167] {strides = array<i32>} : memref<2000xf32, #tpu.memory_space<vmem>>, vector<16xf32>,
      %get3A_169 = vector.shape_cast %get3A_168 : vector<16xf32> to vector<16xf32>
      %mul3A_170 = arith.mulf %neg3A_166, %get3A_169 : vector<16xf32>
      %swap3A = arith.index_cast %mul3A_162 : i32 to index
      %swap3A_171 = tpu.vector_load %arg15[%swap3A] {strides = array<i32>} : memref<2000xf32, #tpu.memory_space<vmem>>, vector<16xf32>,
      %swap3A_172 = vector.shape_cast %swap3A_171 : vector<16xf32> to vector<16xf32>
      %swap3A_173 = vector.shape_cast %mul3A_170 : vector<16xf32> to vector<16xf32>
      tpu.vector_store %arg15[%swap3A], %swap3A_173 {strides = array<i32>} : memref<2000xf32, #tpu.memory_space<vmem>>, vector<16xf32>,
      %get3A_174 = arith.index_cast %mul3A_162 : i32 to index
      %get3A_175 = tpu.vector_load %arg16[%get3A_174] {strides = array<i32>} : memref<2000xf32, #tpu.memory_space<vmem>>, vector<16xf32>,
      %get3A_176 = vector.shape_cast %get3A_175 : vector<16xf32> to vector<16xf32>
      %mul3A_177 = arith.mulf %neg3A_166, %get3A_176 : vector<16xf32>
      %swap3A_178 = arith.index_cast %mul3A_162 : i32 to index
      %swap3A_179 = tpu.vector_load %arg16[%swap3A_178] {strides = array<i32>} : memref<2000xf32, #tpu.memory_space<vmem>>, vector<16xf32>,
      %swap3A_180 = vector.shape_cast %swap3A_179 : vector<16xf32> to vector<16xf32>
      %swap3A_181 = vector.shape_cast %mul3A_177 : vector<16xf32> to vector<16xf32>
      tpu.vector_store %arg16[%swap3A_178], %swap3A_181 {strides = array<i32>} : memref<2000xf32, #tpu.memory_space<vmem>>, vector<16xf32>,
      %get3A_182 = arith.index_cast %mul3A_162 : i32 to index
      %get3A_183 = tpu.vector_load %arg13[%get3A_182] {strides = array<i32>} : memref<2000xi32, #tpu.memory_space<vmem>>, vector<16xi32>,
      %get3A_184 = vector.shape_cast %get3A_183 : vector<16xi32> to vector<16xi32>
      %swap3A_185 = arith.index_cast %mul3A_162 : i32 to index
      %swap3A_186 = tpu.vector_load %arg17[%swap3A_185] {strides = array<i32>} : memref<2000xi32, #tpu.memory_space<vmem>>, vector<16xi32>,
      %swap3A_187 = vector.shape_cast %swap3A_186 : vector<16xi32> to vector<16xi32>
      %swap3A_188 = vector.shape_cast %get3A_184 : vector<16xi32> to vector<16xi32>
      tpu.vector_store %arg17[%swap3A_185], %swap3A_188 {strides = array<i32>} : memref<2000xi32, #tpu.memory_space<vmem>>, vector<16xi32>,
    }
    %scan3A_118 = arith.constant 125 : i32
    %dma_start3A_119 = arith.constant 0 : i32
    %dma_start3A_120 = tpu.memref_slice %arg9[%dma_start3A_119] : memref<100352xf32, #tpu.memory_space<vmem_shared>> -> memref<100352xf32, #tpu.memory_space<vmem_shared>>
    tpu.enqueue_indirect_dma source(%arg15 : memref<2000xf32, #tpu.memory_space<vmem>>) target(%dma_start3A_120 : memref<100352xf32, #tpu.memory_space<vmem_shared>>) offsets(%arg17 : memref<2000xi32, #tpu.memory_space<vmem>>) semaphore(%arg28 : memref<!tpu.dma_semaphore, #tpu.memory_space<semaphore_mem>>) {add = true}
    %dma_start3A_121 = arith.constant 0 : i32
    %dma_start3A_122 = tpu.memref_slice %arg10[%dma_start3A_121] : memref<100352xf32, #tpu.memory_space<vmem_shared>> -> memref<100352xf32, #tpu.memory_space<vmem_shared>>
    tpu.enqueue_indirect_dma source(%arg16 : memref<2000xf32, #tpu.memory_space<vmem>>) target(%dma_start3A_122 : memref<100352xf32, #tpu.memory_space<vmem_shared>>) offsets(%arg17 : memref<2000xi32, #tpu.memory_space<vmem>>) semaphore(%arg28 : memref<!tpu.dma_semaphore, #tpu.memory_space<semaphore_mem>>) {add = true}
    %dma_wait3A_123 = tpu.memref_slice %arg4[%mul3A_10] : memref<3200000xi32, #tpu.memory_space<hbm>> -> memref<2000xi32, #tpu.memory_space<hbm>>
    %dma_wait3A_124 = tpu.memref_slice %arg4[%mul3A_10] : memref<3200000xi32, #tpu.memory_space<hbm>> -> memref<2000xi32, #tpu.memory_space<hbm>>
    tpu.wait_dma2 semaphore(%arg25 : memref<!tpu.dma_semaphore, #tpu.memory_space<semaphore_mem>>) src(%dma_wait3A_124 : memref<2000xi32, #tpu.memory_space<hbm>>) dst(%arg18 : memref<2000xi32, #tpu.memory_space<vmem>>)
    %dma_wait3A_125 = tpu.memref_slice %arg5[%mul3A_10] : memref<3200000xi32, #tpu.memory_space<hbm>> -> memref<2000xi32, #tpu.memory_space<hbm>>
    %dma_wait3A_126 = tpu.memref_slice %arg5[%mul3A_10] : memref<3200000xi32, #tpu.memory_space<hbm>> -> memref<2000xi32, #tpu.memory_space<hbm>>
    tpu.wait_dma2 semaphore(%arg25 : memref<!tpu.dma_semaphore, #tpu.memory_space<semaphore_mem>>) src(%dma_wait3A_126 : memref<2000xi32, #tpu.memory_space<hbm>>) dst(%arg19 : memref<2000xi32, #tpu.memory_space<vmem>>)
    %dma_wait3A_127 = tpu.memref_slice %arg6[%mul3A_10] : memref<3200000xf32, #tpu.memory_space<hbm>> -> memref<2000xf32, #tpu.memory_space<hbm>>
    %dma_wait3A_128 = tpu.memref_slice %arg6[%mul3A_10] : memref<3200000xf32, #tpu.memory_space<hbm>> -> memref<2000xf32, #tpu.memory_space<hbm>>
    tpu.wait_dma2 semaphore(%arg25 : memref<!tpu.dma_semaphore, #tpu.memory_space<semaphore_mem>>) src(%dma_wait3A_128 : memref<2000xf32, #tpu.memory_space<hbm>>) dst(%arg20 : memref<2000xf32, #tpu.memory_space<vmem>>)
    %dma_wait3A_129 = arith.constant 0 : i32
    %dma_wait3A_130 = tpu.memref_slice %arg9[%dma_wait3A_129] : memref<100352xf32, #tpu.memory_space<vmem_shared>> -> memref<100352xf32, #tpu.memory_space<vmem_shared>>
    tpu.wait_indirect_dma semaphore(%arg29 : memref<!tpu.dma_semaphore, #tpu.memory_space<semaphore_mem>>) src(%arg21 : memref<2000xf32, #tpu.memory_space<vmem>>) dst(%dma_wait3A_130 : memref<100352xf32, #tpu.memory_space<vmem_shared>>)
    %dma_wait3A_131 = arith.constant 0 : i32
    %dma_wait3A_132 = tpu.memref_slice %arg10[%dma_wait3A_131] : memref<100352xf32, #tpu.memory_space<vmem_shared>> -> memref<100352xf32, #tpu.memory_space<vmem_shared>>
    tpu.wait_indirect_dma semaphore(%arg29 : memref<!tpu.dma_semaphore, #tpu.memory_space<semaphore_mem>>) src(%arg22 : memref<2000xf32, #tpu.memory_space<vmem>>) dst(%dma_wait3A_132 : memref<100352xf32, #tpu.memory_space<vmem_shared>>)
    %dma_start3A_133 = arith.constant 0 : i32
    %dma_start3A_134 = tpu.memref_slice %arg2[%dma_start3A_133] : memref<100000xf32, #tpu.memory_space<hbm>> -> memref<100000xf32, #tpu.memory_space<hbm>>
    tpu.enqueue_indirect_dma source(%dma_start3A_134 : memref<100000xf32, #tpu.memory_space<hbm>>) target(%arg21 : memref<2000xf32, #tpu.memory_space<vmem>>) offsets(%arg18 : memref<2000xi32, #tpu.memory_space<vmem>>) semaphore(%arg27 : memref<!tpu.dma_semaphore, #tpu.memory_space<semaphore_mem>>)
    %dma_start3A_135 = arith.constant 0 : i32
    %dma_start3A_136 = tpu.memref_slice %arg3[%dma_start3A_135] : memref<100000xf32, #tpu.memory_space<hbm>> -> memref<100000xf32, #tpu.memory_space<hbm>>
    tpu.enqueue_indirect_dma source(%dma_start3A_136 : memref<100000xf32, #tpu.memory_space<hbm>>) target(%arg22 : memref<2000xf32, #tpu.memory_space<vmem>>) offsets(%arg18 : memref<2000xi32, #tpu.memory_space<vmem>>) semaphore(%arg27 : memref<!tpu.dma_semaphore, #tpu.memory_space<semaphore_mem>>)
    %dma_wait3A_137 = arith.constant 0 : i32
    %dma_wait3A_138 = tpu.memref_slice %arg2[%dma_wait3A_137] : memref<100000xf32, #tpu.memory_space<hbm>> -> memref<100000xf32, #tpu.memory_space<hbm>>
    tpu.wait_indirect_dma semaphore(%arg27 : memref<!tpu.dma_semaphore, #tpu.memory_space<semaphore_mem>>) src(%dma_wait3A_138 : memref<100000xf32, #tpu.memory_space<hbm>>) dst(%arg21 : memref<2000xf32, #tpu.memory_space<vmem>>)
    %dma_wait3A_139 = arith.constant 0 : i32
    %dma_wait3A_140 = tpu.memref_slice %arg3[%dma_wait3A_139] : memref<100000xf32, #tpu.memory_space<hbm>> -> memref<100000xf32, #tpu.memory_space<hbm>>
    tpu.wait_indirect_dma semaphore(%arg27 : memref<!tpu.dma_semaphore, #tpu.memory_space<semaphore_mem>>) src(%dma_wait3A_140 : memref<100000xf32, #tpu.memory_space<hbm>>) dst(%arg22 : memref<2000xf32, #tpu.memory_space<vmem>>)
    %scan3A_141 = arith.constant 0 : i32
    %scan3A_142 = arith.constant 0 : i32
    %scan3A_143 = arith.constant 125 : i32
    %scan3A_144 = arith.addi %scan3A_142, %scan3A_143 : i32
    %scan3A_145 = arith.constant 1 : i32
    scf.for %scan3A_160 = %scan3A_142 to %scan3A_144 step %scan3A_145  : i32 {
      %mul3A_161 = arith.constant 16 : i32
      %mul3A_162 = arith.muli %scan3A_160, %mul3A_161 : i32
      %get3A = arith.index_cast %mul3A_162 : i32 to index
      %get3A_163 = tpu.vector_load %arg20[%get3A] {strides = array<i32>} : memref<2000xf32, #tpu.memory_space<vmem>>, vector<16xf32>,
      %get3A_164 = vector.shape_cast %get3A_163 : vector<16xf32> to vector<16xf32>
      %neg3A = arith.constant 0.000000e+00 : f32
      %neg3A_165 = vector.broadcast %neg3A : f32 to vector<16xf32>
      %neg3A_166 = arith.subf %neg3A_165, %get3A_164 : vector<16xf32>
      %get3A_167 = arith.index_cast %mul3A_162 : i32 to index
      %get3A_168 = tpu.vector_load %arg21[%get3A_167] {strides = array<i32>} : memref<2000xf32, #tpu.memory_space<vmem>>, vector<16xf32>,
      %get3A_169 = vector.shape_cast %get3A_168 : vector<16xf32> to vector<16xf32>
      %mul3A_170 = arith.mulf %neg3A_166, %get3A_169 : vector<16xf32>
      %swap3A = arith.index_cast %mul3A_162 : i32 to index
      %swap3A_171 = tpu.vector_load %arg21[%swap3A] {strides = array<i32>} : memref<2000xf32, #tpu.memory_space<vmem>>, vector<16xf32>,
      %swap3A_172 = vector.shape_cast %swap3A_171 : vector<16xf32> to vector<16xf32>
      %swap3A_173 = vector.shape_cast %mul3A_170 : vector<16xf32> to vector<16xf32>
      tpu.vector_store %arg21[%swap3A], %swap3A_173 {strides = array<i32>} : memref<2000xf32, #tpu.memory_space<vmem>>, vector<16xf32>,
      %get3A_174 = arith.index_cast %mul3A_162 : i32 to index
      %get3A_175 = tpu.vector_load %arg22[%get3A_174] {strides = array<i32>} : memref<2000xf32, #tpu.memory_space<vmem>>, vector<16xf32>,
      %get3A_176 = vector.shape_cast %get3A_175 : vector<16xf32> to vector<16xf32>
      %mul3A_177 = arith.mulf %neg3A_166, %get3A_176 : vector<16xf32>
      %swap3A_178 = arith.index_cast %mul3A_162 : i32 to index
      %swap3A_179 = tpu.vector_load %arg22[%swap3A_178] {strides = array<i32>} : memref<2000xf32, #tpu.memory_space<vmem>>, vector<16xf32>,
      %swap3A_180 = vector.shape_cast %swap3A_179 : vector<16xf32> to vector<16xf32>
      %swap3A_181 = vector.shape_cast %mul3A_177 : vector<16xf32> to vector<16xf32>
      tpu.vector_store %arg22[%swap3A_178], %swap3A_181 {strides = array<i32>} : memref<2000xf32, #tpu.memory_space<vmem>>, vector<16xf32>,
      %get3A_182 = arith.index_cast %mul3A_162 : i32 to index
      %get3A_183 = tpu.vector_load %arg19[%get3A_182] {strides = array<i32>} : memref<2000xi32, #tpu.memory_space<vmem>>, vector<16xi32>,
      %get3A_184 = vector.shape_cast %get3A_183 : vector<16xi32> to vector<16xi32>
      %swap3A_185 = arith.index_cast %mul3A_162 : i32 to index
      %swap3A_186 = tpu.vector_load %arg23[%swap3A_185] {strides = array<i32>} : memref<2000xi32, #tpu.memory_space<vmem>>, vector<16xi32>,
      %swap3A_187 = vector.shape_cast %swap3A_186 : vector<16xi32> to vector<16xi32>
      %swap3A_188 = vector.shape_cast %get3A_184 : vector<16xi32> to vector<16xi32>
      tpu.vector_store %arg23[%swap3A_185], %swap3A_188 {strides = array<i32>} : memref<2000xi32, #tpu.memory_space<vmem>>, vector<16xi32>,
    }
    %scan3A_146 = arith.constant 125 : i32
    %dma_start3A_147 = arith.constant 0 : i32
    %dma_start3A_148 = tpu.memref_slice %arg9[%dma_start3A_147] : memref<100352xf32, #tpu.memory_space<vmem_shared>> -> memref<100352xf32, #tpu.memory_space<vmem_shared>>
    tpu.enqueue_indirect_dma source(%arg21 : memref<2000xf32, #tpu.memory_space<vmem>>) target(%dma_start3A_148 : memref<100352xf32, #tpu.memory_space<vmem_shared>>) offsets(%arg23 : memref<2000xi32, #tpu.memory_space<vmem>>) semaphore(%arg29 : memref<!tpu.dma_semaphore, #tpu.memory_space<semaphore_mem>>) {add = true}
    %dma_start3A_149 = arith.constant 0 : i32
    %dma_start3A_150 = tpu.memref_slice %arg10[%dma_start3A_149] : memref<100352xf32, #tpu.memory_space<vmem_shared>> -> memref<100352xf32, #tpu.memory_space<vmem_shared>>
    tpu.enqueue_indirect_dma source(%arg22 : memref<2000xf32, #tpu.memory_space<vmem>>) target(%dma_start3A_150 : memref<100352xf32, #tpu.memory_space<vmem_shared>>) offsets(%arg23 : memref<2000xi32, #tpu.memory_space<vmem>>) semaphore(%arg29 : memref<!tpu.dma_semaphore, #tpu.memory_space<semaphore_mem>>) {add = true}
    %dma_wait3A_151 = arith.constant 0 : i32
    %dma_wait3A_152 = tpu.memref_slice %arg9[%dma_wait3A_151] : memref<100352xf32, #tpu.memory_space<vmem_shared>> -> memref<100352xf32, #tpu.memory_space<vmem_shared>>
    tpu.wait_indirect_dma semaphore(%arg28 : memref<!tpu.dma_semaphore, #tpu.memory_space<semaphore_mem>>) src(%arg15 : memref<2000xf32, #tpu.memory_space<vmem>>) dst(%dma_wait3A_152 : memref<100352xf32, #tpu.memory_space<vmem_shared>>)
    %dma_wait3A_153 = arith.constant 0 : i32
    %dma_wait3A_154 = tpu.memref_slice %arg10[%dma_wait3A_153] : memref<100352xf32, #tpu.memory_space<vmem_shared>> -> memref<100352xf32, #tpu.memory_space<vmem_shared>>
    tpu.wait_indirect_dma semaphore(%arg28 : memref<!tpu.dma_semaphore, #tpu.memory_space<semaphore_mem>>) src(%arg16 : memref<2000xf32, #tpu.memory_space<vmem>>) dst(%dma_wait3A_154 : memref<100352xf32, #tpu.memory_space<vmem_shared>>)
    %dma_wait3A_155 = arith.constant 0 : i32
    %dma_wait3A_156 = tpu.memref_slice %arg9[%dma_wait3A_155] : memref<100352xf32, #tpu.memory_space<vmem_shared>> -> memref<100352xf32, #tpu.memory_space<vmem_shared>>
    tpu.wait_indirect_dma semaphore(%arg29 : memref<!tpu.dma_semaphore, #tpu.memory_space<semaphore_mem>>) src(%arg21 : memref<2000xf32, #tpu.memory_space<vmem>>) dst(%dma_wait3A_156 : memref<100352xf32, #tpu.memory_space<vmem_shared>>)
    %dma_wait3A_157 = arith.constant 0 : i32
    %dma_wait3A_158 = tpu.memref_slice %arg10[%dma_wait3A_157] : memref<100352xf32, #tpu.memory_space<vmem_shared>> -> memref<100352xf32, #tpu.memory_space<vmem_shared>>
    tpu.wait_indirect_dma semaphore(%arg29 : memref<!tpu.dma_semaphore, #tpu.memory_space<semaphore_mem>>) src(%arg22 : memref<2000xf32, #tpu.memory_space<vmem>>) dst(%dma_wait3A_158 : memref<100352xf32, #tpu.memory_space<vmem_shared>>)
    %barrier3A_159 = arith.constant 0 : index
    tpu.barrier barrier_id(%barrier3A_159)
    "tpu.region"() ({
      %run_scoped3A = tpu.sem_alloc : memref<!tpu.dma_semaphore, #tpu.memory_space<semaphore_mem>>
      %dma_start3A_160 = tpu.memref_slice %arg7[%arg0, %mul3A_2] : memref<2x100352xf32, #tpu.memory_space<hbm>> -> memref<1x6272xf32, #tpu.memory_space<hbm>>
      %dma_start3A_161 = tpu.memref_squeeze %dma_start3A_160 : memref<1x6272xf32, #tpu.memory_space<hbm>> -> memref<6272xf32, #tpu.memory_space<hbm>>
      %dma_start3A_162 = tpu.memref_slice %arg9[%mul3A_2] : memref<100352xf32, #tpu.memory_space<vmem_shared>> -> memref<6272xf32, #tpu.memory_space<vmem_shared>>
      tpu.enqueue_dma source(%dma_start3A_162 : memref<6272xf32, #tpu.memory_space<vmem_shared>>) target(%dma_start3A_161 : memref<6272xf32, #tpu.memory_space<hbm>>) target_semaphore(%run_scoped3A : memref<!tpu.dma_semaphore, #tpu.memory_space<semaphore_mem>>)
      %dma_wait3A_163 = tpu.memref_slice %arg7[%arg0, %mul3A_2] : memref<2x100352xf32, #tpu.memory_space<hbm>> -> memref<1x6272xf32, #tpu.memory_space<hbm>>
      %dma_wait3A_164 = tpu.memref_squeeze %dma_wait3A_163 : memref<1x6272xf32, #tpu.memory_space<hbm>> -> memref<6272xf32, #tpu.memory_space<hbm>>
      %dma_wait3A_165 = tpu.memref_slice %arg9[%mul3A_2] : memref<100352xf32, #tpu.memory_space<vmem_shared>> -> memref<6272xf32, #tpu.memory_space<vmem_shared>>
      tpu.wait_dma2 semaphore(%run_scoped3A : memref<!tpu.dma_semaphore, #tpu.memory_space<semaphore_mem>>) src(%dma_wait3A_165 : memref<6272xf32, #tpu.memory_space<vmem_shared>>) dst(%dma_wait3A_164 : memref<6272xf32, #tpu.memory_space<hbm>>)
      tpu.yield
    }) : () -> ()
    "tpu.region"() ({
      %run_scoped3A = tpu.sem_alloc : memref<!tpu.dma_semaphore, #tpu.memory_space<semaphore_mem>>
      %dma_start3A_160 = tpu.memref_slice %arg8[%arg0, %mul3A_2] : memref<2x100352xf32, #tpu.memory_space<hbm>> -> memref<1x6272xf32, #tpu.memory_space<hbm>>
      %dma_start3A_161 = tpu.memref_squeeze %dma_start3A_160 : memref<1x6272xf32, #tpu.memory_space<hbm>> -> memref<6272xf32, #tpu.memory_space<hbm>>
      %dma_start3A_162 = tpu.memref_slice %arg10[%mul3A_2] : memref<100352xf32, #tpu.memory_space<vmem_shared>> -> memref<6272xf32, #tpu.memory_space<vmem_shared>>
      tpu.enqueue_dma source(%dma_start3A_162 : memref<6272xf32, #tpu.memory_space<vmem_shared>>) target(%dma_start3A_161 : memref<6272xf32, #tpu.memory_space<hbm>>) target_semaphore(%run_scoped3A : memref<!tpu.dma_semaphore, #tpu.memory_space<semaphore_mem>>)
      %dma_wait3A_163 = tpu.memref_slice %arg8[%arg0, %mul3A_2] : memref<2x100352xf32, #tpu.memory_space<hbm>> -> memref<1x6272xf32, #tpu.memory_space<hbm>>
      %dma_wait3A_164 = tpu.memref_squeeze %dma_wait3A_163 : memref<1x6272xf32, #tpu.memory_space<hbm>> -> memref<6272xf32, #tpu.memory_space<hbm>>
      %dma_wait3A_165 = tpu.memref_slice %arg10[%mul3A_2] : memref<100352xf32, #tpu.memory_space<vmem_shared>> -> memref<6272xf32, #tpu.memory_space<vmem_shared>>
      tpu.wait_dma2 semaphore(%run_scoped3A : memref<!tpu.dma_semaphore, #tpu.memory_space<semaphore_mem>>) src(%dma_wait3A_165 : memref<6272xf32, #tpu.memory_space<vmem_shared>>) dst(%dma_wait3A_164 : memref<6272xf32, #tpu.memory_space<hbm>>)
      tpu.yield
    }) : () -> ()
    return
  }
}

module attributes {stable_mosaic.version = 14 : i64} {
  func.func @body(%arg0: memref<784x128xf32, #tpu.memory_space<vmem>>, %arg1: memref<784x128xf32, #tpu.memory_space<vmem>>, %arg2: memref<784x128xf32, #tpu.memory_space<vmem>>, %arg3: memref<784x128xf32, #tpu.memory_space<vmem>>, %arg4: memref<784x128xf32, #tpu.memory_space<vmem>>, %arg5: memref<784x128xf32, #tpu.memory_space<vmem>>) attributes {dimension_semantics = [], scalar_prefetch = 0 : i64, scratch_operands = 0 : i64, tpu.core_type = #tpu.core_type<tc>} {
    %get3A = arith.constant 0 : index
    %get3A_0 = arith.constant 0 : index
    %get3A_1 = vector.load %arg0[%get3A, %get3A_0] : memref<784x128xf32, #tpu.memory_space<vmem>>, vector<784x128xf32>
    %get3A_2 = arith.constant 0 : index
    %get3A_3 = arith.constant 0 : index
    %get3A_4 = vector.load %arg2[%get3A_2, %get3A_3] : memref<784x128xf32, #tpu.memory_space<vmem>>, vector<784x128xf32>
    %add3A = arith.addf %get3A_1, %get3A_4 : vector<784x128xf32>
    %swap3A = arith.constant 0 : index
    %swap3A_5 = arith.constant 0 : index
    %swap3A_6 = vector.load %arg4[%swap3A, %swap3A_5] : memref<784x128xf32, #tpu.memory_space<vmem>>, vector<784x128xf32>
    tpu.vector_store %arg4[%swap3A, %swap3A_5], %add3A {strides = array<i32>} : memref<784x128xf32, #tpu.memory_space<vmem>>, vector<784x128xf32>,
    %get3A_7 = arith.constant 0 : index
    %get3A_8 = arith.constant 0 : index
    %get3A_9 = vector.load %arg1[%get3A_7, %get3A_8] : memref<784x128xf32, #tpu.memory_space<vmem>>, vector<784x128xf32>
    %get3A_10 = arith.constant 0 : index
    %get3A_11 = arith.constant 0 : index
    %get3A_12 = vector.load %arg3[%get3A_10, %get3A_11] : memref<784x128xf32, #tpu.memory_space<vmem>>, vector<784x128xf32>
    %add3A_13 = arith.addf %get3A_9, %get3A_12 : vector<784x128xf32>
    %swap3A_14 = arith.constant 0 : index
    %swap3A_15 = arith.constant 0 : index
    %swap3A_16 = vector.load %arg5[%swap3A_14, %swap3A_15] : memref<784x128xf32, #tpu.memory_space<vmem>>, vector<784x128xf32>
    tpu.vector_store %arg5[%swap3A_14, %swap3A_15], %add3A_13 {strides = array<i32>} : memref<784x128xf32, #tpu.memory_space<vmem>>, vector<784x128xf32>,
    return
  }
}

module attributes {stable_mosaic.version = 14 : i64} {
  func.func @body(%arg0: memref<784x128xf32, #tpu.memory_space<vmem>>, %arg1: memref<784x128xf32, #tpu.memory_space<vmem>>, %arg2: memref<784x128xf32, #tpu.memory_space<vmem>>, %arg3: memref<784x128xf32, #tpu.memory_space<vmem>>, %arg4: memref<784x128xf32, #tpu.memory_space<vmem>>, %arg5: memref<784x128xf32, #tpu.memory_space<vmem>>, %arg6: memref<2x784x128xf32, #tpu.memory_space<vmem>>, %arg7: memref<2x784x128xf32, #tpu.memory_space<vmem>>, %arg8: memref<2x784x128xf32, #tpu.memory_space<vmem>>, %arg9: memref<2x784x128xf32, #tpu.memory_space<vmem>>, %arg10: memref<2x784x128xf32, #tpu.memory_space<vmem>>, %arg11: memref<784x128xf32, #tpu.memory_space<vmem>>, %arg12: memref<784x128xf32, #tpu.memory_space<vmem>>, %arg13: memref<784x128xf32, #tpu.memory_space<vmem>>, %arg14: memref<784x128xf32, #tpu.memory_space<vmem>>) attributes {dimension_semantics = [], scalar_prefetch = 0 : i64, scratch_operands = 0 : i64, tpu.core_type = #tpu.core_type<tc>} {
    %get3A = arith.constant 0 : index
    %get3A_0 = arith.constant 0 : index
    %get3A_1 = arith.constant 0 : index
    %get3A_2 = vector.load %arg6[%get3A, %get3A_0, %get3A_1] : memref<2x784x128xf32, #tpu.memory_space<vmem>>, vector<1x784x128xf32>
    %get3A_3 = vector.shape_cast %get3A_2 : vector<1x784x128xf32> to vector<784x128xf32>
    %get3A_4 = arith.constant 1 : index
    %get3A_5 = arith.constant 0 : index
    %get3A_6 = arith.constant 0 : index
    %get3A_7 = vector.load %arg6[%get3A_4, %get3A_5, %get3A_6] : memref<2x784x128xf32, #tpu.memory_space<vmem>>, vector<1x784x128xf32>
    %get3A_8 = vector.shape_cast %get3A_7 : vector<1x784x128xf32> to vector<784x128xf32>
    %add3A = arith.addf %get3A_3, %get3A_8 : vector<784x128xf32>
    %get3A_9 = arith.constant 0 : index
    %get3A_10 = arith.constant 0 : index
    %get3A_11 = arith.constant 0 : index
    %get3A_12 = vector.load %arg7[%get3A_9, %get3A_10, %get3A_11] : memref<2x784x128xf32, #tpu.memory_space<vmem>>, vector<1x784x128xf32>
    %get3A_13 = vector.shape_cast %get3A_12 : vector<1x784x128xf32> to vector<784x128xf32>
    %get3A_14 = arith.constant 1 : index
    %get3A_15 = arith.constant 0 : index
    %get3A_16 = arith.constant 0 : index
    %get3A_17 = vector.load %arg7[%get3A_14, %get3A_15, %get3A_16] : memref<2x784x128xf32, #tpu.memory_space<vmem>>, vector<1x784x128xf32>
    %get3A_18 = vector.shape_cast %get3A_17 : vector<1x784x128xf32> to vector<784x128xf32>
    %add3A_19 = arith.addf %get3A_13, %get3A_18 : vector<784x128xf32>
    %get3A_20 = arith.constant 0 : index
    %get3A_21 = arith.constant 0 : index
    %get3A_22 = arith.constant 0 : index
    %get3A_23 = vector.load %arg8[%get3A_20, %get3A_21, %get3A_22] : memref<2x784x128xf32, #tpu.memory_space<vmem>>, vector<1x784x128xf32>
    %get3A_24 = vector.shape_cast %get3A_23 : vector<1x784x128xf32> to vector<784x128xf32>
    %get3A_25 = arith.constant 1 : index
    %get3A_26 = arith.constant 0 : index
    %get3A_27 = arith.constant 0 : index
    %get3A_28 = vector.load %arg8[%get3A_25, %get3A_26, %get3A_27] : memref<2x784x128xf32, #tpu.memory_space<vmem>>, vector<1x784x128xf32>
    %get3A_29 = vector.shape_cast %get3A_28 : vector<1x784x128xf32> to vector<784x128xf32>
    %add3A_30 = arith.addf %get3A_24, %get3A_29 : vector<784x128xf32>
    %get3A_31 = arith.constant 0 : index
    %get3A_32 = arith.constant 0 : index
    %get3A_33 = arith.constant 0 : index
    %get3A_34 = vector.load %arg9[%get3A_31, %get3A_32, %get3A_33] : memref<2x784x128xf32, #tpu.memory_space<vmem>>, vector<1x784x128xf32>
    %get3A_35 = vector.shape_cast %get3A_34 : vector<1x784x128xf32> to vector<784x128xf32>
    %get3A_36 = arith.constant 1 : index
    %get3A_37 = arith.constant 0 : index
    %get3A_38 = arith.constant 0 : index
    %get3A_39 = vector.load %arg9[%get3A_36, %get3A_37, %get3A_38] : memref<2x784x128xf32, #tpu.memory_space<vmem>>, vector<1x784x128xf32>
    %get3A_40 = vector.shape_cast %get3A_39 : vector<1x784x128xf32> to vector<784x128xf32>
    %add3A_41 = arith.addf %get3A_35, %get3A_40 : vector<784x128xf32>
    %get3A_42 = arith.constant 0 : index
    %get3A_43 = arith.constant 0 : index
    %get3A_44 = arith.constant 0 : index
    %get3A_45 = vector.load %arg10[%get3A_42, %get3A_43, %get3A_44] : memref<2x784x128xf32, #tpu.memory_space<vmem>>, vector<1x784x128xf32>
    %get3A_46 = vector.shape_cast %get3A_45 : vector<1x784x128xf32> to vector<784x128xf32>
    %get3A_47 = arith.constant 1 : index
    %get3A_48 = arith.constant 0 : index
    %get3A_49 = arith.constant 0 : index
    %get3A_50 = vector.load %arg10[%get3A_47, %get3A_48, %get3A_49] : memref<2x784x128xf32, #tpu.memory_space<vmem>>, vector<1x784x128xf32>
    %get3A_51 = vector.shape_cast %get3A_50 : vector<1x784x128xf32> to vector<784x128xf32>
    %add3A_52 = arith.addf %get3A_46, %get3A_51 : vector<784x128xf32>
    %mul3A = arith.mulf %add3A_30, %add3A_30 : vector<784x128xf32>
    %add3A_53 = arith.addf %mul3A, %add3A_41 : vector<784x128xf32>
    %add3A_54 = arith.constant 2.000000e+00 : f32
    %add3A_55 = vector.broadcast %add3A_54 : f32 to vector<784x128xf32>
    %add3A_56 = arith.addf %add3A_55, %add3A_53 : vector<784x128xf32>
    %div3A = arith.constant 1.000000e+00 : f32
    %div3A_57 = vector.broadcast %div3A : f32 to vector<784x128xf32>
    %div3A_58 = arith.divf %div3A_57, %add3A_56 : vector<784x128xf32>
    %get3A_59 = arith.constant 0 : index
    %get3A_60 = arith.constant 0 : index
    %get3A_61 = vector.load %arg4[%get3A_59, %get3A_60] : memref<784x128xf32, #tpu.memory_space<vmem>>, vector<784x128xf32>
    %mul3A_62 = arith.constant 2.000000e+00 : f32
    %mul3A_63 = vector.broadcast %mul3A_62 : f32 to vector<784x128xf32>
    %mul3A_64 = arith.mulf %mul3A_63, %get3A_61 : vector<784x128xf32>
    %sub3A = arith.subf %mul3A_64, %add3A : vector<784x128xf32>
    %get3A_65 = arith.constant 0 : index
    %get3A_66 = arith.constant 0 : index
    %get3A_67 = vector.load %arg2[%get3A_65, %get3A_66] : memref<784x128xf32, #tpu.memory_space<vmem>>, vector<784x128xf32>
    %mul3A_68 = arith.mulf %add3A_30, %get3A_67 : vector<784x128xf32>
    %sub3A_69 = arith.subf %sub3A, %mul3A_68 : vector<784x128xf32>
    %get3A_70 = arith.constant 0 : index
    %get3A_71 = arith.constant 0 : index
    %get3A_72 = vector.load %arg0[%get3A_70, %get3A_71] : memref<784x128xf32, #tpu.memory_space<vmem>>, vector<784x128xf32>
    %mul3A_73 = arith.mulf %add3A_53, %get3A_72 : vector<784x128xf32>
    %add3A_74 = arith.addf %sub3A_69, %mul3A_73 : vector<784x128xf32>
    %mul3A_75 = arith.mulf %add3A_74, %div3A_58 : vector<784x128xf32>
    %swap3A = arith.constant 0 : index
    %swap3A_76 = arith.constant 0 : index
    %swap3A_77 = vector.load %arg11[%swap3A, %swap3A_76] : memref<784x128xf32, #tpu.memory_space<vmem>>, vector<784x128xf32>
    tpu.vector_store %arg11[%swap3A, %swap3A_76], %mul3A_75 {strides = array<i32>} : memref<784x128xf32, #tpu.memory_space<vmem>>, vector<784x128xf32>,
    %get3A_78 = arith.constant 0 : index
    %get3A_79 = arith.constant 0 : index
    %get3A_80 = vector.load %arg5[%get3A_78, %get3A_79] : memref<784x128xf32, #tpu.memory_space<vmem>>, vector<784x128xf32>
    %mul3A_81 = arith.constant 2.000000e+00 : f32
    %mul3A_82 = vector.broadcast %mul3A_81 : f32 to vector<784x128xf32>
    %mul3A_83 = arith.mulf %mul3A_82, %get3A_80 : vector<784x128xf32>
    %sub3A_84 = arith.subf %mul3A_83, %add3A_19 : vector<784x128xf32>
    %get3A_85 = arith.constant 0 : index
    %get3A_86 = arith.constant 0 : index
    %get3A_87 = vector.load %arg3[%get3A_85, %get3A_86] : memref<784x128xf32, #tpu.memory_space<vmem>>, vector<784x128xf32>
    %mul3A_88 = arith.mulf %add3A_30, %get3A_87 : vector<784x128xf32>
    %sub3A_89 = arith.subf %sub3A_84, %mul3A_88 : vector<784x128xf32>
    %get3A_90 = arith.constant 0 : index
    %get3A_91 = arith.constant 0 : index
    %get3A_92 = vector.load %arg1[%get3A_90, %get3A_91] : memref<784x128xf32, #tpu.memory_space<vmem>>, vector<784x128xf32>
    %mul3A_93 = arith.mulf %add3A_53, %get3A_92 : vector<784x128xf32>
    %add3A_94 = arith.addf %sub3A_89, %mul3A_93 : vector<784x128xf32>
    %mul3A_95 = arith.mulf %add3A_94, %div3A_58 : vector<784x128xf32>
    %swap3A_96 = arith.constant 0 : index
    %swap3A_97 = arith.constant 0 : index
    %swap3A_98 = vector.load %arg12[%swap3A_96, %swap3A_97] : memref<784x128xf32, #tpu.memory_space<vmem>>, vector<784x128xf32>
    tpu.vector_store %arg12[%swap3A_96, %swap3A_97], %mul3A_95 {strides = array<i32>} : memref<784x128xf32, #tpu.memory_space<vmem>>, vector<784x128xf32>,
    %swap3A_99 = arith.constant 0 : index
    %swap3A_100 = arith.constant 0 : index
    %swap3A_101 = vector.load %arg13[%swap3A_99, %swap3A_100] : memref<784x128xf32, #tpu.memory_space<vmem>>, vector<784x128xf32>
    tpu.vector_store %arg13[%swap3A_99, %swap3A_100], %add3A_30 {strides = array<i32>} : memref<784x128xf32, #tpu.memory_space<vmem>>, vector<784x128xf32>,
    %add3A_102 = arith.constant 1.000000e+00 : f32
    %add3A_103 = vector.broadcast %add3A_102 : f32 to vector<784x128xf32>
    %add3A_104 = arith.addf %add3A_103, %add3A_52 : vector<784x128xf32>
    %div3A_105 = arith.constant 1.000000e+00 : f32
    %div3A_106 = vector.broadcast %div3A_105 : f32 to vector<784x128xf32>
    %div3A_107 = arith.divf %div3A_106, %add3A_104 : vector<784x128xf32>
    %swap3A_108 = arith.constant 0 : index
    %swap3A_109 = arith.constant 0 : index
    %swap3A_110 = vector.load %arg14[%swap3A_108, %swap3A_109] : memref<784x128xf32, #tpu.memory_space<vmem>>, vector<784x128xf32>
    tpu.vector_store %arg14[%swap3A_108, %swap3A_109], %div3A_107 {strides = array<i32>} : memref<784x128xf32, #tpu.memory_space<vmem>>, vector<784x128xf32>,
    return
  }
}

module attributes {stable_mosaic.version = 14 : i64} {
  func.func @body(%arg0: memref<2x784x128xf32, #tpu.memory_space<vmem>>, %arg1: memref<2x784x128xf32, #tpu.memory_space<vmem>>, %arg2: memref<784x128xf32, #tpu.memory_space<vmem>>, %arg3: memref<784x128xf32, #tpu.memory_space<vmem>>, %arg4: memref<784x128xf32, #tpu.memory_space<vmem>>, %arg5: memref<784x128xf32, #tpu.memory_space<vmem>>, %arg6: memref<784x128xf32, #tpu.memory_space<vmem>>, %arg7: memref<784x128xf32, #tpu.memory_space<vmem>>, %arg8: memref<784x128xf32, #tpu.memory_space<vmem>>, %arg9: memref<784x128xf32, #tpu.memory_space<vmem>>, %arg10: memref<784x128xf32, #tpu.memory_space<vmem>>, %arg11: memref<784x128xf32, #tpu.memory_space<vmem>>) attributes {dimension_semantics = [], scalar_prefetch = 0 : i64, scratch_operands = 0 : i64, tpu.core_type = #tpu.core_type<tc>} {
    %get3A = arith.constant 0 : index
    %get3A_0 = arith.constant 0 : index
    %get3A_1 = arith.constant 0 : index
    %get3A_2 = vector.load %arg0[%get3A, %get3A_0, %get3A_1] : memref<2x784x128xf32, #tpu.memory_space<vmem>>, vector<1x784x128xf32>
    %get3A_3 = vector.shape_cast %get3A_2 : vector<1x784x128xf32> to vector<784x128xf32>
    %get3A_4 = arith.constant 1 : index
    %get3A_5 = arith.constant 0 : index
    %get3A_6 = arith.constant 0 : index
    %get3A_7 = vector.load %arg0[%get3A_4, %get3A_5, %get3A_6] : memref<2x784x128xf32, #tpu.memory_space<vmem>>, vector<1x784x128xf32>
    %get3A_8 = vector.shape_cast %get3A_7 : vector<1x784x128xf32> to vector<784x128xf32>
    %add3A = arith.addf %get3A_3, %get3A_8 : vector<784x128xf32>
    %get3A_9 = arith.constant 0 : index
    %get3A_10 = arith.constant 0 : index
    %get3A_11 = arith.constant 0 : index
    %get3A_12 = vector.load %arg1[%get3A_9, %get3A_10, %get3A_11] : memref<2x784x128xf32, #tpu.memory_space<vmem>>, vector<1x784x128xf32>
    %get3A_13 = vector.shape_cast %get3A_12 : vector<1x784x128xf32> to vector<784x128xf32>
    %get3A_14 = arith.constant 1 : index
    %get3A_15 = arith.constant 0 : index
    %get3A_16 = arith.constant 0 : index
    %get3A_17 = vector.load %arg1[%get3A_14, %get3A_15, %get3A_16] : memref<2x784x128xf32, #tpu.memory_space<vmem>>, vector<1x784x128xf32>
    %get3A_18 = vector.shape_cast %get3A_17 : vector<1x784x128xf32> to vector<784x128xf32>
    %add3A_19 = arith.addf %get3A_13, %get3A_18 : vector<784x128xf32>
    %get3A_20 = arith.constant 0 : index
    %get3A_21 = arith.constant 0 : index
    %get3A_22 = vector.load %arg5[%get3A_20, %get3A_21] : memref<784x128xf32, #tpu.memory_space<vmem>>, vector<784x128xf32>
    %get3A_23 = arith.constant 0 : index
    %get3A_24 = arith.constant 0 : index
    %get3A_25 = vector.load %arg4[%get3A_23, %get3A_24] : memref<784x128xf32, #tpu.memory_space<vmem>>, vector<784x128xf32>
    %get3A_26 = arith.constant 0 : index
    %get3A_27 = arith.constant 0 : index
    %get3A_28 = vector.load %arg2[%get3A_26, %get3A_27] : memref<784x128xf32, #tpu.memory_space<vmem>>, vector<784x128xf32>
    %mul3A = arith.mulf %get3A_25, %get3A_28 : vector<784x128xf32>
    %add3A_29 = arith.addf %add3A, %mul3A : vector<784x128xf32>
    %mul3A_30 = arith.mulf %get3A_22, %add3A_29 : vector<784x128xf32>
    %get3A_31 = arith.constant 0 : index
    %get3A_32 = arith.constant 0 : index
    %get3A_33 = vector.load %arg5[%get3A_31, %get3A_32] : memref<784x128xf32, #tpu.memory_space<vmem>>, vector<784x128xf32>
    %get3A_34 = arith.constant 0 : index
    %get3A_35 = arith.constant 0 : index
    %get3A_36 = vector.load %arg4[%get3A_34, %get3A_35] : memref<784x128xf32, #tpu.memory_space<vmem>>, vector<784x128xf32>
    %get3A_37 = arith.constant 0 : index
    %get3A_38 = arith.constant 0 : index
    %get3A_39 = vector.load %arg3[%get3A_37, %get3A_38] : memref<784x128xf32, #tpu.memory_space<vmem>>, vector<784x128xf32>
    %mul3A_40 = arith.mulf %get3A_36, %get3A_39 : vector<784x128xf32>
    %add3A_41 = arith.addf %add3A_19, %mul3A_40 : vector<784x128xf32>
    %mul3A_42 = arith.mulf %get3A_33, %add3A_41 : vector<784x128xf32>
    %swap3A = arith.constant 0 : index
    %swap3A_43 = arith.constant 0 : index
    %swap3A_44 = vector.load %arg8[%swap3A, %swap3A_43] : memref<784x128xf32, #tpu.memory_space<vmem>>, vector<784x128xf32>
    tpu.vector_store %arg8[%swap3A, %swap3A_43], %mul3A_30 {strides = array<i32>} : memref<784x128xf32, #tpu.memory_space<vmem>>, vector<784x128xf32>,
    %swap3A_45 = arith.constant 0 : index
    %swap3A_46 = arith.constant 0 : index
    %swap3A_47 = vector.load %arg9[%swap3A_45, %swap3A_46] : memref<784x128xf32, #tpu.memory_space<vmem>>, vector<784x128xf32>
    tpu.vector_store %arg9[%swap3A_45, %swap3A_46], %mul3A_42 {strides = array<i32>} : memref<784x128xf32, #tpu.memory_space<vmem>>, vector<784x128xf32>,
    %get3A_48 = arith.constant 0 : index
    %get3A_49 = arith.constant 0 : index
    %get3A_50 = vector.load %arg6[%get3A_48, %get3A_49] : memref<784x128xf32, #tpu.memory_space<vmem>>, vector<784x128xf32>
    %add3A_51 = arith.addf %get3A_50, %mul3A_30 : vector<784x128xf32>
    %swap3A_52 = arith.constant 0 : index
    %swap3A_53 = arith.constant 0 : index
    %swap3A_54 = vector.load %arg10[%swap3A_52, %swap3A_53] : memref<784x128xf32, #tpu.memory_space<vmem>>, vector<784x128xf32>
    tpu.vector_store %arg10[%swap3A_52, %swap3A_53], %add3A_51 {strides = array<i32>} : memref<784x128xf32, #tpu.memory_space<vmem>>, vector<784x128xf32>,
    %get3A_55 = arith.constant 0 : index
    %get3A_56 = arith.constant 0 : index
    %get3A_57 = vector.load %arg7[%get3A_55, %get3A_56] : memref<784x128xf32, #tpu.memory_space<vmem>>, vector<784x128xf32>
    %add3A_58 = arith.addf %get3A_57, %mul3A_42 : vector<784x128xf32>
    %swap3A_59 = arith.constant 0 : index
    %swap3A_60 = arith.constant 0 : index
    %swap3A_61 = vector.load %arg11[%swap3A_59, %swap3A_60] : memref<784x128xf32, #tpu.memory_space<vmem>>, vector<784x128xf32>
    tpu.vector_store %arg11[%swap3A_59, %swap3A_60], %add3A_58 {strides = array<i32>} : memref<784x128xf32, #tpu.memory_space<vmem>>, vector<784x128xf32>,
    return
  }
}

</mosaic_0001>

<sc_bundles>
// kernel: kernel.10.cloned.1.call-start
scs
__scs_entry_jumppad:
0x0: {  	(pc) =	sbr.rel $0x88, $3  }
0x1: {  	(tag) =	ssettag $0x0;
	lr =	simm.s32 $0x1  }
0x2: {  	[smem:$0x3F9A] =	sst lr;
	_ =	strace $0xD0000000  }
0x3: {  	_ = 	snop  }
0x4: {  	_ = 	snop  }
0x5: {  	_ = 	snop  }
0x6: {  	_ = 	snop  }
0x7: {  	_ = 	snop  }
__scs_overlays_trampoline_lowered:
0x8: {  	[smem:$0x3FA9] =	sst s0  }
0x9: {  	[smem:$0x3FAA] =	sst s1  }
0xa: {  	[smem:$0x3FAB] =	sst s2  }
0xb: {  	[smem:$0x3FAC] =	sst s3  }
0xc: {  	[smem:$0x3FAD] =	sst s4  }
0xd: {  	[smem:$0x3FAE] =	sst s5  }
0xe: {  	[smem:$0x3FAF] =	sst s6  }
0xf: {  	[smem:$0x3FB0] =	sst s7  }
0x10: {  	[smem:$0x3FB1] =	sst s8  }
0x11: {  	[smem:$0x3FB2] =	sst s9;
	s0 =	simm.s32 @!p0 $0x0  }
0x12: {  	s1 =	sld [smem:$0x3F98];
	s0 =	simm.s32 @p0 $0x1  }
0x13: {  	[smem:$0x3FB3] =	sst s0;
	s0 =	simm.s32 @!p1 $0x0  }
0x14: {  	s2 =	sld [smem:$0x3F97];
	s0 =	simm.s32 @p1 $0x1  }
0x15: {  	[smem:$0x3FB4] =	sst s0;
	s0 =	simm.s32 @!p2 $0x0  }
0x16: {  	s3 =	sld [smem:$0x3FDB];
	s0 =	simm.s32 @p2 $0x1  }
0x17: {  	s4 =	simm.s32 $0x1BF5;
	[smem:$0x3FB6] =	sst s0  }
0x18: {  	s0 =	sld [smem:$0x3F99];
	_ =	swait.ge [sflag:s4], $0x0  }
0x19: {  	s7 =	sld [smem:$0x3F9A]  }
0x1a: {  	s8 =	sadd.s32 $0xFFFFE003, lr  }
0x1b: {  	s9 =	sadd.s32 $0xFFFFFEF7, lr;
	s5 =	simm.s32 $0xFFFFFFFF;
	p2 =	slt.u32 s8, $0xFFFFF086  }
0x1c: {  	p1 =	slt.u32 s9, $0xF7A;
	s5 =	simm.s32 @!p2 $0x0  }
0x1d: {  	s5 =	simm.s32 @p1 $0x1;
	p0 =	seq.s32 s7, s2  }
0x1e: {  	s7 =	smul.u32 @!p0 $0xF7A, s2;
	p2 =	seq.s32 @!p0 s5, $0x0  }
0x1f: {  	s9 =	smul.u32 $0xF7A, s1;
	s8 =	simm.s32 @!p0 $0x1BF5;
	p2 =	por !p2, p0  }
0x20: {  	[sflag:s8] =	ssyncset.s32 @!p0 $0xFFFFF086;
	s6 =	sadd.s32 @!p0 s3, s7;
	s7 =	simm.s32 @!p0 $0x108  }
0x21: {  	s3 =	sadd.s32 s3, s9;
	s6 =	sadd.s32 @!p0 $0x88, s6;
	s7 =	simm.s32 @p2 $0x1082  }
0x22: {  	[simem:s7], [sflag:s8] =	dma.local @!p0 [hbm:s6], $0xF7A  }
0x23: {  	s9 =	sor.u32 $0xD0000000, s2;
	s6 =	simm.s32 $0x108;
	_ =	swait.ge @!p0 [sflag:s8], $0x0  }
0x24: {  	s3 =	sadd.s32 $0x88, s3;
	s6 =	simm.s32 @!p1 $0x1082;
	[sflag:s4] =	ssyncset.s32 $0xFFFFF086  }
0x25: {  	[simem:s6], [sflag:s4] =	dma.local [hbm:s3], $0xF7A  }
0x26: {  	[smem:$0x3F9A] =	sst s1;
	(tag) =	ssettag s2;
	_ =	strace s9  }
0x27: {  	s1 =	sld [smem:$0x3FAA]  }
0x28: {  	s2 =	sld [smem:$0x3FAB]  }
0x29: {  	s4 =	sld [smem:$0x3FAD]  }
0x2a: {  	p0 =	seq.s32 s5, $0x0;
	s5 =	sld [smem:$0x3FAE]  }
0x2b: {  	s6 =	sld [smem:$0x3FAF]  }
0x2c: {  	s7 =	sld [smem:$0x3FB0]  }
0x2d: {  	s3 =	simm.s32 $0x108;
	s8 =	sld [smem:$0x3FB1]  }
0x2e: {  	s3 =	simm.s32 @!p0 $0x1082;
	s9 =	sld [smem:$0x3FB2]  }
0x2f: {  	lr =	sadd.s32 s0, s3;
	s0 =	sld [smem:$0x3FA9]  }
0x30: {  	s3 =	sld [smem:$0x3FAC]  }
0x31: {  	[smem:$0x3FB5] =	sst s10  }
0x32: {  	s10 =	sld [smem:$0x3FB3];
	_ =	sdelay $0x3  }
0x33: {  	p0 =	seq.s32 s10, $0x1;
	s10 =	sld [smem:$0x3FB5];
	_ =	sdelay $0x3  }
0x34: {  	[smem:$0x3FB5] =	sst s10  }
0x35: {  	s10 =	sld [smem:$0x3FB4];
	_ =	sdelay $0x3  }
0x36: {  	p1 =	seq.s32 s10, $0x1;
	s10 =	sld [smem:$0x3FB5];
	_ =	sdelay $0x3  }
0x37: {  	[smem:$0x3FB5] =	sst s10  }
0x38: {  	s10 =	sld [smem:$0x3FB6]  }
0x39: {  	_ = 	snop;
	(pc) =	sbr.ind lr, $3  }
0x3a: {  	_ = 	snop  }
0x3b: {  	_ = 	snop  }
0x3c: {  	p2 =	seq.s32 s10, $0x1;
	s10 =	sld [smem:$0x3FB5]  }
0x3d: {  	_ =	shalt  }
0x3e: {  	_ =	shalt  }
0x3f: {  	_ =	shalt  }
0x40: {  	_ =	shalt  }
0x41: {  	_ =	shalt  }
0x42: {  	_ =	shalt  }
0x43: {  	_ =	shalt  }
0x44: {  	_ =	shalt  }
0x45: {  	_ =	shalt  }
0x46: {  	_ =	shalt  }
0x47: {  	_ =	shalt  }
0x48: {  	_ =	shalt  }
0x49: {  	_ =	shalt  }
0x4a: {  	_ =	shalt  }
0x4b: {  	_ =	shalt  }
0x4c: {  	_ =	shalt  }
0x4d: {  	_ =	shalt  }
0x4e: {  	_ =	shalt  }
0x4f: {  	_ =	shalt  }
0x50: {  	_ =	shalt  }
0x51: {  	_ =	shalt  }
0x52: {  	_ =	shalt  }
0x53: {  	_ =	shalt  }
0x54: {  	_ =	shalt  }
0x55: {  	_ =	shalt  }
0x56: {  	_ =	shalt  }
0x57: {  	_ =	shalt  }
0x58: {  	_ =	shalt  }
0x59: {  	_ =	shalt  }
0x5a: {  	_ =	shalt  }
0x5b: {  	_ =	shalt  }
0x5c: {  	_ =	shalt  }
0x5d: {  	_ =	shalt  }
0x5e: {  	_ =	shalt  }
0x5f: {  	_ =	shalt  }
0x60: {  	_ =	shalt  }
0x61: {  	_ =	shalt  }
0x62: {  	_ =	shalt  }
0x63: {  	_ =	shalt  }
0x64: {  	_ =	shalt  }
0x65: {  	_ =	shalt  }
0x66: {  	_ =	shalt  }
0x67: {  	_ =	shalt  }
0x68: {  	_ =	shalt  }
0x69: {  	_ =	shalt  }
0x6a: {  	_ =	shalt  }
0x6b: {  	_ =	shalt  }
0x6c: {  	_ =	shalt  }
0x6d: {  	_ =	shalt  }
0x6e: {  	_ =	shalt  }
0x6f: {  	_ =	shalt  }
0x70: {  	_ =	shalt  }
0x71: {  	_ =	shalt  }
0x72: {  	_ =	shalt  }
0x73: {  	_ =	shalt  }
0x74: {  	_ =	shalt  }
0x75: {  	_ =	shalt  }
0x76: {  	_ =	shalt  }
0x77: {  	_ =	shalt  }
0x78: {  	_ =	shalt  }
0x79: {  	_ =	shalt  }
0x7a: {  	_ =	shalt  }
0x7b: {  	_ =	shalt  }
0x7c: {  	_ =	shalt  }
0x7d: {  	_ =	shalt  }
0x7e: {  	_ =	shalt  }
0x7f: {  	_ =	shalt  }
0x80: {  	_ =	shalt  }
0x81: {  	_ =	shalt  }
0x82: {  	_ =	shalt  }
0x83: {  	_ =	shalt  }
0x84: {  	_ =	shalt  }
0x85: {  	_ =	shalt  }
0x86: {  	_ =	shalt  }
0x87: {  	_ =	shalt  }
.Lfunc_end0:
.L_simem_size_0:
called_computation.1_lowered:
.L_overlay_start_0:
0x88: {  	s2 =	sld [smem:$0x3FD9]  }
0x89: {  	s3 =	sld [smem:$0x3FFE];
	_ =	sdelay $0x1  }
0x8a: {  	s1 =	srdreg.scid  }
0x8b: {  	s0 =	sand.u32 $0x1, s1  }
0x8c: {  	s14 =	sshll.u32 s0, $0xA;
	s2 =	sadd.s32 s3, s2  }
0x8d: {  	s2 =	sadd.s32 s2, s14  }
0x8e: {  	[smem:$0x3FC1] =	sst s2  }
0x8f: {  	_ = 	snop  }
0x90: {  	s2 =	sld [smem:$0x3FD0]  }
0x91: {  	s15 =	sld [smem:$0x3FC5]  }
0x92: {  	s4 =	sld [smem:$0x3FC4]  }
0x93: {  	s6 =	simm.s32 $0xA;
	s7 =	simm.s32 $0x10;
	s5 =	sld [smem:$0x3FC3]  }
0x94: {  	[smem:s7], [sflag:s6] =	dma.local [hbm:s2], $0x1  }
0x95: {  	_ =	swait.eq [sflag:s6], $0x1  }
0x96: {  	[sflag:s6] =	ssyncset.done $0x0  }
0x97: {  	s16 =	sld [smem:$0x11];
	[sflag:s6] =	ssyncadd.s32 $0xFFFFFFFF  }
0x98: {  	s17 =	sld [smem:$0x12];
	(tm) =	ssettm $0x1  }
0x99: {  	s18 =	sld [smem:$0x3FFB];
	_ =	sdelay $0x3  }
0x9a: {  	_ =	strace s18  }
0x9b: {  	s7 =	sld [smem:$0x3FFC];
	_ =	sdelay $0x3  }
0x9c: {  	_ =	strace s7  }
0x9d: {  	s7 =	sld [smem:$0x3FFD];
	_ =	sdelay $0x3  }
0x9e: {  	_ =	strace s7  }
0x9f: {  	_ =	strace $0x8FFFFFFF  }
0xa0: {  	s19 =	sld [smem:$0x3FDB];
	_ =	sdelay $0x1  }
0xa1: {  	s8 =	simm.s32 $_scs_section_size  }
0xa2: {  	s9 =	simm.s32 $_size__tile_overlayer_lowered;
	s10 =	simm.s32 $_tile_overlayer_lowered  }
0xa3: {  	s22 =	simm.s32 $0x1BFF;
	s21 =	sshll.u32 s10, $0x1;
	s7 =	sadd.s32 s8, s19  }
0xa4: {  	s11 =	simm.s32 $0x0;
	s20 =	sshll.u32 s9, $0x1;
	s9 =	sadd.s32 s21, s7  }
0xa5: {  	[timem:s11], [sflag:s22] =	dma.local [hbm:s9], s20  }
0xa6: {  	_ =	swait.ge [sflag:s22], s20  }
0xa7: {  	s8 =	ssub.s32 $0x0, s20;
	[sflag:s22] =	ssyncset.done $0x0  }
0xa8: {  	[sflag:s22] =	ssyncadd.s32 s8;
	_ =	sdelay $0x1  }
0xa9: {  	s23 =	simm.s32 $0x1B8B  }
0xaa: {  	_ =	swait.ge [sflag:s23], $0x1  }
0xab: {  	[sflag:s23] =	ssyncset.done $0x0  }
0xac: {  	s25 =	simm.s32 $0x1B8E;
	s24 =	sld [smem:$0x3FFE];
	[sflag:s23] =	ssyncadd.s32 $0xFFFFFFFF  }
0xad: {  	s26 =	simm.s32 $execute0_lowered;
	[smem:$0x3FD2] =	sst s25  }
0xae: {  	s9 =	sshll.u32 s26, $0x1;
	_ =	strace $0x80000049;
	[dreg:$0x1] =	wrdreg $0xFFFFFFFF  }
0xaf: {  	s28 =	simm.s32 $_size_execute0_lowered;
	s7 =	sadd.s32 s7, s9;
	[dreg:$0x0] =	wrdreg $0x0  }
0xb0: {  	s9 =	sshll.u32 s28, $0x1;
	[dreg:$0x2] =	wrdreg s7  }
0xb1: {  	[dreg:$0x3] =	wrdreg s9  }
0xb2: {  	[dreg:$0x4] =	wrdreg $0xC0  }
0xb3: {  	_ =	task [dreg:s11], $0x5FFFF  }
0xb4: {  	[dreg:$0x1] =	wrdreg $0xFFFFFFFF  }
0xb5: {  	[dreg:$0x0] =	wrdreg $0x60  }
0xb6: {  	[dreg:$0x2] =	wrdreg s16  }
0xb7: {  	[dreg:$0x3] =	wrdreg s17  }
0xb8: {  	[dreg:$0x4] =	wrdreg s4  }
0xb9: {  	[dreg:$0x5] =	wrdreg s5  }
0xba: {  	[dreg:$0x6] =	wrdreg s15  }
0xbb: {  	[dreg:$0x7] =	wrdreg s24  }
0xbc: {  	[dreg:$0x8] =	wrdreg $0x0  }
0xbd: {  	[dreg:$0x9] =	wrdreg $0x18800  }
0xbe: {  	[dreg:$0xa] =	wrdreg $0x9  }
0xbf: {  	_ =	task.clear_ibuf [dreg:s11], $0xBFFFF;
	_ =	strace $0x90000049  }
0xc0: {  	s29 =	simm.s32 $0x9;
	_ =	strace $0x8000004B  }
0xc1: {  	_ =	swait.ge [sflag:s29], $0x1  }
0xc2: {  	[sflag:s29] =	ssyncadd.s32 $0xFFFFFFFF  }
0xc3: {  	_ =	strace $0x9000004B  }
0xc4: {  	_ =	sfence  }
0xc5: {  	s30 =	sld [smem:$0x0];
	_ =	sdelay $0x2  }
0xc6: {  	s31 =	sshll.u32 s1, $0xD;
	s1 =	sshrl.u32 s1, $0x2  }
0xc7: {  	s3 =	sand.u32 $0x4000, s31;
	s1 =	sadd.s32 s1, s30  }
0xc8: {  	s0 =	sor.u32 s3, s0;
	s1 =	sshll.u32 s1, $0x11  }
0xc9: {  	s0 =	sor.u32 s1, s0  }
0xca: {  	s0 =	sadd.s32 $0x8F2B, s0  }
0xcb: {  	[sflag:s0] =	ssyncadd.remote.s32 $0x1  }
0xcc: {  	_ =	sfence.sel $0xFFFF  }
0xcd: {  	[dreg:$0x0] =	wrdreg $0xFFFFFFFF;
	(pc) =	sbr.abs _section_cstart, $3  }
0xce: {  	[dreg:$0x1] =	wrdreg $0xFFFFFFFF  }
0xcf: {  	_ =	task.clear_ibuf [dreg:s11], $0x2FFFF;
	_ =	strace $0x9FFFFFFF  }
0xd0: {  	(tm) =	ssettm $0x7FFFFFFF  }
0xd1: {  	_ =	shalt  }
tec
execute0_lowered:
.L_overlay_start_1:
0x0: {  	(tag) =	ssettag $0x1  }
0x1: {  	s0 =	rddreg [dreg:$0x0]  }
0x2: {  	s1 =	rddreg [dreg:$0x1]  }
0x3: {  	s3 =	rddreg [dreg:$0x2]  }
0x4: {  	s4 =	rddreg [dreg:$0x3]  }
0x5: {  	s5 =	rddreg [dreg:$0x4]  }
0x6: {  	s2 =	rddreg [dreg:$0x5]  }
0x7: {  	s7 =	rddreg [dreg:$0x6]  }
0x8: {  	s8 =	rddreg [dreg:$0x7]  }
0x9: {  	s6 =	srdreg.scid;
	s13 =	stileid.u32  }
0xa: {  	s9 =	simm.s32 $0x0;
	s6 =	sand.u32 $0x1, s6;
	s10 =	smul.u32 $0x3100, s13  }
0xb: {  	[smem:$0x7FF] =	sst s9;
	s26 =	smul.u32 $0x1880, s13;
	s11 =	sshll.u32 s6, $0x7  }
0xc: {  	s12 =	sshll.u32 s6, $0x4;
	s6 =	ssub.s32 $0x2, s6;
	_ =	strace $0x8000004A  }
0xd: {  	s10 =	sor.u32 s11, s10;
	s25 =	sor.u32 s13, s12;
	s31 =	sshrl.u32 s6, $0x1  }
0xe: {  	s13 =	sadd.s32 s26, s7;
	s12 =	sadd.s32 s26, s8;
	s10 =	sshrl.u32 s10, $0x3  }
0xf: {  	s11 =	smul.u32 $0x186A0, s25;
	s6 =	ssub.s32 s6, s31;
	[dreg:$0x9] =	wrdreg s13  }
0x10: {  	[dreg:$0xa] =	wrdreg s12;
	s2 =	sadd.s32 s10, s2;
	s31 =	smax.u32 s6, $0x1  }
0x11: {  	s30 =	simm.s32 $0x7180;
	s26 =	sadd.s32 $0xC00, s2;
	[dreg:$0x19] =	wrdreg s31  }
0x12: {  	s14 =	sshrl.u32 s11, $0x3;
	s2 =	sadd.s32 $0x6E00, s2;
	[dreg:$0x17] =	wrdreg s26  }
0x13: {  	s28 =	simm.s32 $0xA180;
	s15 =	sadd.s32 s3, s14;
	[dreg:$0x18] =	wrdreg s2  }
0x14: {  	s29 =	simm.s32 $0x5;
	s17 =	sadd.s32 s4, s14;
	[dreg:$0xb] =	wrdreg s15  }
0x15: {  	s16 =	sadd.s32 $0xFA, s14;
	s18 =	sadd.s32 s5, s14;
	[dreg:$0xc] =	wrdreg s17  }
0x16: {  	s13 =	simm.s32 $0x1;
	[dreg:$0xd] =	wrdreg s18;
	s19 =	sadd.s32 s3, s16  }
0x17: {  	s21 =	sadd.s32 $0x1F4, s14;
	s20 =	sadd.s32 s4, s16;
	[dreg:$0xe] =	wrdreg s19  }
0x18: {  	s10 =	sadd.s32 $0x2EE, s14;
	s12 =	sadd.s32 s5, s16;
	[dreg:$0xf] =	wrdreg s20  }
0x19: {  	s2 =	simm.s32 $0x4980;
	s22 =	sadd.s32 s3, s21;
	[dreg:$0x10] =	wrdreg s12  }
0x1a: {  	s14 =	simm.s32 $0x7D0;
	s23 =	sadd.s32 s4, s21;
	[dreg:$0x11] =	wrdreg s22  }
0x1b: {  	s26 =	simm.s32 $0x4;
	s24 =	sadd.s32 s3, s10;
	[dreg:$0x12] =	wrdreg s23  }
0x1c: {  	s25 =	sadd.s32 s4, s10;
	s10 =	sadd.s32 s5, s10;
	[dreg:$0x14] =	wrdreg s24  }
0x1d: {  	s15 =	simm.s32 $0x6180;
	s16 =	simm.s32 $0x6980;
	[dreg:$0x15] =	wrdreg s25  }
0x1e: {  	s17 =	simm.s32 $0x7980;
	s12 =	sadd.s32 s5, s21;
	[dreg:$0x16] =	wrdreg s10  }
0x1f: {  	s24 =	sadd.s32 $0x1F40, s11;
	s25 =	sadd.s32 $0x2710, s11;
	s20 =	simm.s32 $0x3  }
0x20: {  	s21 =	simm.s32 $0x2;
	s22 =	simm.s32 $0x9180;
	s23 =	simm.s32 $0x9980  }
0x21: {  	v0 =	vimm.f32 $0.0e+00;
	s10 =	simm.s32 $0x6;
	s11 =	simm.s32 $0x0;
	[dreg:$0x13] =	wrdreg s12  }
.LBB2_1:
0x22: {  	[dreg:$0x1a] =	wrdreg s11;
	s6 =	simm.s32 $0x40;
	s11 =	simm.s32 $0x0  }
.LBB2_2:
0x23: {  	p0 =	sne.s32 s6, $0x61C0;
	[tilespmem:s11+$0x3100] =	vst v0;
	s11 =	smov.u32 s6;
	s6 =	sadd.s32 $0x40, s6  }
.Ltmp0:
0x24: {  	(pc) =	sbr.rel @p0 .LBB2_2-.Ltmp0, $2  }
0x25: {  	_ =	sdelay $0x2  }
0x26: {  	s11 =	sshra.s32 s11, $0x2  }
0x27: {  	[tilespmem:s11+$0x3100] =	vst v0;
	s6 =	simm.s32 $0x3100;
	s18 =	rddreg [dreg:$0x9];
	s31 =	simm.s32 $0x7  }
0x28: {  	[spmem:s18] =	stream.linear.scatter [tilespmem:s6], [sflag:$0x7], $0x1880, $0x38;
	[tilespmem:$0xA980] =	vst v63  }
0x29: {  	_ =	swait.ge [sflag:s31], $0x1880  }
0x2a: {  	[sflag:s31] =	ssyncset.done $0x0  }
0x2b: {  	s12 =	rddreg [dreg:$0xa];
	[sflag:s31] =	ssyncadd.s32 $0xFFFFE780  }
0x2c: {  	[spmem:s12] =	stream.linear.scatter [tilespmem:s6], [sflag:$0x7], $0x1880, $0x38;
	[tilespmem:$0xA980] =	vst v63  }
0x2d: {  	_ =	swait.ge [sflag:s31], $0x1880  }
0x2e: {  	[sflag:s31] =	ssyncset.done $0x0  }
0x2f: {  	[sflag:s31] =	ssyncadd.s32 $0xFFFFE780  }
0x30: {  	[bflag:$0x0] =	sbarrier.arrive $0xFFFF  }
0x31: {  	s6 =	simm.s32 $0x0;
	s18 =	rddreg [dreg:$0xb]  }
0x32: {  	[tilespmem:s2], [sflag:$0x1] =	stream.linear.gather [hbm4b:s18+s6], $0x7D0, $0x38;
	[tilespmem:$0xA980] =	vst v63  }
0x33: {  	s31 =	simm.s32 $0x5180;
	s19 =	rddreg [dreg:$0xc]  }
0x34: {  	[tilespmem:s31], [sflag:$0x1] =	stream.linear.gather [hbm4b:s19+s6], $0x7D0, $0x38;
	[tilespmem:$0xA980] =	vst v63  }
0x35: {  	s18 =	rddreg [dreg:$0xd];
	s19 =	simm.s32 $0x5980  }
0x36: {  	[tilespmem:s19], [sflag:$0x1] =	stream.linear.gather [hbm4b:s18+s6], $0x7D0, $0x38;
	[tilespmem:$0xA980] =	vst v63  }
0x37: {  	_ =	swait.ge [sflag:s13], $0x7D0  }
0x38: {  	[sflag:s13] =	ssyncset.done $0x0  }
0x39: {  	[sflag:s13] =	ssyncadd.s32 $0xFFFFF830  }
0x3a: {  	_ =	swait.ge [sflag:s13], $0x7D0  }
0x3b: {  	[sflag:s13] =	ssyncset.done $0x0  }
0x3c: {  	[sflag:s13] =	ssyncadd.s32 $0xFFFFF830  }
0x3d: {  	_ =	swait.ge [sflag:s13], $0x7D0  }
0x3e: {  	[sflag:s13] =	ssyncset.done $0x0  }
0x3f: {  	[sflag:s13] =	ssyncadd.s32 $0xFFFFF830  }
0x40: {  	[tilespmem:s15], [sflag:$0x3] =	stream.indirect.gather [hbm4b:s0+s14], $0x1, s2, s14, $0xb8;
	[tilespmem:$0xA980] =	vst v63  }
0x41: {  	_ = 	snop  }
0x42: {  	[tilespmem:s16], [sflag:$0x3] =	stream.indirect.gather [hbm4b:s1+s14], $0x1, s2, s14, $0xb8;
	[tilespmem:$0xA980] =	vst v63  }
0x43: {  	s31 =	rddreg [dreg:$0xe]  }
0x44: {  	[tilespmem:s17], [sflag:$0x2] =	stream.linear.gather [hbm4b:s31+s6], $0x7D0, $0x38;
	[tilespmem:$0xA980] =	vst v63  }
0x45: {  	s18 =	simm.s32 $0x8180;
	s12 =	rddreg [dreg:$0xf]  }
0x46: {  	[tilespmem:s18], [sflag:$0x2] =	stream.linear.gather [hbm4b:s12+s6], $0x7D0, $0x38;
	[tilespmem:$0xA980] =	vst v63  }
0x47: {  	s19 =	rddreg [dreg:$0x10];
	s31 =	simm.s32 $0x8980  }
0x48: {  	[tilespmem:s31], [sflag:$0x2] =	stream.linear.gather [hbm4b:s19+s6], $0x7D0, $0x38;
	[tilespmem:$0xA980] =	vst v63  }
0x49: {  	_ =	swait.ge [sflag:s20], $0x7D0  }
0x4a: {  	[sflag:s20] =	ssyncset.done $0x0  }
0x4b: {  	[sflag:s20] =	ssyncadd.s32 $0xFFFFF830  }
0x4c: {  	_ =	swait.ge [sflag:s20], $0x7D0  }
0x4d: {  	[sflag:s20] =	ssyncset.done $0x0  }
0x4e: {  	s11 =	simm.s32 $0x0;
	[sflag:s20] =	ssyncadd.s32 $0xFFFFF830  }
0x4f: {  	v1 =	vld [tilespmem:s11+$0x5980]  }
0x50: {  	v2 =	vld [tilespmem:s11+$0x5180]  }
0x51: {  	v3 =	vld [tilespmem:s11+$0x6180]  }
0x52: {  	v4 =	vld [tilespmem:s11+$0x6980];
	_ =	sdelay $0x1  }
0x53: {  	v5 =	vsub.f32 $0.0e+00, v1;
	_ =	sdelay $0x1  }
0x54: {  	s6 =	simm.s32 $0x10;
	[tilespmem:s11+$0x7180] =	vst v2;
	v2 =	vmul.f32 v3, v5  }
0x55: {  	s12 =	simm.s32 $0x80;
	v1 =	vld [tilespmem:s6+$0x5980];
	v3 =	vmul.f32 v4, v5  }
.LBB2_4:
0x56: {  	p0 =	sne.s32 s12, $0x1F00;
	v4 =	vld [tilespmem:s6+$0x5180];
	[tilespmem:s11+$0x6180] =	vst v2  }
0x57: {  	v2 =	vld [tilespmem:s6+$0x6180];
	[tilespmem:s11+$0x6980] =	vst v3;
	s11 =	smov.u32 s6  }
0x58: {  	v3 =	vld [tilespmem:s11+$0x6980]  }
.Ltmp1:
0x59: {  	(pc) =	sbr.rel @p0 .LBB2_4-.Ltmp1, $4  }
0x5a: {  	v5 =	vsub.f32 $0.0e+00, v1  }
0x5b: {  	[tilespmem:s11+$0x7180] =	vst v4  }
0x5c: {  	s6 =	sshra.s32 s12, $0x2;
	v2 =	vmul.f32 v2, v5  }
0x5d: {  	s12 =	sadd.s32 $0x40, s12;
	v1 =	vld [tilespmem:s6+$0x5980];
	v3 =	vmul.f32 v3, v5  }
0x5e: {  	v4 =	vld [tilespmem:s6+$0x5180];
	[tilespmem:s11+$0x6180] =	vst v2  }
0x5f: {  	v2 =	vld [tilespmem:s6+$0x6180];
	[tilespmem:s11+$0x6980] =	vst v3  }
0x60: {  	v3 =	vld [tilespmem:s6+$0x6980];
	_ =	sdelay $0x1  }
0x61: {  	v1 =	vsub.f32 $0.0e+00, v1;
	_ =	sdelay $0x1  }
0x62: {  	v2 =	vmul.f32 v2, v1  }
0x63: {  	[tilespmem:s6+$0x7180] =	vst v4;
	v1 =	vmul.f32 v3, v1  }
0x64: {  	[tilespmem:s6+$0x6180] =	vst v2  }
0x65: {  	[tilespmem:s6+$0x6980] =	vst v1  }
0x66: {  	[spmem:s7] =	stream.indirect.scatter.add.f32 [tilespmem:s15], [sflag:$0x5], $0x1, s30, s14, $0xb8;
	[tilespmem:$0xA980] =	vst v63  }
0x67: {  	_ = 	snop  }
0x68: {  	[spmem:s8] =	stream.indirect.scatter.add.f32 [tilespmem:s16], [sflag:$0x5], $0x1, s30, s14, $0xb8;
	[tilespmem:$0xA980] =	vst v63  }
0x69: {  	s12 =	rddreg [dreg:$0x11];
	s6 =	simm.s32 $0x0  }
0x6a: {  	[tilespmem:s2], [sflag:$0x1] =	stream.linear.gather [hbm4b:s12+s6], $0x7D0, $0x38;
	[tilespmem:$0xA980] =	vst v63  }
0x6b: {  	s18 =	rddreg [dreg:$0x12];
	s12 =	simm.s32 $0x5180  }
0x6c: {  	[tilespmem:s12], [sflag:$0x1] =	stream.linear.gather [hbm4b:s18+s6], $0x7D0, $0x38;
	[tilespmem:$0xA980] =	vst v63  }
0x6d: {  	s19 =	rddreg [dreg:$0x13];
	s31 =	simm.s32 $0x5980  }
0x6e: {  	[tilespmem:s31], [sflag:$0x1] =	stream.linear.gather [hbm4b:s19+s6], $0x7D0, $0x38;
	[tilespmem:$0xA980] =	vst v63  }
0x6f: {  	_ =	swait.ge [sflag:s21], $0x7D0  }
0x70: {  	[sflag:s21] =	ssyncset.done $0x0  }
0x71: {  	[sflag:s21] =	ssyncadd.s32 $0xFFFFF830  }
0x72: {  	_ =	swait.ge [sflag:s21], $0x7D0  }
0x73: {  	[sflag:s21] =	ssyncset.done $0x0  }
0x74: {  	[sflag:s21] =	ssyncadd.s32 $0xFFFFF830  }
0x75: {  	_ =	swait.ge [sflag:s21], $0x7D0  }
0x76: {  	[sflag:s21] =	ssyncset.done $0x0  }
0x77: {  	[sflag:s21] =	ssyncadd.s32 $0xFFFFF830  }
0x78: {  	[tilespmem:s22], [sflag:$0x4] =	stream.indirect.gather [hbm4b:s0+s14], $0x1, s17, s14, $0xb8;
	[tilespmem:$0xA980] =	vst v63  }
0x79: {  	_ = 	snop  }
0x7a: {  	[tilespmem:s23], [sflag:$0x4] =	stream.indirect.gather [hbm4b:s1+s14], $0x1, s17, s14, $0xb8;
	[tilespmem:$0xA980] =	vst v63  }
0x7b: {  	_ =	swait.ge [sflag:s26], $0x7D0  }
0x7c: {  	[sflag:s26] =	ssyncset.done $0x0  }
0x7d: {  	[sflag:s26] =	ssyncadd.s32 $0xFFFFF830  }
0x7e: {  	_ =	swait.ge [sflag:s26], $0x7D0  }
0x7f: {  	[sflag:s26] =	ssyncset.done $0x0  }
0x80: {  	s11 =	simm.s32 $0x0;
	[sflag:s26] =	ssyncadd.s32 $0xFFFFF830  }
0x81: {  	v1 =	vld [tilespmem:s11+$0x8980]  }
0x82: {  	v2 =	vld [tilespmem:s11+$0x8180]  }
0x83: {  	v3 =	vld [tilespmem:s11+$0x9180]  }
0x84: {  	v4 =	vld [tilespmem:s11+$0x9980];
	_ =	sdelay $0x1  }
0x85: {  	v5 =	vsub.f32 $0.0e+00, v1;
	_ =	sdelay $0x1  }
0x86: {  	s6 =	simm.s32 $0x10;
	[tilespmem:s11+$0xA180] =	vst v2;
	v2 =	vmul.f32 v3, v5  }
0x87: {  	s12 =	simm.s32 $0x80;
	v1 =	vld [tilespmem:s6+$0x8980];
	v3 =	vmul.f32 v4, v5  }
.LBB2_6:
0x88: {  	p0 =	sne.s32 s12, $0x1F00;
	v4 =	vld [tilespmem:s6+$0x8180];
	[tilespmem:s11+$0x9180] =	vst v2  }
0x89: {  	v2 =	vld [tilespmem:s6+$0x9180];
	[tilespmem:s11+$0x9980] =	vst v3;
	s11 =	smov.u32 s6  }
0x8a: {  	v3 =	vld [tilespmem:s11+$0x9980]  }
.Ltmp2:
0x8b: {  	(pc) =	sbr.rel @p0 .LBB2_6-.Ltmp2, $4  }
0x8c: {  	v5 =	vsub.f32 $0.0e+00, v1  }
0x8d: {  	[tilespmem:s11+$0xA180] =	vst v4  }
0x8e: {  	s6 =	sshra.s32 s12, $0x2;
	v2 =	vmul.f32 v2, v5  }
0x8f: {  	s12 =	sadd.s32 $0x40, s12;
	v1 =	vld [tilespmem:s6+$0x8980];
	v3 =	vmul.f32 v3, v5  }
0x90: {  	v4 =	vld [tilespmem:s6+$0x8180];
	[tilespmem:s11+$0x9180] =	vst v2  }
0x91: {  	v2 =	vld [tilespmem:s6+$0x9180];
	[tilespmem:s11+$0x9980] =	vst v3  }
0x92: {  	v3 =	vld [tilespmem:s6+$0x9980];
	_ =	sdelay $0x1  }
0x93: {  	v1 =	vsub.f32 $0.0e+00, v1;
	_ =	sdelay $0x1  }
0x94: {  	v2 =	vmul.f32 v2, v1  }
0x95: {  	[tilespmem:s6+$0xA180] =	vst v4;
	v1 =	vmul.f32 v3, v1  }
0x96: {  	[tilespmem:s6+$0x9180] =	vst v2  }
0x97: {  	[tilespmem:s6+$0x9980] =	vst v1  }
0x98: {  	[spmem:s7] =	stream.indirect.scatter.add.f32 [tilespmem:s22], [sflag:$0x6], $0x1, s28, s14, $0xb8;
	[tilespmem:$0xA980] =	vst v63  }
0x99: {  	_ = 	snop  }
0x9a: {  	[spmem:s8] =	stream.indirect.scatter.add.f32 [tilespmem:s23], [sflag:$0x6], $0x1, s28, s14, $0xb8;
	[tilespmem:$0xA980] =	vst v63  }
0x9b: {  	s31 =	simm.s32 $0x0;
	s19 =	rddreg [dreg:$0x14]  }
0x9c: {  	[tilespmem:s17], [sflag:$0x2] =	stream.linear.gather [hbm4b:s19+s31], $0x7D0, $0x38;
	[tilespmem:$0xA980] =	vst v63  }
0x9d: {  	s12 =	simm.s32 $0x8180;
	s11 =	rddreg [dreg:$0x15]  }
0x9e: {  	[tilespmem:s12], [sflag:$0x2] =	stream.linear.gather [hbm4b:s11+s31], $0x7D0, $0x38;
	[tilespmem:$0xA980] =	vst v63  }
0x9f: {  	s18 =	rddreg [dreg:$0x16];
	s19 =	simm.s32 $0x8980  }
0xa0: {  	[tilespmem:s19], [sflag:$0x2] =	stream.linear.gather [hbm4b:s18+s31], $0x7D0, $0x38;
	[tilespmem:$0xA980] =	vst v63  }
0xa1: {  	_ =	swait.ge [sflag:s13], $0x7D0  }
0xa2: {  	[sflag:s13] =	ssyncset.done $0x0  }
0xa3: {  	[sflag:s13] =	ssyncadd.s32 $0xFFFFF830  }
0xa4: {  	_ =	swait.ge [sflag:s13], $0x7D0  }
0xa5: {  	[sflag:s13] =	ssyncset.done $0x0  }
0xa6: {  	[sflag:s13] =	ssyncadd.s32 $0xFFFFF830  }
0xa7: {  	_ =	swait.ge [sflag:s13], $0x7D0  }
0xa8: {  	[sflag:s13] =	ssyncset.done $0x0  }
0xa9: {  	[sflag:s13] =	ssyncadd.s32 $0xFFFFF830  }
0xaa: {  	_ =	swait.ge [sflag:s29], $0x7D0  }
0xab: {  	[sflag:s29] =	ssyncset.done $0x0  }
0xac: {  	[sflag:s29] =	ssyncadd.s32 $0xFFFFF830  }
0xad: {  	_ =	swait.ge [sflag:s29], $0x7D0  }
0xae: {  	[sflag:s29] =	ssyncset.done $0x0  }
0xaf: {  	[sflag:s29] =	ssyncadd.s32 $0xFFFFF830  }
0xb0: {  	[tilespmem:s15], [sflag:$0x3] =	stream.indirect.gather [hbm4b:s0+s14], $0x1, s2, s14, $0xb8;
	[tilespmem:$0xA980] =	vst v63  }
0xb1: {  	_ = 	snop  }
0xb2: {  	[tilespmem:s16], [sflag:$0x3] =	stream.indirect.gather [hbm4b:s1+s14], $0x1, s2, s14, $0xb8;
	[tilespmem:$0xA980] =	vst v63  }
.LBB2_8:
0xb3: {  	_ =	swait.ge [sflag:s20], $0x7D0  }
0xb4: {  	[sflag:s20] =	ssyncset.done $0x0  }
0xb5: {  	[sflag:s20] =	ssyncadd.s32 $0xFFFFF830  }
0xb6: {  	_ =	swait.ge [sflag:s20], $0x7D0  }
0xb7: {  	[sflag:s20] =	ssyncset.done $0x0  }
0xb8: {  	s11 =	simm.s32 $0x0;
	[sflag:s20] =	ssyncadd.s32 $0xFFFFF830  }
0xb9: {  	v1 =	vld [tilespmem:s11+$0x5980]  }
0xba: {  	v2 =	vld [tilespmem:s11+$0x5180]  }
0xbb: {  	v3 =	vld [tilespmem:s11+$0x6180]  }
0xbc: {  	v4 =	vld [tilespmem:s11+$0x6980];
	_ =	sdelay $0x1  }
0xbd: {  	v5 =	vsub.f32 $0.0e+00, v1;
	_ =	sdelay $0x1  }
0xbe: {  	s6 =	simm.s32 $0x10;
	[tilespmem:s11+$0x7180] =	vst v2;
	v2 =	vmul.f32 v3, v5  }
0xbf: {  	s12 =	simm.s32 $0x80;
	v1 =	vld [tilespmem:s6+$0x5980];
	v3 =	vmul.f32 v4, v5  }
.LBB2_9:
0xc0: {  	p0 =	sne.s32 s12, $0x1F00;
	v4 =	vld [tilespmem:s6+$0x5180];
	[tilespmem:s11+$0x6180] =	vst v2  }
0xc1: {  	v2 =	vld [tilespmem:s6+$0x6180];
	[tilespmem:s11+$0x6980] =	vst v3;
	s11 =	smov.u32 s6  }
0xc2: {  	v3 =	vld [tilespmem:s11+$0x6980]  }
.Ltmp3:
0xc3: {  	(pc) =	sbr.rel @p0 .LBB2_9-.Ltmp3, $4  }
0xc4: {  	v5 =	vsub.f32 $0.0e+00, v1  }
0xc5: {  	[tilespmem:s11+$0x7180] =	vst v4  }
0xc6: {  	s6 =	sshra.s32 s12, $0x2;
	v2 =	vmul.f32 v2, v5  }
0xc7: {  	s12 =	sadd.s32 $0x40, s12;
	v1 =	vld [tilespmem:s6+$0x5980];
	v3 =	vmul.f32 v3, v5  }
0xc8: {  	v4 =	vld [tilespmem:s6+$0x5180];
	[tilespmem:s11+$0x6180] =	vst v2  }
0xc9: {  	v2 =	vld [tilespmem:s6+$0x6180];
	[tilespmem:s11+$0x6980] =	vst v3  }
0xca: {  	v3 =	vld [tilespmem:s6+$0x6980];
	_ =	sdelay $0x1  }
0xcb: {  	v1 =	vsub.f32 $0.0e+00, v1;
	_ =	sdelay $0x1  }
0xcc: {  	v2 =	vmul.f32 v2, v1  }
0xcd: {  	s11 =	smul.u32 $0xFA0, s31;
	[tilespmem:s6+$0x7180] =	vst v4;
	v1 =	vmul.f32 v3, v1  }
0xce: {  	[tilespmem:s6+$0x6180] =	vst v2  }
0xcf: {  	s18 =	sadd.s32 s11, s24;
	[tilespmem:s6+$0x6980] =	vst v1  }
0xd0: {  	[spmem:s7] =	stream.indirect.scatter.add.f32 [tilespmem:s15], [sflag:$0x5], $0x1, s30, s14, $0xb8;
	[tilespmem:$0xA980] =	vst v63  }
0xd1: {  	s6 =	sshrl.u32 s18, $0x3  }
0xd2: {  	[spmem:s8] =	stream.indirect.scatter.add.f32 [tilespmem:s16], [sflag:$0x5], $0x1, s30, s14, $0xb8;
	[tilespmem:$0xA980] =	vst v63  }
0xd3: {  	s18 =	simm.s32 $0x0;
	s12 =	sadd.s32 s3, s6  }
0xd4: {  	[tilespmem:s2], [sflag:$0x1] =	stream.linear.gather [hbm4b:s12+s18], $0x7D0, $0x38;
	[tilespmem:$0xA980] =	vst v63  }
0xd5: {  	s19 =	simm.s32 $0x5180;
	s12 =	sadd.s32 s4, s6  }
0xd6: {  	[tilespmem:s19], [sflag:$0x1] =	stream.linear.gather [hbm4b:s12+s18], $0x7D0, $0x38;
	[tilespmem:$0xA980] =	vst v63  }
0xd7: {  	s6 =	sadd.s32 s5, s6;
	s19 =	simm.s32 $0x5980  }
0xd8: {  	[tilespmem:s19], [sflag:$0x1] =	stream.linear.gather [hbm4b:s6+s18], $0x7D0, $0x38;
	[tilespmem:$0xA980] =	vst v63  }
0xd9: {  	_ =	swait.ge [sflag:s21], $0x7D0  }
0xda: {  	[sflag:s21] =	ssyncset.done $0x0  }
0xdb: {  	[sflag:s21] =	ssyncadd.s32 $0xFFFFF830  }
0xdc: {  	_ =	swait.ge [sflag:s21], $0x7D0  }
0xdd: {  	[sflag:s21] =	ssyncset.done $0x0  }
0xde: {  	[sflag:s21] =	ssyncadd.s32 $0xFFFFF830  }
0xdf: {  	_ =	swait.ge [sflag:s21], $0x7D0  }
0xe0: {  	[sflag:s21] =	ssyncset.done $0x0  }
0xe1: {  	[sflag:s21] =	ssyncadd.s32 $0xFFFFF830  }
0xe2: {  	_ =	swait.ge [sflag:s10], $0x7D0  }
0xe3: {  	[sflag:s10] =	ssyncset.done $0x0  }
0xe4: {  	[sflag:s10] =	ssyncadd.s32 $0xFFFFF830  }
0xe5: {  	_ =	swait.ge [sflag:s10], $0x7D0  }
0xe6: {  	[sflag:s10] =	ssyncset.done $0x0  }
0xe7: {  	[sflag:s10] =	ssyncadd.s32 $0xFFFFF830  }
0xe8: {  	[tilespmem:s22], [sflag:$0x4] =	stream.indirect.gather [hbm4b:s0+s14], $0x1, s17, s14, $0xb8;
	[tilespmem:$0xA980] =	vst v63  }
0xe9: {  	_ = 	snop  }
0xea: {  	[tilespmem:s23], [sflag:$0x4] =	stream.indirect.gather [hbm4b:s1+s14], $0x1, s17, s14, $0xb8;
	[tilespmem:$0xA980] =	vst v63  }
0xeb: {  	_ =	swait.ge [sflag:s26], $0x7D0  }
0xec: {  	[sflag:s26] =	ssyncset.done $0x0  }
0xed: {  	[sflag:s26] =	ssyncadd.s32 $0xFFFFF830  }
0xee: {  	_ =	swait.ge [sflag:s26], $0x7D0  }
0xef: {  	[sflag:s26] =	ssyncset.done $0x0  }
0xf0: {  	s6 =	simm.s32 $0x0;
	[sflag:s26] =	ssyncadd.s32 $0xFFFFF830  }
0xf1: {  	v1 =	vld [tilespmem:s6+$0x8980]  }
0xf2: {  	v2 =	vld [tilespmem:s6+$0x8180]  }
0xf3: {  	v3 =	vld [tilespmem:s6+$0x9180]  }
0xf4: {  	v4 =	vld [tilespmem:s6+$0x9980];
	_ =	sdelay $0x1  }
0xf5: {  	v5 =	vsub.f32 $0.0e+00, v1;
	_ =	sdelay $0x1  }
0xf6: {  	s12 =	simm.s32 $0x10;
	[tilespmem:s6+$0xA180] =	vst v2;
	v2 =	vmul.f32 v3, v5  }
0xf7: {  	s18 =	simm.s32 $0x80;
	v1 =	vld [tilespmem:s12+$0x8980];
	v3 =	vmul.f32 v4, v5  }
.LBB2_11:
0xf8: {  	p0 =	sne.s32 s18, $0x1F00;
	v4 =	vld [tilespmem:s12+$0x8180];
	[tilespmem:s6+$0x9180] =	vst v2  }
0xf9: {  	v2 =	vld [tilespmem:s12+$0x9180];
	[tilespmem:s6+$0x9980] =	vst v3;
	s6 =	smov.u32 s12  }
0xfa: {  	v3 =	vld [tilespmem:s6+$0x9980]  }
.Ltmp4:
0xfb: {  	(pc) =	sbr.rel @p0 .LBB2_11-.Ltmp4, $4  }
0xfc: {  	v5 =	vsub.f32 $0.0e+00, v1  }
0xfd: {  	[tilespmem:s6+$0xA180] =	vst v4  }
0xfe: {  	s12 =	sshra.s32 s18, $0x2;
	v2 =	vmul.f32 v2, v5  }
0xff: {  	s18 =	sadd.s32 $0x40, s18;
	v1 =	vld [tilespmem:s12+$0x8980];
	v3 =	vmul.f32 v3, v5  }
0x100: {  	v4 =	vld [tilespmem:s12+$0x8180];
	[tilespmem:s6+$0x9180] =	vst v2  }
0x101: {  	v2 =	vld [tilespmem:s12+$0x9180];
	[tilespmem:s6+$0x9980] =	vst v3  }
0x102: {  	v3 =	vld [tilespmem:s12+$0x9980];
	_ =	sdelay $0x1  }
0x103: {  	v1 =	vsub.f32 $0.0e+00, v1;
	_ =	sdelay $0x1  }
0x104: {  	v2 =	vmul.f32 v2, v1  }
0x105: {  	[tilespmem:s12+$0xA180] =	vst v4;
	v1 =	vmul.f32 v3, v1  }
0x106: {  	[tilespmem:s12+$0x9180] =	vst v2  }
0x107: {  	s18 =	sadd.s32 s11, s25;
	[tilespmem:s12+$0x9980] =	vst v1  }
0x108: {  	[spmem:s7] =	stream.indirect.scatter.add.f32 [tilespmem:s22], [sflag:$0x6], $0x1, s28, s14, $0xb8;
	[tilespmem:$0xA980] =	vst v63  }
0x109: {  	s6 =	sshrl.u32 s18, $0x3  }
0x10a: {  	[spmem:s8] =	stream.indirect.scatter.add.f32 [tilespmem:s23], [sflag:$0x6], $0x1, s28, s14, $0xb8;
	[tilespmem:$0xA980] =	vst v63  }
0x10b: {  	s19 =	sadd.s32 s3, s6  }
0x10c: {  	[tilespmem:s17], [sflag:$0x2] =	stream.linear.gather [hbm4b:s19+s9], $0x7D0, $0x38;
	[tilespmem:$0xA980] =	vst v63  }
0x10d: {  	s18 =	simm.s32 $0x8180;
	s12 =	sadd.s32 s4, s6  }
0x10e: {  	[tilespmem:s18], [sflag:$0x2] =	stream.linear.gather [hbm4b:s12+s9], $0x7D0, $0x38;
	[tilespmem:$0xA980] =	vst v63  }
0x10f: {  	s6 =	sadd.s32 s5, s6;
	s19 =	simm.s32 $0x8980  }
0x110: {  	[tilespmem:s19], [sflag:$0x2] =	stream.linear.gather [hbm4b:s6+s9], $0x7D0, $0x38;
	[tilespmem:$0xA980] =	vst v63  }
0x111: {  	_ =	swait.ge [sflag:s13], $0x7D0  }
0x112: {  	[sflag:s13] =	ssyncset.done $0x0  }
0x113: {  	[sflag:s13] =	ssyncadd.s32 $0xFFFFF830  }
0x114: {  	_ =	swait.ge [sflag:s13], $0x7D0  }
0x115: {  	[sflag:s13] =	ssyncset.done $0x0  }
0x116: {  	[sflag:s13] =	ssyncadd.s32 $0xFFFFF830  }
0x117: {  	_ =	swait.ge [sflag:s13], $0x7D0  }
0x118: {  	[sflag:s13] =	ssyncset.done $0x0  }
0x119: {  	[sflag:s13] =	ssyncadd.s32 $0xFFFFF830  }
0x11a: {  	_ =	swait.ge [sflag:s29], $0x7D0  }
0x11b: {  	[sflag:s29] =	ssyncset.done $0x0  }
0x11c: {  	s31 =	sadd.s32 $0x1, s31;
	[sflag:s29] =	ssyncadd.s32 $0xFFFFF830  }
0x11d: {  	p0 =	sne.s32 s31, $0x17;
	_ =	swait.ge [sflag:s29], $0x7D0  }
.Ltmp5:
0x11e: {  	[sflag:s29] =	ssyncset.done $0x0;
	(pc) =	sbr.rel @p0 .LBB2_8-.Ltmp5, $4  }
0x11f: {  	[sflag:s29] =	ssyncadd.s32 $0xFFFFF830  }
0x120: {  	[tilespmem:s15], [sflag:$0x3] =	stream.indirect.gather [hbm4b:s0+s14], $0x1, s2, s14, $0xb8;
	[tilespmem:$0xA980] =	vst v63  }
0x121: {  	_ = 	snop  }
0x122: {  	[tilespmem:s16], [sflag:$0x3] =	stream.indirect.gather [hbm4b:s1+s14], $0x1, s2, s14, $0xb8;
	[tilespmem:$0xA980] =	vst v63  }
0x123: {  	_ =	swait.ge [sflag:s20], $0x7D0  }
0x124: {  	[sflag:s20] =	ssyncset.done $0x0  }
0x125: {  	[sflag:s20] =	ssyncadd.s32 $0xFFFFF830  }
0x126: {  	_ =	swait.ge [sflag:s20], $0x7D0  }
0x127: {  	[sflag:s20] =	ssyncset.done $0x0  }
0x128: {  	s6 =	simm.s32 $0x0;
	[sflag:s20] =	ssyncadd.s32 $0xFFFFF830  }
0x129: {  	v1 =	vld [tilespmem:s6+$0x5980]  }
0x12a: {  	v2 =	vld [tilespmem:s6+$0x5180]  }
0x12b: {  	v3 =	vld [tilespmem:s6+$0x6180]  }
0x12c: {  	v4 =	vld [tilespmem:s6+$0x6980];
	_ =	sdelay $0x1  }
0x12d: {  	v5 =	vsub.f32 $0.0e+00, v1;
	_ =	sdelay $0x1  }
0x12e: {  	s11 =	simm.s32 $0x10;
	[tilespmem:s6+$0x7180] =	vst v2;
	v2 =	vmul.f32 v3, v5  }
0x12f: {  	s12 =	simm.s32 $0x80;
	v1 =	vld [tilespmem:s11+$0x5980];
	v3 =	vmul.f32 v4, v5  }
.LBB2_14:
0x130: {  	p0 =	sne.s32 s12, $0x1F00;
	v4 =	vld [tilespmem:s11+$0x5180];
	[tilespmem:s6+$0x6180] =	vst v2  }
0x131: {  	v2 =	vld [tilespmem:s11+$0x6180];
	[tilespmem:s6+$0x6980] =	vst v3;
	s6 =	smov.u32 s11  }
0x132: {  	v3 =	vld [tilespmem:s6+$0x6980]  }
.Ltmp6:
0x133: {  	(pc) =	sbr.rel @p0 .LBB2_14-.Ltmp6, $4  }
0x134: {  	v5 =	vsub.f32 $0.0e+00, v1  }
0x135: {  	[tilespmem:s6+$0x7180] =	vst v4  }
0x136: {  	s11 =	sshra.s32 s12, $0x2;
	v2 =	vmul.f32 v2, v5  }
0x137: {  	s12 =	sadd.s32 $0x40, s12;
	v1 =	vld [tilespmem:s11+$0x5980];
	v3 =	vmul.f32 v3, v5  }
0x138: {  	v4 =	vld [tilespmem:s11+$0x5180];
	[tilespmem:s6+$0x6180] =	vst v2  }
0x139: {  	v2 =	vld [tilespmem:s11+$0x6180];
	[tilespmem:s6+$0x6980] =	vst v3  }
0x13a: {  	v3 =	vld [tilespmem:s11+$0x6980];
	_ =	sdelay $0x1  }
0x13b: {  	v1 =	vsub.f32 $0.0e+00, v1;
	_ =	sdelay $0x1  }
0x13c: {  	v2 =	vmul.f32 v2, v1  }
0x13d: {  	[tilespmem:s11+$0x7180] =	vst v4;
	v1 =	vmul.f32 v3, v1  }
0x13e: {  	[tilespmem:s11+$0x6180] =	vst v2  }
0x13f: {  	[tilespmem:s11+$0x6980] =	vst v1  }
0x140: {  	[spmem:s7] =	stream.indirect.scatter.add.f32 [tilespmem:s15], [sflag:$0x5], $0x1, s30, s14, $0xb8;
	[tilespmem:$0xA980] =	vst v63  }
0x141: {  	_ = 	snop  }
0x142: {  	[spmem:s8] =	stream.indirect.scatter.add.f32 [tilespmem:s16], [sflag:$0x5], $0x1, s30, s14, $0xb8;
	[tilespmem:$0xA980] =	vst v63  }
0x143: {  	_ =	swait.ge [sflag:s21], $0x7D0  }
0x144: {  	[sflag:s21] =	ssyncset.done $0x0  }
0x145: {  	[sflag:s21] =	ssyncadd.s32 $0xFFFFF830  }
0x146: {  	_ =	swait.ge [sflag:s21], $0x7D0  }
0x147: {  	[sflag:s21] =	ssyncset.done $0x0  }
0x148: {  	[sflag:s21] =	ssyncadd.s32 $0xFFFFF830  }
0x149: {  	_ =	swait.ge [sflag:s21], $0x7D0  }
0x14a: {  	[sflag:s21] =	ssyncset.done $0x0  }
0x14b: {  	[sflag:s21] =	ssyncadd.s32 $0xFFFFF830  }
0x14c: {  	_ =	swait.ge [sflag:s10], $0x7D0  }
0x14d: {  	[sflag:s10] =	ssyncset.done $0x0  }
0x14e: {  	[sflag:s10] =	ssyncadd.s32 $0xFFFFF830  }
0x14f: {  	_ =	swait.ge [sflag:s10], $0x7D0  }
0x150: {  	[sflag:s10] =	ssyncset.done $0x0  }
0x151: {  	[sflag:s10] =	ssyncadd.s32 $0xFFFFF830  }
0x152: {  	[tilespmem:s22], [sflag:$0x4] =	stream.indirect.gather [hbm4b:s0+s14], $0x1, s17, s14, $0xb8;
	[tilespmem:$0xA980] =	vst v63  }
0x153: {  	_ = 	snop  }
0x154: {  	[tilespmem:s23], [sflag:$0x4] =	stream.indirect.gather [hbm4b:s1+s14], $0x1, s17, s14, $0xb8;
	[tilespmem:$0xA980] =	vst v63  }
0x155: {  	_ =	swait.ge [sflag:s26], $0x7D0  }
0x156: {  	[sflag:s26] =	ssyncset.done $0x0  }
0x157: {  	[sflag:s26] =	ssyncadd.s32 $0xFFFFF830  }
0x158: {  	_ =	swait.ge [sflag:s26], $0x7D0  }
0x159: {  	[sflag:s26] =	ssyncset.done $0x0  }
0x15a: {  	s6 =	simm.s32 $0x0;
	[sflag:s26] =	ssyncadd.s32 $0xFFFFF830  }
0x15b: {  	v1 =	vld [tilespmem:s6+$0x8980]  }
0x15c: {  	v2 =	vld [tilespmem:s6+$0x8180]  }
0x15d: {  	v3 =	vld [tilespmem:s6+$0x9180]  }
0x15e: {  	v4 =	vld [tilespmem:s6+$0x9980];
	_ =	sdelay $0x1  }
0x15f: {  	v5 =	vsub.f32 $0.0e+00, v1;
	_ =	sdelay $0x1  }
0x160: {  	s11 =	simm.s32 $0x10;
	[tilespmem:s6+$0xA180] =	vst v2;
	v2 =	vmul.f32 v3, v5  }
0x161: {  	s12 =	simm.s32 $0x80;
	s18 =	rddreg [dreg:$0x9];
	v1 =	vld [tilespmem:s11+$0x8980];
	v3 =	vmul.f32 v4, v5  }
.LBB2_16:
0x162: {  	p0 =	sne.s32 s12, $0x1F00;
	v4 =	vld [tilespmem:s11+$0x8180];
	[tilespmem:s6+$0x9180] =	vst v2  }
0x163: {  	v2 =	vld [tilespmem:s11+$0x9180];
	[tilespmem:s6+$0x9980] =	vst v3;
	s6 =	smov.u32 s11  }
0x164: {  	v3 =	vld [tilespmem:s6+$0x9980]  }
.Ltmp7:
0x165: {  	(pc) =	sbr.rel @p0 .LBB2_16-.Ltmp7, $4  }
0x166: {  	v5 =	vsub.f32 $0.0e+00, v1  }
0x167: {  	[tilespmem:s6+$0xA180] =	vst v4  }
0x168: {  	s11 =	sshra.s32 s12, $0x2;
	v2 =	vmul.f32 v2, v5  }
0x169: {  	s12 =	sadd.s32 $0x40, s12;
	v1 =	vld [tilespmem:s11+$0x8980];
	v3 =	vmul.f32 v3, v5  }
0x16a: {  	v4 =	vld [tilespmem:s11+$0x8180];
	[tilespmem:s6+$0x9180] =	vst v2  }
0x16b: {  	v2 =	vld [tilespmem:s11+$0x9180];
	[tilespmem:s6+$0x9980] =	vst v3  }
0x16c: {  	v3 =	vld [tilespmem:s11+$0x9980];
	_ =	sdelay $0x1  }
0x16d: {  	v1 =	vsub.f32 $0.0e+00, v1;
	_ =	sdelay $0x1  }
0x16e: {  	v2 =	vmul.f32 v2, v1  }
0x16f: {  	[tilespmem:s11+$0xA180] =	vst v4;
	v1 =	vmul.f32 v3, v1  }
0x170: {  	[tilespmem:s11+$0x9180] =	vst v2  }
0x171: {  	[tilespmem:s11+$0x9980] =	vst v1  }
0x172: {  	[spmem:s7] =	stream.indirect.scatter.add.f32 [tilespmem:s22], [sflag:$0x6], $0x1, s28, s14, $0xb8;
	[tilespmem:$0xA980] =	vst v63  }
0x173: {  	_ = 	snop  }
0x174: {  	[spmem:s8] =	stream.indirect.scatter.add.f32 [tilespmem:s23], [sflag:$0x6], $0x1, s28, s14, $0xb8;
	[tilespmem:$0xA980] =	vst v63  }
0x175: {  	_ =	swait.ge [sflag:s29], $0x7D0  }
0x176: {  	[sflag:s29] =	ssyncset.done $0x0  }
0x177: {  	[sflag:s29] =	ssyncadd.s32 $0xFFFFF830  }
0x178: {  	_ =	swait.ge [sflag:s29], $0x7D0  }
0x179: {  	[sflag:s29] =	ssyncset.done $0x0  }
0x17a: {  	[sflag:s29] =	ssyncadd.s32 $0xFFFFF830  }
0x17b: {  	_ =	swait.ge [sflag:s10], $0x7D0  }
0x17c: {  	[sflag:s10] =	ssyncset.done $0x0  }
0x17d: {  	[sflag:s10] =	ssyncadd.s32 $0xFFFFF830  }
0x17e: {  	_ =	swait.ge [sflag:s10], $0x7D0  }
0x17f: {  	[sflag:s10] =	ssyncset.done $0x0  }
0x180: {  	s19 =	stileid.u32;
	s31 =	sshrl.u32 s18, $0x3;
	[sflag:s10] =	ssyncadd.s32 $0xFFFFF830  }
0x181: {  	s18 =	simm.s32 $0x10;
	s6 =	sshll.u32 s19, $0x6;
	[bflag:$0x0] =	sbarrier.arrive $0xFFFF  }
0x182: {  	s19 =	simm.s32 $0x20;
	s6 =	sor.u32 $0x1C07, s6;
	s12 =	rddreg [dreg:$0x17]  }
0x183: {  	[hbm:s12@s19], [sflag:s6] =	dma.strided [spmem:s31@s18], $0x310, s13, $0x10   }
0x184: {  	s31 =	simm.s32 $0x7  }
0x185: {  	_ =	swait.ge [sflag:s31], $0x310  }
0x186: {  	[sflag:s31] =	ssyncset.done $0x0;
	s12 =	rddreg [dreg:$0xa]  }
0x187: {  	[sflag:s31] =	ssyncadd.s32 $0xFFFFFCF0;
	s11 =	sshrl.u32 s12, $0x3;
	s12 =	rddreg [dreg:$0x18]  }
0x188: {  	[hbm:s12@s19], [sflag:s6] =	dma.strided [spmem:s11@s18], $0x310, s13, $0x10   }
0x189: {  	_ =	swait.ge [sflag:s31], $0x310  }
0x18a: {  	s18 =	rddreg [dreg:$0x1a]  }
0x18b: {  	s19 =	rddreg [dreg:$0x19];
	s11 =	sadd.s32 $0x1, s18  }
0x18c: {  	p0 =	sne.s32 s11, s19  }
.Ltmp8:
0x18d: {  	_ = 	snop;
	(pc) =	sbr.rel @p0 .LBB2_1-.Ltmp8, $3  }
0x18e: {  	_ =	sdelay $0x1  }
0x18f: {  	[sflag:s31] =	ssyncset.done $0x0  }
0x190: {  	[sflag:s31] =	ssyncadd.s32 $0xFFFFFCF0  }
0x191: {  	_ =	sfence.sel $0x180000  }
0x192: {  	[bflag:$0x0] =	sbarrier.arrive $0xFFFF  }
0x193: {  	_ =	strace $0x9000004A  }
0x194: {  	s0 =	stileid.u32;
	[bflag:$0x2] =	sbarrier.arrive $0xFFFF  }
0x195: {  	p0 =	sne.s32 s0, $0x0;
	s0 =	rddreg [dreg:$0x8]  }
0x196: {  	s0 =	sadd.s32 @!p0 $0x100000, s0  }
0x197: {  	[sflag:s0] =	ssyncadd.tile.s32 @!p0 $0x1;
	_ =	shalt  }
.Lfunc_end2:
_tile_overlayer_lowered:
.L_overlay_start_2:
0x198: {  	(tag) =	ssettag $0x2  }
0x199: {  	s0 =	rddreg [dreg:$0x0];
	s2 =	stileid.u32  }
0x19a: {  	s1 =	rddreg [dreg:$0x1];
	p0 =	sne.s32 s2, $0x0  }
0x19b: {  	s3 =	rddreg [dreg:$0x2];
	[bflag:$0x3] =	sbarrier.arrive $0xFFFF;
	s2 =	simm.s32 @!p0 $0x1C07  }
0x19c: {  	[timem:s3], [sflag:s2] =	dma.local @!p0 [hbm:s0], s1  }
0x19d: {  	s0 =	simm.s32 @!p0 $0x7  }
0x19e: {  	_ =	swait.ge @!p0 [sflag:s0], s1  }
0x19f: {  	s1 =	ssub.s32 @!p0 $0x0, s1;
	[sflag:s0] =	ssyncset.done @!p0 $0x0  }
0x1a0: {  	[sflag:s0] =	ssyncadd.s32 @!p0 s1  }
0x1a1: {  	[bflag:$0x3] =	sbarrier.arrive $0xFFFF  }
0x1a2: {  	_ =	shalt  }

// kernel: kernel.7.cloned.1.call-start
scs
__scs_entry_jumppad:
0x0: {  	(pc) =	sbr.rel $0x88, $3  }
0x1: {  	(tag) =	ssettag $0x0;
	lr =	simm.s32 $0x1  }
0x2: {  	[smem:$0x3F9A] =	sst lr;
	_ =	strace $0xD0000000  }
0x3: {  	_ = 	snop  }
0x4: {  	_ = 	snop  }
0x5: {  	_ = 	snop  }
0x6: {  	_ = 	snop  }
0x7: {  	_ = 	snop  }
__scs_overlays_trampoline_lowered:
0x8: {  	[smem:$0x3FA9] =	sst s0  }
0x9: {  	[smem:$0x3FAA] =	sst s1  }
0xa: {  	[smem:$0x3FAB] =	sst s2  }
0xb: {  	[smem:$0x3FAC] =	sst s3  }
0xc: {  	[smem:$0x3FAD] =	sst s4  }
0xd: {  	[smem:$0x3FAE] =	sst s5  }
0xe: {  	[smem:$0x3FAF] =	sst s6  }
0xf: {  	[smem:$0x3FB0] =	sst s7  }
0x10: {  	[smem:$0x3FB1] =	sst s8  }
0x11: {  	[smem:$0x3FB2] =	sst s9;
	s0 =	simm.s32 @!p0 $0x0  }
0x12: {  	s1 =	sld [smem:$0x3F98];
	s0 =	simm.s32 @p0 $0x1  }
0x13: {  	[smem:$0x3FB3] =	sst s0;
	s0 =	simm.s32 @!p1 $0x0  }
0x14: {  	s2 =	sld [smem:$0x3F97];
	s0 =	simm.s32 @p1 $0x1  }
0x15: {  	[smem:$0x3FB4] =	sst s0;
	s0 =	simm.s32 @!p2 $0x0  }
0x16: {  	s3 =	sld [smem:$0x3FDB];
	s0 =	simm.s32 @p2 $0x1  }
0x17: {  	s4 =	simm.s32 $0x1BF5;
	[smem:$0x3FB6] =	sst s0  }
0x18: {  	s0 =	sld [smem:$0x3F99];
	_ =	swait.ge [sflag:s4], $0x0  }
0x19: {  	s7 =	sld [smem:$0x3F9A]  }
0x1a: {  	s8 =	sadd.s32 $0xFFFFE003, lr  }
0x1b: {  	s9 =	sadd.s32 $0xFFFFFEF7, lr;
	s5 =	simm.s32 $0xFFFFFFFF;
	p2 =	slt.u32 s8, $0xFFFFF086  }
0x1c: {  	p1 =	slt.u32 s9, $0xF7A;
	s5 =	simm.s32 @!p2 $0x0  }
0x1d: {  	s5 =	simm.s32 @p1 $0x1;
	p0 =	seq.s32 s7, s2  }
0x1e: {  	s7 =	smul.u32 @!p0 $0xF7A, s2;
	p2 =	seq.s32 @!p0 s5, $0x0  }
0x1f: {  	s9 =	smul.u32 $0xF7A, s1;
	s8 =	simm.s32 @!p0 $0x1BF5;
	p2 =	por !p2, p0  }
0x20: {  	[sflag:s8] =	ssyncset.s32 @!p0 $0xFFFFF086;
	s6 =	sadd.s32 @!p0 s3, s7;
	s7 =	simm.s32 @!p0 $0x108  }
0x21: {  	s3 =	sadd.s32 s3, s9;
	s6 =	sadd.s32 @!p0 $0x88, s6;
	s7 =	simm.s32 @p2 $0x1082  }
0x22: {  	[simem:s7], [sflag:s8] =	dma.local @!p0 [hbm:s6], $0xF7A  }
0x23: {  	s9 =	sor.u32 $0xD0000000, s2;
	s6 =	simm.s32 $0x108;
	_ =	swait.ge @!p0 [sflag:s8], $0x0  }
0x24: {  	s3 =	sadd.s32 $0x88, s3;
	s6 =	simm.s32 @!p1 $0x1082;
	[sflag:s4] =	ssyncset.s32 $0xFFFFF086  }
0x25: {  	[simem:s6], [sflag:s4] =	dma.local [hbm:s3], $0xF7A  }
0x26: {  	[smem:$0x3F9A] =	sst s1;
	(tag) =	ssettag s2;
	_ =	strace s9  }
0x27: {  	s1 =	sld [smem:$0x3FAA]  }
0x28: {  	s2 =	sld [smem:$0x3FAB]  }
0x29: {  	s4 =	sld [smem:$0x3FAD]  }
0x2a: {  	p0 =	seq.s32 s5, $0x0;
	s5 =	sld [smem:$0x3FAE]  }
0x2b: {  	s6 =	sld [smem:$0x3FAF]  }
0x2c: {  	s7 =	sld [smem:$0x3FB0]  }
0x2d: {  	s3 =	simm.s32 $0x108;
	s8 =	sld [smem:$0x3FB1]  }
0x2e: {  	s3 =	simm.s32 @!p0 $0x1082;
	s9 =	sld [smem:$0x3FB2]  }
0x2f: {  	lr =	sadd.s32 s0, s3;
	s0 =	sld [smem:$0x3FA9]  }
0x30: {  	s3 =	sld [smem:$0x3FAC]  }
0x31: {  	[smem:$0x3FB5] =	sst s10  }
0x32: {  	s10 =	sld [smem:$0x3FB3];
	_ =	sdelay $0x3  }
0x33: {  	p0 =	seq.s32 s10, $0x1;
	s10 =	sld [smem:$0x3FB5];
	_ =	sdelay $0x3  }
0x34: {  	[smem:$0x3FB5] =	sst s10  }
0x35: {  	s10 =	sld [smem:$0x3FB4];
	_ =	sdelay $0x3  }
0x36: {  	p1 =	seq.s32 s10, $0x1;
	s10 =	sld [smem:$0x3FB5];
	_ =	sdelay $0x3  }
0x37: {  	[smem:$0x3FB5] =	sst s10  }
0x38: {  	s10 =	sld [smem:$0x3FB6]  }
0x39: {  	_ = 	snop;
	(pc) =	sbr.ind lr, $3  }
0x3a: {  	_ = 	snop  }
0x3b: {  	_ = 	snop  }
0x3c: {  	p2 =	seq.s32 s10, $0x1;
	s10 =	sld [smem:$0x3FB5]  }
0x3d: {  	_ =	shalt  }
0x3e: {  	_ =	shalt  }
0x3f: {  	_ =	shalt  }
0x40: {  	_ =	shalt  }
0x41: {  	_ =	shalt  }
0x42: {  	_ =	shalt  }
0x43: {  	_ =	shalt  }
0x44: {  	_ =	shalt  }
0x45: {  	_ =	shalt  }
0x46: {  	_ =	shalt  }
0x47: {  	_ =	shalt  }
0x48: {  	_ =	shalt  }
0x49: {  	_ =	shalt  }
0x4a: {  	_ =	shalt  }
0x4b: {  	_ =	shalt  }
0x4c: {  	_ =	shalt  }
0x4d: {  	_ =	shalt  }
0x4e: {  	_ =	shalt  }
0x4f: {  	_ =	shalt  }
0x50: {  	_ =	shalt  }
0x51: {  	_ =	shalt  }
0x52: {  	_ =	shalt  }
0x53: {  	_ =	shalt  }
0x54: {  	_ =	shalt  }
0x55: {  	_ =	shalt  }
0x56: {  	_ =	shalt  }
0x57: {  	_ =	shalt  }
0x58: {  	_ =	shalt  }
0x59: {  	_ =	shalt  }
0x5a: {  	_ =	shalt  }
0x5b: {  	_ =	shalt  }
0x5c: {  	_ =	shalt  }
0x5d: {  	_ =	shalt  }
0x5e: {  	_ =	shalt  }
0x5f: {  	_ =	shalt  }
0x60: {  	_ =	shalt  }
0x61: {  	_ =	shalt  }
0x62: {  	_ =	shalt  }
0x63: {  	_ =	shalt  }
0x64: {  	_ =	shalt  }
0x65: {  	_ =	shalt  }
0x66: {  	_ =	shalt  }
0x67: {  	_ =	shalt  }
0x68: {  	_ =	shalt  }
0x69: {  	_ =	shalt  }
0x6a: {  	_ =	shalt  }
0x6b: {  	_ =	shalt  }
0x6c: {  	_ =	shalt  }
0x6d: {  	_ =	shalt  }
0x6e: {  	_ =	shalt  }
0x6f: {  	_ =	shalt  }
0x70: {  	_ =	shalt  }
0x71: {  	_ =	shalt  }
0x72: {  	_ =	shalt  }
0x73: {  	_ =	shalt  }
0x74: {  	_ =	shalt  }
0x75: {  	_ =	shalt  }
0x76: {  	_ =	shalt  }
0x77: {  	_ =	shalt  }
0x78: {  	_ =	shalt  }
0x79: {  	_ =	shalt  }
0x7a: {  	_ =	shalt  }
0x7b: {  	_ =	shalt  }
0x7c: {  	_ =	shalt  }
0x7d: {  	_ =	shalt  }
0x7e: {  	_ =	shalt  }
0x7f: {  	_ =	shalt  }
0x80: {  	_ =	shalt  }
0x81: {  	_ =	shalt  }
0x82: {  	_ =	shalt  }
0x83: {  	_ =	shalt  }
0x84: {  	_ =	shalt  }
0x85: {  	_ =	shalt  }
0x86: {  	_ =	shalt  }
0x87: {  	_ =	shalt  }
.Lfunc_end0:
.L_simem_size_0:
called_computation_lowered:
.L_overlay_start_0:
0x88: {  	s2 =	sld [smem:$0x3FD9]  }
0x89: {  	s3 =	sld [smem:$0x3FFE];
	_ =	sdelay $0x1  }
0x8a: {  	s1 =	srdreg.scid  }
0x8b: {  	s0 =	sand.u32 $0x1, s1  }
0x8c: {  	s14 =	sshll.u32 s0, $0xA;
	s2 =	sadd.s32 s3, s2  }
0x8d: {  	s2 =	sadd.s32 s2, s14  }
0x8e: {  	[smem:$0x3FC1] =	sst s2  }
0x8f: {  	_ = 	snop  }
0x90: {  	s2 =	sld [smem:$0x3FD0]  }
0x91: {  	s15 =	sld [smem:$0x3FC5]  }
0x92: {  	s4 =	sld [smem:$0x3FC4]  }
0x93: {  	s6 =	simm.s32 $0xA;
	s7 =	simm.s32 $0x10;
	s5 =	sld [smem:$0x3FC3]  }
0x94: {  	[smem:s7], [sflag:s6] =	dma.local [hbm:s2], $0x1  }
0x95: {  	_ =	swait.eq [sflag:s6], $0x1  }
0x96: {  	[sflag:s6] =	ssyncset.done $0x0  }
0x97: {  	s16 =	sld [smem:$0x11];
	[sflag:s6] =	ssyncadd.s32 $0xFFFFFFFF  }
0x98: {  	s17 =	sld [smem:$0x12];
	(tm) =	ssettm $0x1  }
0x99: {  	s18 =	sld [smem:$0x3FFB];
	_ =	sdelay $0x3  }
0x9a: {  	_ =	strace s18  }
0x9b: {  	s7 =	sld [smem:$0x3FFC];
	_ =	sdelay $0x3  }
0x9c: {  	_ =	strace s7  }
0x9d: {  	s7 =	sld [smem:$0x3FFD];
	_ =	sdelay $0x3  }
0x9e: {  	_ =	strace s7  }
0x9f: {  	_ =	strace $0x8FFFFFFF  }
0xa0: {  	s19 =	sld [smem:$0x3FDB];
	_ =	sdelay $0x1  }
0xa1: {  	s8 =	simm.s32 $_scs_section_size  }
0xa2: {  	s9 =	simm.s32 $_size__tile_overlayer_lowered;
	s10 =	simm.s32 $_tile_overlayer_lowered  }
0xa3: {  	s22 =	simm.s32 $0x1BFF;
	s21 =	sshll.u32 s10, $0x1;
	s7 =	sadd.s32 s8, s19  }
0xa4: {  	s11 =	simm.s32 $0x0;
	s20 =	sshll.u32 s9, $0x1;
	s9 =	sadd.s32 s21, s7  }
0xa5: {  	[timem:s11], [sflag:s22] =	dma.local [hbm:s9], s20  }
0xa6: {  	_ =	swait.ge [sflag:s22], s20  }
0xa7: {  	s8 =	ssub.s32 $0x0, s20;
	[sflag:s22] =	ssyncset.done $0x0  }
0xa8: {  	[sflag:s22] =	ssyncadd.s32 s8;
	_ =	sdelay $0x1  }
0xa9: {  	s23 =	simm.s32 $0x1B8B  }
0xaa: {  	_ =	swait.ge [sflag:s23], $0x1  }
0xab: {  	[sflag:s23] =	ssyncset.done $0x0  }
0xac: {  	s25 =	simm.s32 $0x1B8E;
	s24 =	sld [smem:$0x3FFE];
	[sflag:s23] =	ssyncadd.s32 $0xFFFFFFFF  }
0xad: {  	s26 =	simm.s32 $execute0_lowered;
	[smem:$0x3FD2] =	sst s25  }
0xae: {  	s9 =	sshll.u32 s26, $0x1;
	_ =	strace $0x80000046;
	[dreg:$0x1] =	wrdreg $0xFFFFFFFF  }
0xaf: {  	s28 =	simm.s32 $_size_execute0_lowered;
	s7 =	sadd.s32 s7, s9;
	[dreg:$0x0] =	wrdreg $0x0  }
0xb0: {  	s9 =	sshll.u32 s28, $0x1;
	[dreg:$0x2] =	wrdreg s7  }
0xb1: {  	[dreg:$0x3] =	wrdreg s9  }
0xb2: {  	[dreg:$0x4] =	wrdreg $0xC0  }
0xb3: {  	_ =	task [dreg:s11], $0x5FFFF  }
0xb4: {  	[dreg:$0x1] =	wrdreg $0xFFFFFFFF  }
0xb5: {  	[dreg:$0x0] =	wrdreg $0x60  }
0xb6: {  	[dreg:$0x2] =	wrdreg s17  }
0xb7: {  	[dreg:$0x3] =	wrdreg s16  }
0xb8: {  	[dreg:$0x4] =	wrdreg s4  }
0xb9: {  	[dreg:$0x5] =	wrdreg s5  }
0xba: {  	[dreg:$0x6] =	wrdreg s15  }
0xbb: {  	[dreg:$0x7] =	wrdreg s24  }
0xbc: {  	[dreg:$0x8] =	wrdreg $0x0  }
0xbd: {  	[dreg:$0x9] =	wrdreg $0x18800  }
0xbe: {  	[dreg:$0xa] =	wrdreg $0x31000  }
0xbf: {  	[dreg:$0xb] =	wrdreg $0x49800  }
0xc0: {  	[dreg:$0xc] =	wrdreg $0x62000  }
0xc1: {  	[dreg:$0xd] =	wrdreg $0x9  }
0xc2: {  	_ =	task.clear_ibuf [dreg:s11], $0xEFFFF;
	_ =	strace $0x90000046  }
0xc3: {  	s29 =	simm.s32 $0x9;
	_ =	strace $0x80000048  }
0xc4: {  	_ =	swait.ge [sflag:s29], $0x1  }
0xc5: {  	[sflag:s29] =	ssyncadd.s32 $0xFFFFFFFF  }
0xc6: {  	_ =	strace $0x90000048  }
0xc7: {  	_ =	sfence  }
0xc8: {  	s30 =	sld [smem:$0x0];
	_ =	sdelay $0x2  }
0xc9: {  	s31 =	sshll.u32 s1, $0xD;
	s1 =	sshrl.u32 s1, $0x2  }
0xca: {  	s3 =	sand.u32 $0x4000, s31;
	s1 =	sadd.s32 s1, s30  }
0xcb: {  	s0 =	sor.u32 s3, s0;
	s1 =	sshll.u32 s1, $0x11  }
0xcc: {  	s0 =	sor.u32 s1, s0  }
0xcd: {  	s0 =	sadd.s32 $0x8F2B, s0  }
0xce: {  	[sflag:s0] =	ssyncadd.remote.s32 $0x1  }
0xcf: {  	_ =	sfence.sel $0xFFFF  }
0xd0: {  	[dreg:$0x0] =	wrdreg $0xFFFFFFFF;
	(pc) =	sbr.abs _section_cstart, $3  }
0xd1: {  	[dreg:$0x1] =	wrdreg $0xFFFFFFFF  }
0xd2: {  	_ =	task.clear_ibuf [dreg:s11], $0x2FFFF;
	_ =	strace $0x9FFFFFFF  }
0xd3: {  	(tm) =	ssettm $0x7FFFFFFF  }
tec
execute0_lowered:
.L_overlay_start_1:
0x0: {  	(tag) =	ssettag $0x1  }
0x1: {  	s14 =	rddreg [dreg:$0x2]  }
0x2: {  	s15 =	rddreg [dreg:$0x3]  }
0x3: {  	s16 =	rddreg [dreg:$0x4]  }
0x4: {  	s2 =	rddreg [dreg:$0x5]  }
0x5: {  	s6 =	rddreg [dreg:$0x6]  }
0x6: {  	s7 =	rddreg [dreg:$0x7]  }
0x7: {  	s8 =	rddreg [dreg:$0x8]  }
0x8: {  	s10 =	rddreg [dreg:$0x9]  }
0x9: {  	s11 =	rddreg [dreg:$0xa];
	s0 =	stileid.u32  }
0xa: {  	s3 =	srdreg.scid;
	s12 =	simm.s32 $0x0;
	s4 =	smul.u32 $0x3100, s0  }
0xb: {  	s3 =	sand.u32 $0x1, s3;
	[smem:$0x7FF] =	sst s12;
	s9 =	smul.u32 $0x1880, s0  }
0xc: {  	s5 =	sshll.u32 s3, $0x7;
	_ =	strace $0x80000047;
	s1 =	sshll.u32 s3, $0x4  }
0xd: {  	s3 =	ssub.s32 $0x2, s3;
	s4 =	sor.u32 s5, s4;
	s5 =	sor.u32 s0, s1  }
0xe: {  	s13 =	sshrl.u32 s3, $0x1;
	s0 =	sadd.s32 s9, s6;
	s18 =	sadd.s32 s9, s10  }
0xf: {  	s19 =	sadd.s32 s9, s11;
	s4 =	sshrl.u32 s4, $0x3;
	[dreg:$0xc] =	wrdreg s0  }
0x10: {  	s5 =	smul.u32 $0x186A0, s5;
	s3 =	ssub.s32 s3, s13;
	[dreg:$0xf] =	wrdreg s18  }
0x11: {  	s13 =	sadd.s32 s9, s8;
	[dreg:$0x10] =	wrdreg s19;
	s2 =	sadd.s32 s4, s2  }
0x12: {  	s4 =	sadd.s32 s9, s7;
	[dreg:$0xe] =	wrdreg s13;
	s17 =	sshrl.u32 s5, $0x3  }
0x13: {  	[dreg:$0xd] =	wrdreg s4;
	s21 =	sadd.s32 s14, s17  }
0x14: {  	s25 =	sadd.s32 s15, s17;
	[dreg:$0x11] =	wrdreg s21  }
0x15: {  	s20 =	sadd.s32 $0xFA, s17;
	s1 =	sadd.s32 s16, s17;
	[dreg:$0x15] =	wrdreg s25  }
0x16: {  	s29 =	simm.s32 $0x1;
	s22 =	sadd.s32 s14, s20;
	[dreg:$0x16] =	wrdreg s1  }
0x17: {  	s30 =	simm.s32 $0x7D0;
	s23 =	sadd.s32 s15, s20;
	[dreg:$0x12] =	wrdreg s22  }
0x18: {  	s26 =	sadd.s32 $0x1F4, s17;
	s24 =	sadd.s32 s16, s20;
	[dreg:$0x13] =	wrdreg s23  }
0x19: {  	s28 =	simm.s32 $0x10300;
	s13 =	sadd.s32 s14, s26;
	[dreg:$0x14] =	wrdreg s24  }
0x1a: {  	s4 =	sadd.s32 $0x2EE, s17;
	s17 =	sadd.s32 s15, s26;
	[dreg:$0x17] =	wrdreg s13  }
0x1b: {  	s31 =	smov.u32 s16;
	s18 =	sadd.s32 s16, s26;
	[dreg:$0x18] =	wrdreg s17  }
0x1c: {  	s0 =	smov.u32 s14;
	s1 =	sadd.s32 s14, s4;
	[dreg:$0x19] =	wrdreg s18  }
0x1d: {  	s9 =	simm.s32 $0xB300;
	s19 =	sadd.s32 s15, s4;
	[dreg:$0x1a] =	wrdreg s1  }
0x1e: {  	s4 =	sadd.s32 s16, s4;
	s20 =	sadd.s32 $0x1F40, s5;
	[dreg:$0x1b] =	wrdreg s19  }
0x1f: {  	s21 =	sadd.s32 $0x2710, s5;
	s25 =	sadd.s32 $0x13200, s2;
	[dreg:$0x1c] =	wrdreg s4  }
0x20: {  	s26 =	smax.u32 s3, $0x1;
	s16 =	simm.s32 $0x9300;
	[dreg:$0x1d] =	wrdreg s20  }
0x21: {  	s14 =	simm.s32 $0x5;
	s3 =	simm.s32 $0x0;
	[smem:$0x7F9] =	sst s21  }
0x22: {  	s1 =	smov.u32 s15;
	s22 =	sadd.s32 $0xC00, s2;
	[smem:$0x7FB] =	sst s25  }
0x23: {  	s23 =	sadd.s32 $0x6E00, s2;
	s24 =	sadd.s32 $0xD000, s2;
	[smem:$0x7FD] =	sst s26  }
0x24: {  	s2 =	sadd.s32 $0x19400, s2;
	s25 =	simm.s32 $0x9B00;
	[dreg:$0x1e] =	wrdreg s22  }
0x25: {  	s18 =	simm.s32 $0xBB00;
	s19 =	simm.s32 $0xDB00;
	[dreg:$0x1f] =	wrdreg s23  }
0x26: {  	s13 =	simm.s32 $0xC300;
	s17 =	simm.s32 $0x2;
	[smem:$0x7FA] =	sst s24  }
0x27: {  	s26 =	simm.s32 $0x4;
	s15 =	simm.s32 $0x6;
	[smem:$0x7FC] =	sst s2  }
0x28: {  	v0 =	vimm.f32 $0.0e+00;
	v1 =	vimm.f32 $1.000000000e+00;
	s22 =	simm.s32 $0x3;
	s23 =	simm.s32 $0xF300;
	s24 =	simm.s32 $0xFB00  }
.LBB2_1:
0x29: {  	[smem:$0x7F8] =	sst s3;
	s2 =	simm.s32 $0x40;
	s3 =	simm.s32 $0x0  }
.LBB2_2:
0x2a: {  	p0 =	sne.s32 s2, $0x61C0;
	[tilespmem:s3+$0x7A80] =	vst v0;
	s3 =	smov.u32 s2;
	s2 =	sadd.s32 $0x40, s2  }
.Ltmp0:
0x2b: {  	(pc) =	sbr.rel @p0 .LBB2_2-.Ltmp0, $2  }
0x2c: {  	_ =	sdelay $0x2  }
0x2d: {  	s3 =	sshra.s32 s3, $0x2  }
0x2e: {  	[tilespmem:s3+$0x7A80] =	vst v0;
	s2 =	rddreg [dreg:$0xc];
	s3 =	simm.s32 $0x7A80;
	s4 =	simm.s32 $0x7  }
0x2f: {  	[spmem:s2] =	stream.linear.scatter [tilespmem:s3], [sflag:$0x7], $0x1880, $0x38;
	[tilespmem:$0x11B00] =	vst v63  }
0x30: {  	_ =	swait.ge [sflag:s4], $0x1880  }
0x31: {  	[sflag:s4] =	ssyncset.done $0x0  }
0x32: {  	s21 =	rddreg [dreg:$0xd];
	[sflag:s4] =	ssyncadd.s32 $0xFFFFE780  }
0x33: {  	[spmem:s21] =	stream.linear.scatter [tilespmem:s3], [sflag:$0x7], $0x1880, $0x38;
	[tilespmem:$0x11B00] =	vst v63  }
0x34: {  	_ =	swait.ge [sflag:s4], $0x1880  }
0x35: {  	[sflag:s4] =	ssyncset.done $0x0  }
0x36: {  	s5 =	rddreg [dreg:$0xe];
	[sflag:s4] =	ssyncadd.s32 $0xFFFFE780  }
0x37: {  	[spmem:s5] =	stream.linear.scatter [tilespmem:s3], [sflag:$0x7], $0x1880, $0x38;
	[tilespmem:$0x11B00] =	vst v63  }
0x38: {  	_ =	swait.ge [sflag:s4], $0x1880  }
0x39: {  	[sflag:s4] =	ssyncset.done $0x0  }
0x3a: {  	s20 =	rddreg [dreg:$0xf];
	[sflag:s4] =	ssyncadd.s32 $0xFFFFE780  }
0x3b: {  	[spmem:s20] =	stream.linear.scatter [tilespmem:s3], [sflag:$0x7], $0x1880, $0x38;
	[tilespmem:$0x11B00] =	vst v63  }
0x3c: {  	_ =	swait.ge [sflag:s4], $0x1880  }
0x3d: {  	[sflag:s4] =	ssyncset.done $0x0  }
0x3e: {  	s21 =	rddreg [dreg:$0x10];
	[sflag:s4] =	ssyncadd.s32 $0xFFFFE780  }
0x3f: {  	[spmem:s21] =	stream.linear.scatter [tilespmem:s3], [sflag:$0x7], $0x1880, $0x38;
	[tilespmem:$0x11B00] =	vst v63  }
0x40: {  	_ =	swait.ge [sflag:s4], $0x1880  }
0x41: {  	[sflag:s4] =	ssyncset.done $0x0  }
0x42: {  	s2 =	simm.s32 $0x40;
	s3 =	simm.s32 $0x0;
	[sflag:s4] =	ssyncadd.s32 $0xFFFFE780  }
.LBB2_4:
0x43: {  	p0 =	sne.s32 s2, $0x1F00;
	[tilespmem:s3+$0x9300] =	vst v1;
	s3 =	smov.u32 s2;
	s2 =	sadd.s32 $0x40, s2  }
.Ltmp1:
0x44: {  	(pc) =	sbr.rel @p0 .LBB2_4-.Ltmp1, $2  }
0x45: {  	_ =	sdelay $0x2  }
0x46: {  	s3 =	sshra.s32 s3, $0x2  }
0x47: {  	[tilespmem:s3+$0x9300] =	vst v1  }
0x48: {  	[bflag:$0x0] =	sbarrier.arrive $0xFFFF  }
0x49: {  	s2 =	simm.s32 $0x0;
	s4 =	rddreg [dreg:$0x11]  }
0x4a: {  	[tilespmem:s25], [sflag:$0x1] =	stream.linear.gather [hbm4b:s4+s2], $0x7D0, $0x38;
	[tilespmem:$0x11B00] =	vst v63  }
0x4b: {  	s5 =	rddreg [dreg:$0x15];
	s4 =	simm.s32 $0xA300  }
0x4c: {  	[tilespmem:s4], [sflag:$0x1] =	stream.linear.gather [hbm4b:s5+s2], $0x7D0, $0x38;
	[tilespmem:$0x11B00] =	vst v63  }
0x4d: {  	s21 =	simm.s32 $0xAB00;
	s20 =	rddreg [dreg:$0x16]  }
0x4e: {  	[tilespmem:s21], [sflag:$0x1] =	stream.linear.gather [hbm4b:s20+s2], $0x7D0, $0x38;
	[tilespmem:$0x11B00] =	vst v63  }
0x4f: {  	_ =	swait.ge [sflag:s29], $0x7D0  }
0x50: {  	[sflag:s29] =	ssyncset.done $0x0  }
0x51: {  	[sflag:s29] =	ssyncadd.s32 $0xFFFFF830  }
0x52: {  	_ =	swait.ge [sflag:s29], $0x7D0  }
0x53: {  	[sflag:s29] =	ssyncset.done $0x0  }
0x54: {  	[sflag:s29] =	ssyncadd.s32 $0xFFFFF830  }
0x55: {  	_ =	swait.ge [sflag:s29], $0x7D0  }
0x56: {  	[sflag:s29] =	ssyncset.done $0x0  }
0x57: {  	[sflag:s29] =	ssyncadd.s32 $0xFFFFF830  }
0x58: {  	s5 =	rddreg [dreg:$0x0]  }
0x59: {  	[tilespmem:s9], [sflag:$0x3] =	stream.indirect.gather [hbm4b:s5+s30], $0x1, s25, s30, $0xb8;
	[tilespmem:$0x11B00] =	vst v63  }
0x5a: {  	s20 =	rddreg [dreg:$0x1]  }
0x5b: {  	[tilespmem:s18], [sflag:$0x3] =	stream.indirect.gather [hbm4b:s20+s30], $0x1, s25, s30, $0xb8;
	[tilespmem:$0x11B00] =	vst v63  }
0x5c: {  	s21 =	rddreg [dreg:$0x12]  }
0x5d: {  	[tilespmem:s19], [sflag:$0x2] =	stream.linear.gather [hbm4b:s21+s2], $0x7D0, $0x38;
	[tilespmem:$0x11B00] =	vst v63  }
0x5e: {  	s4 =	rddreg [dreg:$0x13];
	s5 =	simm.s32 $0xE300  }
0x5f: {  	[tilespmem:s5], [sflag:$0x2] =	stream.linear.gather [hbm4b:s4+s2], $0x7D0, $0x38;
	[tilespmem:$0x11B00] =	vst v63  }
0x60: {  	s20 =	rddreg [dreg:$0x14];
	s21 =	simm.s32 $0xEB00  }
0x61: {  	[tilespmem:s21], [sflag:$0x2] =	stream.linear.gather [hbm4b:s20+s2], $0x7D0, $0x38;
	[tilespmem:$0x11B00] =	vst v63  }
0x62: {  	_ =	swait.ge [sflag:s22], $0x7D0  }
0x63: {  	[sflag:s22] =	ssyncset.done $0x0  }
0x64: {  	[sflag:s22] =	ssyncadd.s32 $0xFFFFF830  }
0x65: {  	_ =	swait.ge [sflag:s22], $0x7D0  }
0x66: {  	[sflag:s22] =	ssyncset.done $0x0  }
0x67: {  	s20 =	simm.s32 $0x0;
	[sflag:s22] =	ssyncadd.s32 $0xFFFFF830  }
0x68: {  	v2 =	vld [tilespmem:s20+$0xAB00]  }
0x69: {  	v3 =	vld [tilespmem:s20+$0xA300]  }
0x6a: {  	v4 =	vld [tilespmem:s20+$0xB300]  }
0x6b: {  	v5 =	vld [tilespmem:s20+$0xBB00];
	_ =	sdelay $0x1  }
0x6c: {  	[tilespmem:s20+$0xCB00] =	vst v2;
	v6 =	vmul.f32 v2, v2;
	v7 =	vsub.f32 $0.0e+00, v2  }
0x6d: {  	[tilespmem:s20+$0xC300] =	vst v3  }
0x6e: {  	s2 =	simm.s32 $0x10;
	[tilespmem:s20+$0xD300] =	vst v6;
	v3 =	vmul.f32 v4, v7  }
0x6f: {  	s3 =	simm.s32 $0x80;
	v4 =	vmul.f32 v5, v7;
	v2 =	vld [tilespmem:s2+$0xAB00]  }
.LBB2_6:
0x70: {  	p0 =	sne.s32 s3, $0x1F00;
	v5 =	vld [tilespmem:s2+$0xA300];
	[tilespmem:s20+$0xB300] =	vst v3  }
0x71: {  	v3 =	vld [tilespmem:s2+$0xB300];
	[tilespmem:s20+$0xBB00] =	vst v4;
	s20 =	smov.u32 s2  }
0x72: {  	v4 =	vld [tilespmem:s20+$0xBB00]  }
.Ltmp2:
0x73: {  	(pc) =	sbr.rel @p0 .LBB2_6-.Ltmp2, $4  }
0x74: {  	v6 =	vsub.f32 $0.0e+00, v2;
	[tilespmem:s20+$0xCB00] =	vst v2;
	v2 =	vmul.f32 v2, v2  }
0x75: {  	[tilespmem:s20+$0xC300] =	vst v5  }
0x76: {  	s2 =	sshra.s32 s3, $0x2;
	v3 =	vmul.f32 v3, v6;
	[tilespmem:s20+$0xD300] =	vst v2  }
0x77: {  	s3 =	sadd.s32 $0x40, s3;
	v2 =	vld [tilespmem:s2+$0xAB00];
	v4 =	vmul.f32 v4, v6  }
0x78: {  	v5 =	vld [tilespmem:s2+$0xA300];
	[tilespmem:s20+$0xB300] =	vst v3  }
0x79: {  	v3 =	vld [tilespmem:s2+$0xB300];
	[tilespmem:s20+$0xBB00] =	vst v4  }
0x7a: {  	v4 =	vld [tilespmem:s2+$0xBB00];
	_ =	sdelay $0x1  }
0x7b: {  	v6 =	vsub.f32 $0.0e+00, v2  }
0x7c: {  	[tilespmem:s2+$0xCB00] =	vst v2;
	v2 =	vmul.f32 v2, v2  }
0x7d: {  	[tilespmem:s2+$0xC300] =	vst v5;
	v3 =	vmul.f32 v3, v6  }
0x7e: {  	[tilespmem:s2+$0xD300] =	vst v2;
	v2 =	vmul.f32 v4, v6  }
0x7f: {  	[tilespmem:s2+$0xB300] =	vst v3  }
0x80: {  	[tilespmem:s2+$0xBB00] =	vst v2  }
0x81: {  	[spmem:s6] =	stream.indirect.scatter.add.f32 [tilespmem:s9], [sflag:$0x5], $0x1, s13, s30, $0xb8;
	[tilespmem:$0x11B00] =	vst v63  }
0x82: {  	_ = 	snop  }
0x83: {  	[spmem:s7] =	stream.indirect.scatter.add.f32 [tilespmem:s18], [sflag:$0x5], $0x1, s13, s30, $0xb8;
	[tilespmem:$0x11B00] =	vst v63  }
0x84: {  	s4 =	simm.s32 $0xCB00  }
0x85: {  	[spmem:s8] =	stream.indirect.scatter.add.f32 [tilespmem:s4], [sflag:$0x5], $0x1, s13, s30, $0xb8;
	[tilespmem:$0x11B00] =	vst v63  }
0x86: {  	s5 =	simm.s32 $0xD300  }
0x87: {  	[spmem:s10] =	stream.indirect.scatter.add.f32 [tilespmem:s5], [sflag:$0x5], $0x1, s13, s30, $0xb8;
	[tilespmem:$0x11B00] =	vst v63  }
0x88: {  	_ = 	snop  }
0x89: {  	[spmem:s11] =	stream.indirect.scatter.add.f32 [tilespmem:s16], [sflag:$0x5], $0x1, s13, s30, $0xb8;
	[tilespmem:$0x11B00] =	vst v63  }
0x8a: {  	s3 =	rddreg [dreg:$0x17];
	s20 =	simm.s32 $0x0  }
0x8b: {  	[tilespmem:s25], [sflag:$0x1] =	stream.linear.gather [hbm4b:s3+s20], $0x7D0, $0x38;
	[tilespmem:$0x11B00] =	vst v63  }
0x8c: {  	s21 =	rddreg [dreg:$0x18];
	s4 =	simm.s32 $0xA300  }
0x8d: {  	[tilespmem:s4], [sflag:$0x1] =	stream.linear.gather [hbm4b:s21+s20], $0x7D0, $0x38;
	[tilespmem:$0x11B00] =	vst v63  }
0x8e: {  	s5 =	simm.s32 $0xAB00;
	s4 =	rddreg [dreg:$0x19]  }
0x8f: {  	[tilespmem:s5], [sflag:$0x1] =	stream.linear.gather [hbm4b:s4+s20], $0x7D0, $0x38;
	[tilespmem:$0x11B00] =	vst v63  }
0x90: {  	_ =	swait.ge [sflag:s17], $0x7D0  }
0x91: {  	[sflag:s17] =	ssyncset.done $0x0  }
0x92: {  	[sflag:s17] =	ssyncadd.s32 $0xFFFFF830  }
0x93: {  	_ =	swait.ge [sflag:s17], $0x7D0  }
0x94: {  	[sflag:s17] =	ssyncset.done $0x0  }
0x95: {  	[sflag:s17] =	ssyncadd.s32 $0xFFFFF830  }
0x96: {  	_ =	swait.ge [sflag:s17], $0x7D0  }
0x97: {  	[sflag:s17] =	ssyncset.done $0x0  }
0x98: {  	[sflag:s17] =	ssyncadd.s32 $0xFFFFF830  }
0x99: {  	s20 =	rddreg [dreg:$0x0]  }
0x9a: {  	[tilespmem:s23], [sflag:$0x4] =	stream.indirect.gather [hbm4b:s20+s30], $0x1, s19, s30, $0xb8;
	[tilespmem:$0x11B00] =	vst v63  }
0x9b: {  	s21 =	rddreg [dreg:$0x1]  }
0x9c: {  	[tilespmem:s24], [sflag:$0x4] =	stream.indirect.gather [hbm4b:s21+s30], $0x1, s19, s30, $0xb8;
	[tilespmem:$0x11B00] =	vst v63  }
0x9d: {  	_ =	swait.ge [sflag:s26], $0x7D0  }
0x9e: {  	[sflag:s26] =	ssyncset.done $0x0  }
0x9f: {  	[sflag:s26] =	ssyncadd.s32 $0xFFFFF830  }
0xa0: {  	_ =	swait.ge [sflag:s26], $0x7D0  }
0xa1: {  	[sflag:s26] =	ssyncset.done $0x0  }
0xa2: {  	s20 =	simm.s32 $0x0;
	[sflag:s26] =	ssyncadd.s32 $0xFFFFF830  }
0xa3: {  	v2 =	vld [tilespmem:s20+$0xEB00]  }
0xa4: {  	v3 =	vld [tilespmem:s20+$0xE300]  }
0xa5: {  	v4 =	vld [tilespmem:s20+$0xF300]  }
0xa6: {  	v5 =	vld [tilespmem:s20+$0xFB00];
	_ =	sdelay $0x1  }
0xa7: {  	[tilespmem:s20+$0x10B00] =	vst v2;
	v6 =	vmul.f32 v2, v2;
	v7 =	vsub.f32 $0.0e+00, v2  }
0xa8: {  	[tilespmem:s20+$0x10300] =	vst v3  }
0xa9: {  	s2 =	simm.s32 $0x10;
	[tilespmem:s20+$0x11300] =	vst v6;
	v3 =	vmul.f32 v4, v7  }
0xaa: {  	s3 =	simm.s32 $0x80;
	v4 =	vmul.f32 v5, v7;
	v2 =	vld [tilespmem:s2+$0xEB00]  }
.LBB2_8:
0xab: {  	p0 =	sne.s32 s3, $0x1F00;
	v5 =	vld [tilespmem:s2+$0xE300];
	[tilespmem:s20+$0xF300] =	vst v3  }
0xac: {  	v3 =	vld [tilespmem:s2+$0xF300];
	[tilespmem:s20+$0xFB00] =	vst v4;
	s20 =	smov.u32 s2  }
0xad: {  	v4 =	vld [tilespmem:s20+$0xFB00]  }
.Ltmp3:
0xae: {  	(pc) =	sbr.rel @p0 .LBB2_8-.Ltmp3, $4  }
0xaf: {  	v6 =	vsub.f32 $0.0e+00, v2;
	[tilespmem:s20+$0x10B00] =	vst v2;
	v2 =	vmul.f32 v2, v2  }
0xb0: {  	[tilespmem:s20+$0x10300] =	vst v5  }
0xb1: {  	s2 =	sshra.s32 s3, $0x2;
	v3 =	vmul.f32 v3, v6;
	[tilespmem:s20+$0x11300] =	vst v2  }
0xb2: {  	s3 =	sadd.s32 $0x40, s3;
	v2 =	vld [tilespmem:s2+$0xEB00];
	v4 =	vmul.f32 v4, v6  }
0xb3: {  	v5 =	vld [tilespmem:s2+$0xE300];
	[tilespmem:s20+$0xF300] =	vst v3  }
0xb4: {  	v3 =	vld [tilespmem:s2+$0xF300];
	[tilespmem:s20+$0xFB00] =	vst v4  }
0xb5: {  	v4 =	vld [tilespmem:s2+$0xFB00];
	_ =	sdelay $0x1  }
0xb6: {  	v6 =	vsub.f32 $0.0e+00, v2  }
0xb7: {  	[tilespmem:s2+$0x10B00] =	vst v2;
	v2 =	vmul.f32 v2, v2  }
0xb8: {  	[tilespmem:s2+$0x10300] =	vst v5;
	v3 =	vmul.f32 v3, v6  }
0xb9: {  	[tilespmem:s2+$0x11300] =	vst v2;
	v2 =	vmul.f32 v4, v6  }
0xba: {  	[tilespmem:s2+$0xF300] =	vst v3  }
0xbb: {  	[tilespmem:s2+$0xFB00] =	vst v2  }
0xbc: {  	[spmem:s6] =	stream.indirect.scatter.add.f32 [tilespmem:s23], [sflag:$0x6], $0x1, s28, s30, $0xb8;
	[tilespmem:$0x11B00] =	vst v63  }
0xbd: {  	_ = 	snop  }
0xbe: {  	[spmem:s7] =	stream.indirect.scatter.add.f32 [tilespmem:s24], [sflag:$0x6], $0x1, s28, s30, $0xb8;
	[tilespmem:$0x11B00] =	vst v63  }
0xbf: {  	s3 =	simm.s32 $0x10B00  }
0xc0: {  	[spmem:s8] =	stream.indirect.scatter.add.f32 [tilespmem:s3], [sflag:$0x6], $0x1, s28, s30, $0xb8;
	[tilespmem:$0x11B00] =	vst v63  }
0xc1: {  	s4 =	simm.s32 $0x11300  }
0xc2: {  	[spmem:s10] =	stream.indirect.scatter.add.f32 [tilespmem:s4], [sflag:$0x6], $0x1, s28, s30, $0xb8;
	[tilespmem:$0x11B00] =	vst v63  }
0xc3: {  	_ = 	snop  }
0xc4: {  	[spmem:s11] =	stream.indirect.scatter.add.f32 [tilespmem:s16], [sflag:$0x6], $0x1, s28, s30, $0xb8;
	[tilespmem:$0x11B00] =	vst v63  }
0xc5: {  	s5 =	rddreg [dreg:$0x1a];
	s20 =	simm.s32 $0x0  }
0xc6: {  	[tilespmem:s19], [sflag:$0x2] =	stream.linear.gather [hbm4b:s5+s20], $0x7D0, $0x38;
	[tilespmem:$0x11B00] =	vst v63  }
0xc7: {  	s21 =	rddreg [dreg:$0x1b];
	s3 =	simm.s32 $0xE300  }
0xc8: {  	[tilespmem:s3], [sflag:$0x2] =	stream.linear.gather [hbm4b:s21+s20], $0x7D0, $0x38;
	[tilespmem:$0x11B00] =	vst v63  }
0xc9: {  	s4 =	simm.s32 $0xEB00;
	s3 =	rddreg [dreg:$0x1c]  }
0xca: {  	[tilespmem:s4], [sflag:$0x2] =	stream.linear.gather [hbm4b:s3+s20], $0x7D0, $0x38;
	[tilespmem:$0x11B00] =	vst v63  }
0xcb: {  	_ =	swait.ge [sflag:s29], $0x7D0  }
0xcc: {  	[sflag:s29] =	ssyncset.done $0x0  }
0xcd: {  	[sflag:s29] =	ssyncadd.s32 $0xFFFFF830  }
0xce: {  	_ =	swait.ge [sflag:s29], $0x7D0  }
0xcf: {  	[sflag:s29] =	ssyncset.done $0x0  }
0xd0: {  	[sflag:s29] =	ssyncadd.s32 $0xFFFFF830  }
0xd1: {  	_ =	swait.ge [sflag:s29], $0x7D0  }
0xd2: {  	[sflag:s29] =	ssyncset.done $0x0  }
0xd3: {  	[sflag:s29] =	ssyncadd.s32 $0xFFFFF830  }
0xd4: {  	_ =	swait.ge [sflag:s14], $0x7D0  }
0xd5: {  	[sflag:s14] =	ssyncset.done $0x0  }
0xd6: {  	[sflag:s14] =	ssyncadd.s32 $0xFFFFF830  }
0xd7: {  	_ =	swait.ge [sflag:s14], $0x7D0  }
0xd8: {  	[sflag:s14] =	ssyncset.done $0x0  }
0xd9: {  	[sflag:s14] =	ssyncadd.s32 $0xFFFFF830  }
0xda: {  	_ =	swait.ge [sflag:s14], $0x7D0  }
0xdb: {  	[sflag:s14] =	ssyncset.done $0x0  }
0xdc: {  	[sflag:s14] =	ssyncadd.s32 $0xFFFFF830  }
0xdd: {  	_ =	swait.ge [sflag:s14], $0x7D0  }
0xde: {  	[sflag:s14] =	ssyncset.done $0x0  }
0xdf: {  	[sflag:s14] =	ssyncadd.s32 $0xFFFFF830  }
0xe0: {  	_ =	swait.ge [sflag:s14], $0x7D0  }
0xe1: {  	[sflag:s14] =	ssyncset.done $0x0  }
0xe2: {  	[sflag:s14] =	ssyncadd.s32 $0xFFFFF830  }
0xe3: {  	s5 =	rddreg [dreg:$0x0]  }
0xe4: {  	[tilespmem:s9], [sflag:$0x3] =	stream.indirect.gather [hbm4b:s5+s30], $0x1, s25, s30, $0xb8;
	[tilespmem:$0x11B00] =	vst v63  }
0xe5: {  	s21 =	rddreg [dreg:$0x1]  }
0xe6: {  	[tilespmem:s18], [sflag:$0x3] =	stream.indirect.gather [hbm4b:s21+s30], $0x1, s25, s30, $0xb8;
	[tilespmem:$0x11B00] =	vst v63  }
.LBB2_10:
0xe7: {  	_ =	swait.ge [sflag:s22], $0x7D0  }
0xe8: {  	[sflag:s22] =	ssyncset.done $0x0  }
0xe9: {  	[sflag:s22] =	ssyncadd.s32 $0xFFFFF830  }
0xea: {  	_ =	swait.ge [sflag:s22], $0x7D0  }
0xeb: {  	[sflag:s22] =	ssyncset.done $0x0  }
0xec: {  	s21 =	simm.s32 $0x0;
	[sflag:s22] =	ssyncadd.s32 $0xFFFFF830  }
0xed: {  	v2 =	vld [tilespmem:s21+$0xAB00]  }
0xee: {  	v3 =	vld [tilespmem:s21+$0xA300]  }
0xef: {  	v4 =	vld [tilespmem:s21+$0xB300]  }
0xf0: {  	v5 =	vld [tilespmem:s21+$0xBB00];
	_ =	sdelay $0x1  }
0xf1: {  	[tilespmem:s21+$0xCB00] =	vst v2;
	v6 =	vmul.f32 v2, v2;
	v7 =	vsub.f32 $0.0e+00, v2  }
0xf2: {  	[tilespmem:s21+$0xC300] =	vst v3  }
0xf3: {  	s2 =	simm.s32 $0x10;
	[tilespmem:s21+$0xD300] =	vst v6;
	v3 =	vmul.f32 v4, v7  }
0xf4: {  	s3 =	simm.s32 $0x80;
	v4 =	vmul.f32 v5, v7;
	v2 =	vld [tilespmem:s2+$0xAB00]  }
.LBB2_11:
0xf5: {  	p0 =	sne.s32 s3, $0x1F00;
	v5 =	vld [tilespmem:s2+$0xA300];
	[tilespmem:s21+$0xB300] =	vst v3  }
0xf6: {  	v3 =	vld [tilespmem:s2+$0xB300];
	[tilespmem:s21+$0xBB00] =	vst v4;
	s21 =	smov.u32 s2  }
0xf7: {  	v4 =	vld [tilespmem:s21+$0xBB00]  }
.Ltmp4:
0xf8: {  	(pc) =	sbr.rel @p0 .LBB2_11-.Ltmp4, $4  }
0xf9: {  	v6 =	vsub.f32 $0.0e+00, v2;
	[tilespmem:s21+$0xCB00] =	vst v2;
	v2 =	vmul.f32 v2, v2  }
0xfa: {  	[tilespmem:s21+$0xC300] =	vst v5  }
0xfb: {  	s2 =	sshra.s32 s3, $0x2;
	v3 =	vmul.f32 v3, v6;
	[tilespmem:s21+$0xD300] =	vst v2  }
0xfc: {  	s3 =	sadd.s32 $0x40, s3;
	v2 =	vld [tilespmem:s2+$0xAB00];
	v4 =	vmul.f32 v4, v6  }
0xfd: {  	v5 =	vld [tilespmem:s2+$0xA300];
	[tilespmem:s21+$0xB300] =	vst v3  }
0xfe: {  	v3 =	vld [tilespmem:s2+$0xB300];
	[tilespmem:s21+$0xBB00] =	vst v4  }
0xff: {  	v4 =	vld [tilespmem:s2+$0xBB00];
	_ =	sdelay $0x1  }
0x100: {  	v6 =	vsub.f32 $0.0e+00, v2  }
0x101: {  	[tilespmem:s2+$0xCB00] =	vst v2;
	v2 =	vmul.f32 v2, v2  }
0x102: {  	[tilespmem:s2+$0xC300] =	vst v5;
	v3 =	vmul.f32 v3, v6  }
0x103: {  	[tilespmem:s2+$0xD300] =	vst v2;
	v2 =	vmul.f32 v4, v6  }
0x104: {  	[tilespmem:s2+$0xB300] =	vst v3  }
0x105: {  	[tilespmem:s2+$0xBB00] =	vst v2  }
0x106: {  	[spmem:s6] =	stream.indirect.scatter.add.f32 [tilespmem:s9], [sflag:$0x5], $0x1, s13, s30, $0xb8;
	[tilespmem:$0x11B00] =	vst v63  }
0x107: {  	_ = 	snop  }
0x108: {  	[spmem:s7] =	stream.indirect.scatter.add.f32 [tilespmem:s18], [sflag:$0x5], $0x1, s13, s30, $0xb8;
	[tilespmem:$0x11B00] =	vst v63  }
0x109: {  	s21 =	simm.s32 $0xCB00  }
0x10a: {  	[spmem:s8] =	stream.indirect.scatter.add.f32 [tilespmem:s21], [sflag:$0x5], $0x1, s13, s30, $0xb8;
	[tilespmem:$0x11B00] =	vst v63  }
0x10b: {  	s3 =	simm.s32 $0xD300;
	s4 =	rddreg [dreg:$0x1d];
	s21 =	smul.u32 $0xFA0, s20  }
0x10c: {  	[spmem:s10] =	stream.indirect.scatter.add.f32 [tilespmem:s3], [sflag:$0x5], $0x1, s13, s30, $0xb8;
	[tilespmem:$0x11B00] =	vst v63  }
0x10d: {  	s2 =	sadd.s32 s21, s4  }
0x10e: {  	s2 =	sshrl.u32 s2, $0x3  }
0x10f: {  	[spmem:s11] =	stream.indirect.scatter.add.f32 [tilespmem:s16], [sflag:$0x5], $0x1, s13, s30, $0xb8;
	[tilespmem:$0x11B00] =	vst v63  }
0x110: {  	s4 =	simm.s32 $0x0;
	s3 =	sadd.s32 s0, s2  }
0x111: {  	[tilespmem:s25], [sflag:$0x1] =	stream.linear.gather [hbm4b:s3+s4], $0x7D0, $0x38;
	[tilespmem:$0x11B00] =	vst v63  }
0x112: {  	s5 =	simm.s32 $0xA300;
	s3 =	sadd.s32 s1, s2  }
0x113: {  	[tilespmem:s5], [sflag:$0x1] =	stream.linear.gather [hbm4b:s3+s4], $0x7D0, $0x38;
	[tilespmem:$0x11B00] =	vst v63  }
0x114: {  	s2 =	sadd.s32 s31, s2;
	s5 =	simm.s32 $0xAB00  }
0x115: {  	[tilespmem:s5], [sflag:$0x1] =	stream.linear.gather [hbm4b:s2+s4], $0x7D0, $0x38;
	[tilespmem:$0x11B00] =	vst v63  }
0x116: {  	_ =	swait.ge [sflag:s17], $0x7D0  }
0x117: {  	[sflag:s17] =	ssyncset.done $0x0  }
0x118: {  	[sflag:s17] =	ssyncadd.s32 $0xFFFFF830  }
0x119: {  	_ =	swait.ge [sflag:s17], $0x7D0  }
0x11a: {  	[sflag:s17] =	ssyncset.done $0x0  }
0x11b: {  	[sflag:s17] =	ssyncadd.s32 $0xFFFFF830  }
0x11c: {  	_ =	swait.ge [sflag:s17], $0x7D0  }
0x11d: {  	[sflag:s17] =	ssyncset.done $0x0  }
0x11e: {  	[sflag:s17] =	ssyncadd.s32 $0xFFFFF830  }
0x11f: {  	_ =	swait.ge [sflag:s15], $0x7D0  }
0x120: {  	[sflag:s15] =	ssyncset.done $0x0  }
0x121: {  	[sflag:s15] =	ssyncadd.s32 $0xFFFFF830  }
0x122: {  	_ =	swait.ge [sflag:s15], $0x7D0  }
0x123: {  	[sflag:s15] =	ssyncset.done $0x0  }
0x124: {  	[sflag:s15] =	ssyncadd.s32 $0xFFFFF830  }
0x125: {  	_ =	swait.ge [sflag:s15], $0x7D0  }
0x126: {  	[sflag:s15] =	ssyncset.done $0x0  }
0x127: {  	[sflag:s15] =	ssyncadd.s32 $0xFFFFF830  }
0x128: {  	_ =	swait.ge [sflag:s15], $0x7D0  }
0x129: {  	[sflag:s15] =	ssyncset.done $0x0  }
0x12a: {  	[sflag:s15] =	ssyncadd.s32 $0xFFFFF830  }
0x12b: {  	_ =	swait.ge [sflag:s15], $0x7D0  }
0x12c: {  	[sflag:s15] =	ssyncset.done $0x0  }
0x12d: {  	[sflag:s15] =	ssyncadd.s32 $0xFFFFF830  }
0x12e: {  	s4 =	rddreg [dreg:$0x0]  }
0x12f: {  	[tilespmem:s23], [sflag:$0x4] =	stream.indirect.gather [hbm4b:s4+s30], $0x1, s19, s30, $0xb8;
	[tilespmem:$0x11B00] =	vst v63  }
0x130: {  	s5 =	rddreg [dreg:$0x1]  }
0x131: {  	[tilespmem:s24], [sflag:$0x4] =	stream.indirect.gather [hbm4b:s5+s30], $0x1, s19, s30, $0xb8;
	[tilespmem:$0x11B00] =	vst v63  }
0x132: {  	_ =	swait.ge [sflag:s26], $0x7D0  }
0x133: {  	[sflag:s26] =	ssyncset.done $0x0  }
0x134: {  	[sflag:s26] =	ssyncadd.s32 $0xFFFFF830  }
0x135: {  	_ =	swait.ge [sflag:s26], $0x7D0  }
0x136: {  	[sflag:s26] =	ssyncset.done $0x0  }
0x137: {  	s2 =	simm.s32 $0x0;
	[sflag:s26] =	ssyncadd.s32 $0xFFFFF830  }
0x138: {  	v2 =	vld [tilespmem:s2+$0xEB00]  }
0x139: {  	v3 =	vld [tilespmem:s2+$0xE300]  }
0x13a: {  	v4 =	vld [tilespmem:s2+$0xF300]  }
0x13b: {  	v5 =	vld [tilespmem:s2+$0xFB00];
	_ =	sdelay $0x1  }
0x13c: {  	[tilespmem:s2+$0x10B00] =	vst v2;
	v6 =	vmul.f32 v2, v2;
	v7 =	vsub.f32 $0.0e+00, v2  }
0x13d: {  	[tilespmem:s2+$0x10300] =	vst v3  }
0x13e: {  	s3 =	simm.s32 $0x10;
	[tilespmem:s2+$0x11300] =	vst v6;
	v3 =	vmul.f32 v4, v7  }
0x13f: {  	s4 =	simm.s32 $0x80;
	v4 =	vmul.f32 v5, v7;
	v2 =	vld [tilespmem:s3+$0xEB00]  }
.LBB2_13:
0x140: {  	p0 =	sne.s32 s4, $0x1F00;
	v5 =	vld [tilespmem:s3+$0xE300];
	[tilespmem:s2+$0xF300] =	vst v3  }
0x141: {  	v3 =	vld [tilespmem:s3+$0xF300];
	[tilespmem:s2+$0xFB00] =	vst v4;
	s2 =	smov.u32 s3  }
0x142: {  	v4 =	vld [tilespmem:s2+$0xFB00]  }
.Ltmp5:
0x143: {  	(pc) =	sbr.rel @p0 .LBB2_13-.Ltmp5, $4  }
0x144: {  	v6 =	vsub.f32 $0.0e+00, v2;
	[tilespmem:s2+$0x10B00] =	vst v2;
	v2 =	vmul.f32 v2, v2  }
0x145: {  	[tilespmem:s2+$0x10300] =	vst v5  }
0x146: {  	s3 =	sshra.s32 s4, $0x2;
	v3 =	vmul.f32 v3, v6;
	[tilespmem:s2+$0x11300] =	vst v2  }
0x147: {  	s4 =	sadd.s32 $0x40, s4;
	v2 =	vld [tilespmem:s3+$0xEB00];
	v4 =	vmul.f32 v4, v6  }
0x148: {  	v5 =	vld [tilespmem:s3+$0xE300];
	[tilespmem:s2+$0xF300] =	vst v3  }
0x149: {  	v3 =	vld [tilespmem:s3+$0xF300];
	[tilespmem:s2+$0xFB00] =	vst v4  }
0x14a: {  	v4 =	vld [tilespmem:s3+$0xFB00];
	_ =	sdelay $0x1  }
0x14b: {  	v6 =	vsub.f32 $0.0e+00, v2  }
0x14c: {  	[tilespmem:s3+$0x10B00] =	vst v2;
	v2 =	vmul.f32 v2, v2  }
0x14d: {  	[tilespmem:s3+$0x10300] =	vst v5;
	v3 =	vmul.f32 v3, v6  }
0x14e: {  	[tilespmem:s3+$0x11300] =	vst v2;
	v2 =	vmul.f32 v4, v6  }
0x14f: {  	[tilespmem:s3+$0xF300] =	vst v3  }
0x150: {  	[tilespmem:s3+$0xFB00] =	vst v2  }
0x151: {  	[spmem:s6] =	stream.indirect.scatter.add.f32 [tilespmem:s23], [sflag:$0x6], $0x1, s28, s30, $0xb8;
	[tilespmem:$0x11B00] =	vst v63  }
0x152: {  	s4 =	sld [smem:$0x7F9]  }
0x153: {  	[spmem:s7] =	stream.indirect.scatter.add.f32 [tilespmem:s24], [sflag:$0x6], $0x1, s28, s30, $0xb8;
	[tilespmem:$0x11B00] =	vst v63  }
0x154: {  	s5 =	simm.s32 $0x10B00  }
0x155: {  	[spmem:s8] =	stream.indirect.scatter.add.f32 [tilespmem:s5], [sflag:$0x6], $0x1, s28, s30, $0xb8;
	[tilespmem:$0x11B00] =	vst v63  }
0x156: {  	s2 =	sadd.s32 s21, s4;
	s3 =	simm.s32 $0x11300  }
0x157: {  	[spmem:s10] =	stream.indirect.scatter.add.f32 [tilespmem:s3], [sflag:$0x6], $0x1, s28, s30, $0xb8;
	[tilespmem:$0x11B00] =	vst v63  }
0x158: {  	s2 =	sshrl.u32 s2, $0x3  }
0x159: {  	[spmem:s11] =	stream.indirect.scatter.add.f32 [tilespmem:s16], [sflag:$0x6], $0x1, s28, s30, $0xb8;
	[tilespmem:$0x11B00] =	vst v63  }
0x15a: {  	s5 =	sadd.s32 s0, s2  }
0x15b: {  	[tilespmem:s19], [sflag:$0x2] =	stream.linear.gather [hbm4b:s5+s12], $0x7D0, $0x38;
	[tilespmem:$0x11B00] =	vst v63  }
0x15c: {  	s4 =	simm.s32 $0xE300;
	s21 =	sadd.s32 s1, s2  }
0x15d: {  	[tilespmem:s4], [sflag:$0x2] =	stream.linear.gather [hbm4b:s21+s12], $0x7D0, $0x38;
	[tilespmem:$0x11B00] =	vst v63  }
0x15e: {  	s2 =	sadd.s32 s31, s2;
	s4 =	simm.s32 $0xEB00  }
0x15f: {  	[tilespmem:s4], [sflag:$0x2] =	stream.linear.gather [hbm4b:s2+s12], $0x7D0, $0x38;
	[tilespmem:$0x11B00] =	vst v63  }
0x160: {  	_ =	swait.ge [sflag:s29], $0x7D0  }
0x161: {  	[sflag:s29] =	ssyncset.done $0x0  }
0x162: {  	[sflag:s29] =	ssyncadd.s32 $0xFFFFF830  }
0x163: {  	_ =	swait.ge [sflag:s29], $0x7D0  }
0x164: {  	[sflag:s29] =	ssyncset.done $0x0  }
0x165: {  	[sflag:s29] =	ssyncadd.s32 $0xFFFFF830  }
0x166: {  	_ =	swait.ge [sflag:s29], $0x7D0  }
0x167: {  	[sflag:s29] =	ssyncset.done $0x0  }
0x168: {  	[sflag:s29] =	ssyncadd.s32 $0xFFFFF830  }
0x169: {  	_ =	swait.ge [sflag:s14], $0x7D0  }
0x16a: {  	[sflag:s14] =	ssyncset.done $0x0  }
0x16b: {  	[sflag:s14] =	ssyncadd.s32 $0xFFFFF830  }
0x16c: {  	_ =	swait.ge [sflag:s14], $0x7D0  }
0x16d: {  	[sflag:s14] =	ssyncset.done $0x0  }
0x16e: {  	[sflag:s14] =	ssyncadd.s32 $0xFFFFF830  }
0x16f: {  	_ =	swait.ge [sflag:s14], $0x7D0  }
0x170: {  	[sflag:s14] =	ssyncset.done $0x0  }
0x171: {  	[sflag:s14] =	ssyncadd.s32 $0xFFFFF830  }
0x172: {  	_ =	swait.ge [sflag:s14], $0x7D0  }
0x173: {  	[sflag:s14] =	ssyncset.done $0x0  }
0x174: {  	[sflag:s14] =	ssyncadd.s32 $0xFFFFF830  }
0x175: {  	s20 =	sadd.s32 $0x1, s20;
	_ =	swait.ge [sflag:s14], $0x7D0  }
0x176: {  	p0 =	sne.s32 s20, $0x17;
	[sflag:s14] =	ssyncset.done $0x0  }
.Ltmp6:
0x177: {  	[sflag:s14] =	ssyncadd.s32 $0xFFFFF830;
	(pc) =	sbr.rel @p0 .LBB2_10-.Ltmp6, $4  }
0x178: {  	s5 =	rddreg [dreg:$0x0]  }
0x179: {  	[tilespmem:s9], [sflag:$0x3] =	stream.indirect.gather [hbm4b:s5+s30], $0x1, s25, s30, $0xb8;
	[tilespmem:$0x11B00] =	vst v63  }
0x17a: {  	s21 =	rddreg [dreg:$0x1]  }
0x17b: {  	[tilespmem:s18], [sflag:$0x3] =	stream.indirect.gather [hbm4b:s21+s30], $0x1, s25, s30, $0xb8;
	[tilespmem:$0x11B00] =	vst v63  }
0x17c: {  	_ =	swait.ge [sflag:s22], $0x7D0  }
0x17d: {  	[sflag:s22] =	ssyncset.done $0x0  }
0x17e: {  	[sflag:s22] =	ssyncadd.s32 $0xFFFFF830  }
0x17f: {  	_ =	swait.ge [sflag:s22], $0x7D0  }
0x180: {  	[sflag:s22] =	ssyncset.done $0x0  }
0x181: {  	s2 =	simm.s32 $0x0;
	[sflag:s22] =	ssyncadd.s32 $0xFFFFF830  }
0x182: {  	v2 =	vld [tilespmem:s2+$0xAB00]  }
0x183: {  	v3 =	vld [tilespmem:s2+$0xA300]  }
0x184: {  	v4 =	vld [tilespmem:s2+$0xB300]  }
0x185: {  	v5 =	vld [tilespmem:s2+$0xBB00];
	_ =	sdelay $0x1  }
0x186: {  	[tilespmem:s2+$0xCB00] =	vst v2;
	v6 =	vmul.f32 v2, v2;
	v7 =	vsub.f32 $0.0e+00, v2  }
0x187: {  	[tilespmem:s2+$0xC300] =	vst v3  }
0x188: {  	s3 =	simm.s32 $0x10;
	[tilespmem:s2+$0xD300] =	vst v6;
	v3 =	vmul.f32 v4, v7  }
0x189: {  	s4 =	simm.s32 $0x80;
	v4 =	vmul.f32 v5, v7;
	v2 =	vld [tilespmem:s3+$0xAB00]  }
.LBB2_16:
0x18a: {  	p0 =	sne.s32 s4, $0x1F00;
	v5 =	vld [tilespmem:s3+$0xA300];
	[tilespmem:s2+$0xB300] =	vst v3  }
0x18b: {  	v3 =	vld [tilespmem:s3+$0xB300];
	[tilespmem:s2+$0xBB00] =	vst v4;
	s2 =	smov.u32 s3  }
0x18c: {  	v4 =	vld [tilespmem:s2+$0xBB00]  }
.Ltmp7:
0x18d: {  	(pc) =	sbr.rel @p0 .LBB2_16-.Ltmp7, $4  }
0x18e: {  	v6 =	vsub.f32 $0.0e+00, v2;
	[tilespmem:s2+$0xCB00] =	vst v2;
	v2 =	vmul.f32 v2, v2  }
0x18f: {  	[tilespmem:s2+$0xC300] =	vst v5  }
0x190: {  	s3 =	sshra.s32 s4, $0x2;
	v3 =	vmul.f32 v3, v6;
	[tilespmem:s2+$0xD300] =	vst v2  }
0x191: {  	s4 =	sadd.s32 $0x40, s4;
	v2 =	vld [tilespmem:s3+$0xAB00];
	v4 =	vmul.f32 v4, v6  }
0x192: {  	v5 =	vld [tilespmem:s3+$0xA300];
	[tilespmem:s2+$0xB300] =	vst v3  }
0x193: {  	v3 =	vld [tilespmem:s3+$0xB300];
	[tilespmem:s2+$0xBB00] =	vst v4  }
0x194: {  	v4 =	vld [tilespmem:s3+$0xBB00];
	_ =	sdelay $0x1  }
0x195: {  	v6 =	vsub.f32 $0.0e+00, v2  }
0x196: {  	[tilespmem:s3+$0xCB00] =	vst v2;
	v2 =	vmul.f32 v2, v2  }
0x197: {  	[tilespmem:s3+$0xC300] =	vst v5;
	v3 =	vmul.f32 v3, v6  }
0x198: {  	[tilespmem:s3+$0xD300] =	vst v2;
	v2 =	vmul.f32 v4, v6  }
0x199: {  	[tilespmem:s3+$0xB300] =	vst v3  }
0x19a: {  	[tilespmem:s3+$0xBB00] =	vst v2  }
0x19b: {  	[spmem:s6] =	stream.indirect.scatter.add.f32 [tilespmem:s9], [sflag:$0x5], $0x1, s13, s30, $0xb8;
	[tilespmem:$0x11B00] =	vst v63  }
0x19c: {  	_ = 	snop  }
0x19d: {  	[spmem:s7] =	stream.indirect.scatter.add.f32 [tilespmem:s18], [sflag:$0x5], $0x1, s13, s30, $0xb8;
	[tilespmem:$0x11B00] =	vst v63  }
0x19e: {  	s4 =	simm.s32 $0xCB00  }
0x19f: {  	[spmem:s8] =	stream.indirect.scatter.add.f32 [tilespmem:s4], [sflag:$0x5], $0x1, s13, s30, $0xb8;
	[tilespmem:$0x11B00] =	vst v63  }
0x1a0: {  	s5 =	simm.s32 $0xD300  }
0x1a1: {  	[spmem:s10] =	stream.indirect.scatter.add.f32 [tilespmem:s5], [sflag:$0x5], $0x1, s13, s30, $0xb8;
	[tilespmem:$0x11B00] =	vst v63  }
0x1a2: {  	_ = 	snop  }
0x1a3: {  	[spmem:s11] =	stream.indirect.scatter.add.f32 [tilespmem:s16], [sflag:$0x5], $0x1, s13, s30, $0xb8;
	[tilespmem:$0x11B00] =	vst v63  }
0x1a4: {  	_ =	swait.ge [sflag:s17], $0x7D0  }
0x1a5: {  	[sflag:s17] =	ssyncset.done $0x0  }
0x1a6: {  	[sflag:s17] =	ssyncadd.s32 $0xFFFFF830  }
0x1a7: {  	_ =	swait.ge [sflag:s17], $0x7D0  }
0x1a8: {  	[sflag:s17] =	ssyncset.done $0x0  }
0x1a9: {  	[sflag:s17] =	ssyncadd.s32 $0xFFFFF830  }
0x1aa: {  	_ =	swait.ge [sflag:s17], $0x7D0  }
0x1ab: {  	[sflag:s17] =	ssyncset.done $0x0  }
0x1ac: {  	[sflag:s17] =	ssyncadd.s32 $0xFFFFF830  }
0x1ad: {  	_ =	swait.ge [sflag:s15], $0x7D0  }
0x1ae: {  	[sflag:s15] =	ssyncset.done $0x0  }
0x1af: {  	[sflag:s15] =	ssyncadd.s32 $0xFFFFF830  }
0x1b0: {  	_ =	swait.ge [sflag:s15], $0x7D0  }
0x1b1: {  	[sflag:s15] =	ssyncset.done $0x0  }
0x1b2: {  	[sflag:s15] =	ssyncadd.s32 $0xFFFFF830  }
0x1b3: {  	_ =	swait.ge [sflag:s15], $0x7D0  }
0x1b4: {  	[sflag:s15] =	ssyncset.done $0x0  }
0x1b5: {  	[sflag:s15] =	ssyncadd.s32 $0xFFFFF830  }
0x1b6: {  	_ =	swait.ge [sflag:s15], $0x7D0  }
0x1b7: {  	[sflag:s15] =	ssyncset.done $0x0  }
0x1b8: {  	[sflag:s15] =	ssyncadd.s32 $0xFFFFF830  }
0x1b9: {  	_ =	swait.ge [sflag:s15], $0x7D0  }
0x1ba: {  	[sflag:s15] =	ssyncset.done $0x0  }
0x1bb: {  	[sflag:s15] =	ssyncadd.s32 $0xFFFFF830  }
0x1bc: {  	s20 =	rddreg [dreg:$0x0]  }
0x1bd: {  	[tilespmem:s23], [sflag:$0x4] =	stream.indirect.gather [hbm4b:s20+s30], $0x1, s19, s30, $0xb8;
	[tilespmem:$0x11B00] =	vst v63  }
0x1be: {  	s21 =	rddreg [dreg:$0x1]  }
0x1bf: {  	[tilespmem:s24], [sflag:$0x4] =	stream.indirect.gather [hbm4b:s21+s30], $0x1, s19, s30, $0xb8;
	[tilespmem:$0x11B00] =	vst v63  }
0x1c0: {  	_ =	swait.ge [sflag:s26], $0x7D0  }
0x1c1: {  	[sflag:s26] =	ssyncset.done $0x0  }
0x1c2: {  	[sflag:s26] =	ssyncadd.s32 $0xFFFFF830  }
0x1c3: {  	_ =	swait.ge [sflag:s26], $0x7D0  }
0x1c4: {  	[sflag:s26] =	ssyncset.done $0x0  }
0x1c5: {  	s2 =	simm.s32 $0x0;
	[sflag:s26] =	ssyncadd.s32 $0xFFFFF830  }
0x1c6: {  	v2 =	vld [tilespmem:s2+$0xEB00]  }
0x1c7: {  	v3 =	vld [tilespmem:s2+$0xE300]  }
0x1c8: {  	v4 =	vld [tilespmem:s2+$0xF300]  }
0x1c9: {  	v5 =	vld [tilespmem:s2+$0xFB00];
	_ =	sdelay $0x1  }
0x1ca: {  	[tilespmem:s2+$0x10B00] =	vst v2;
	v6 =	vmul.f32 v2, v2;
	v7 =	vsub.f32 $0.0e+00, v2  }
0x1cb: {  	[tilespmem:s2+$0x10300] =	vst v3  }
0x1cc: {  	s3 =	simm.s32 $0x10;
	[tilespmem:s2+$0x11300] =	vst v6;
	v3 =	vmul.f32 v4, v7  }
0x1cd: {  	s4 =	simm.s32 $0x80;
	s20 =	rddreg [dreg:$0xc];
	v4 =	vmul.f32 v5, v7;
	v2 =	vld [tilespmem:s3+$0xEB00]  }
.LBB2_18:
0x1ce: {  	p0 =	sne.s32 s4, $0x1F00;
	v5 =	vld [tilespmem:s3+$0xE300];
	[tilespmem:s2+$0xF300] =	vst v3  }
0x1cf: {  	v3 =	vld [tilespmem:s3+$0xF300];
	[tilespmem:s2+$0xFB00] =	vst v4;
	s2 =	smov.u32 s3  }
0x1d0: {  	v4 =	vld [tilespmem:s2+$0xFB00]  }
.Ltmp8:
0x1d1: {  	(pc) =	sbr.rel @p0 .LBB2_18-.Ltmp8, $4  }
0x1d2: {  	v6 =	vsub.f32 $0.0e+00, v2;
	[tilespmem:s2+$0x10B00] =	vst v2;
	v2 =	vmul.f32 v2, v2  }
0x1d3: {  	[tilespmem:s2+$0x10300] =	vst v5  }
0x1d4: {  	s3 =	sshra.s32 s4, $0x2;
	v3 =	vmul.f32 v3, v6;
	[tilespmem:s2+$0x11300] =	vst v2  }
0x1d5: {  	s4 =	sadd.s32 $0x40, s4;
	v2 =	vld [tilespmem:s3+$0xEB00];
	v4 =	vmul.f32 v4, v6  }
0x1d6: {  	v5 =	vld [tilespmem:s3+$0xE300];
	[tilespmem:s2+$0xF300] =	vst v3  }
0x1d7: {  	v3 =	vld [tilespmem:s3+$0xF300];
	[tilespmem:s2+$0xFB00] =	vst v4  }
0x1d8: {  	v4 =	vld [tilespmem:s3+$0xFB00];
	_ =	sdelay $0x1  }
0x1d9: {  	v6 =	vsub.f32 $0.0e+00, v2  }
0x1da: {  	[tilespmem:s3+$0x10B00] =	vst v2;
	v2 =	vmul.f32 v2, v2  }
0x1db: {  	[tilespmem:s3+$0x10300] =	vst v5;
	v3 =	vmul.f32 v3, v6  }
0x1dc: {  	[tilespmem:s3+$0x11300] =	vst v2;
	v2 =	vmul.f32 v4, v6  }
0x1dd: {  	[tilespmem:s3+$0xF300] =	vst v3  }
0x1de: {  	[tilespmem:s3+$0xFB00] =	vst v2  }
0x1df: {  	[spmem:s6] =	stream.indirect.scatter.add.f32 [tilespmem:s23], [sflag:$0x6], $0x1, s28, s30, $0xb8;
	[tilespmem:$0x11B00] =	vst v63  }
0x1e0: {  	_ = 	snop  }
0x1e1: {  	[spmem:s7] =	stream.indirect.scatter.add.f32 [tilespmem:s24], [sflag:$0x6], $0x1, s28, s30, $0xb8;
	[tilespmem:$0x11B00] =	vst v63  }
0x1e2: {  	s3 =	simm.s32 $0x10B00  }
0x1e3: {  	[spmem:s8] =	stream.indirect.scatter.add.f32 [tilespmem:s3], [sflag:$0x6], $0x1, s28, s30, $0xb8;
	[tilespmem:$0x11B00] =	vst v63  }
0x1e4: {  	s4 =	simm.s32 $0x11300  }
0x1e5: {  	[spmem:s10] =	stream.indirect.scatter.add.f32 [tilespmem:s4], [sflag:$0x6], $0x1, s28, s30, $0xb8;
	[tilespmem:$0x11B00] =	vst v63  }
0x1e6: {  	_ = 	snop  }
0x1e7: {  	[spmem:s11] =	stream.indirect.scatter.add.f32 [tilespmem:s16], [sflag:$0x6], $0x1, s28, s30, $0xb8;
	[tilespmem:$0x11B00] =	vst v63  }
0x1e8: {  	_ =	swait.ge [sflag:s14], $0x7D0  }
0x1e9: {  	[sflag:s14] =	ssyncset.done $0x0  }
0x1ea: {  	[sflag:s14] =	ssyncadd.s32 $0xFFFFF830  }
0x1eb: {  	_ =	swait.ge [sflag:s14], $0x7D0  }
0x1ec: {  	[sflag:s14] =	ssyncset.done $0x0  }
0x1ed: {  	[sflag:s14] =	ssyncadd.s32 $0xFFFFF830  }
0x1ee: {  	_ =	swait.ge [sflag:s14], $0x7D0  }
0x1ef: {  	[sflag:s14] =	ssyncset.done $0x0  }
0x1f0: {  	[sflag:s14] =	ssyncadd.s32 $0xFFFFF830  }
0x1f1: {  	_ =	swait.ge [sflag:s14], $0x7D0  }
0x1f2: {  	[sflag:s14] =	ssyncset.done $0x0  }
0x1f3: {  	[sflag:s14] =	ssyncadd.s32 $0xFFFFF830  }
0x1f4: {  	_ =	swait.ge [sflag:s14], $0x7D0  }
0x1f5: {  	[sflag:s14] =	ssyncset.done $0x0  }
0x1f6: {  	[sflag:s14] =	ssyncadd.s32 $0xFFFFF830  }
0x1f7: {  	_ =	swait.ge [sflag:s15], $0x7D0  }
0x1f8: {  	[sflag:s15] =	ssyncset.done $0x0  }
0x1f9: {  	[sflag:s15] =	ssyncadd.s32 $0xFFFFF830  }
0x1fa: {  	_ =	swait.ge [sflag:s15], $0x7D0  }
0x1fb: {  	[sflag:s15] =	ssyncset.done $0x0  }
0x1fc: {  	[sflag:s15] =	ssyncadd.s32 $0xFFFFF830  }
0x1fd: {  	_ =	swait.ge [sflag:s15], $0x7D0  }
0x1fe: {  	[sflag:s15] =	ssyncset.done $0x0  }
0x1ff: {  	[sflag:s15] =	ssyncadd.s32 $0xFFFFF830  }
0x200: {  	_ =	swait.ge [sflag:s15], $0x7D0  }
0x201: {  	[sflag:s15] =	ssyncset.done $0x0  }
0x202: {  	[sflag:s15] =	ssyncadd.s32 $0xFFFFF830  }
0x203: {  	_ =	swait.ge [sflag:s15], $0x7D0  }
0x204: {  	[sflag:s15] =	ssyncset.done $0x0  }
0x205: {  	s5 =	stileid.u32;
	s21 =	sshrl.u32 s20, $0x3;
	[sflag:s15] =	ssyncadd.s32 $0xFFFFF830  }
0x206: {  	s20 =	simm.s32 $0x10;
	s2 =	sshll.u32 s5, $0x6;
	[bflag:$0x0] =	sbarrier.arrive $0xFFFF  }
0x207: {  	s5 =	simm.s32 $0x20;
	s2 =	sor.u32 $0x1C07, s2;
	s4 =	rddreg [dreg:$0x1e]  }
0x208: {  	[hbm:s4@s5], [sflag:s2] =	dma.strided [spmem:s21@s20], $0x310, s29, $0x10   }
0x209: {  	s21 =	simm.s32 $0x7  }
0x20a: {  	_ =	swait.ge [sflag:s21], $0x310  }
0x20b: {  	[sflag:s21] =	ssyncset.done $0x0;
	s4 =	rddreg [dreg:$0xd]  }
0x20c: {  	[sflag:s21] =	ssyncadd.s32 $0xFFFFFCF0;
	s3 =	sshrl.u32 s4, $0x3;
	s4 =	rddreg [dreg:$0x1f]  }
0x20d: {  	[hbm:s4@s5], [sflag:s2] =	dma.strided [spmem:s3@s20], $0x310, s29, $0x10   }
0x20e: {  	_ =	swait.ge [sflag:s21], $0x310  }
0x20f: {  	s4 =	rddreg [dreg:$0xe]  }
0x210: {  	s3 =	sshrl.u32 s4, $0x3;
	s4 =	sld [smem:$0x7FA]  }
0x211: {  	[sflag:s21] =	ssyncset.done $0x0  }
0x212: {  	[sflag:s21] =	ssyncadd.s32 $0xFFFFFCF0  }
0x213: {  	[hbm:s4@s5], [sflag:s2] =	dma.strided [spmem:s3@s20], $0x310, s29, $0x10   }
0x214: {  	_ =	swait.ge [sflag:s21], $0x310  }
0x215: {  	s4 =	rddreg [dreg:$0xf]  }
0x216: {  	s3 =	sshrl.u32 s4, $0x3;
	s4 =	sld [smem:$0x7FB]  }
0x217: {  	[sflag:s21] =	ssyncset.done $0x0  }
0x218: {  	[sflag:s21] =	ssyncadd.s32 $0xFFFFFCF0  }
0x219: {  	[hbm:s4@s5], [sflag:s2] =	dma.strided [spmem:s3@s20], $0x310, s29, $0x10   }
0x21a: {  	_ =	swait.ge [sflag:s21], $0x310  }
0x21b: {  	s4 =	rddreg [dreg:$0x10]  }
0x21c: {  	s3 =	sshrl.u32 s4, $0x3;
	s4 =	sld [smem:$0x7FC]  }
0x21d: {  	[sflag:s21] =	ssyncset.done $0x0  }
0x21e: {  	[sflag:s21] =	ssyncadd.s32 $0xFFFFFCF0  }
0x21f: {  	[hbm:s4@s5], [sflag:s2] =	dma.strided [spmem:s3@s20], $0x310, s29, $0x10   }
0x220: {  	_ =	swait.ge [sflag:s21], $0x310  }
0x221: {  	s5 =	sld [smem:$0x7F8]  }
0x222: {  	s20 =	sld [smem:$0x7FD];
	_ =	sdelay $0x1  }
0x223: {  	s3 =	sadd.s32 $0x1, s5  }
0x224: {  	p0 =	sne.s32 s3, s20  }
.Ltmp9:
0x225: {  	_ = 	snop;
	(pc) =	sbr.rel @p0 .LBB2_1-.Ltmp9, $3  }
0x226: {  	_ =	sdelay $0x1  }
0x227: {  	[sflag:s21] =	ssyncset.done $0x0  }
0x228: {  	[sflag:s21] =	ssyncadd.s32 $0xFFFFFCF0  }
0x229: {  	_ =	sfence.sel $0x180000  }
0x22a: {  	[bflag:$0x0] =	sbarrier.arrive $0xFFFF  }
0x22b: {  	_ =	strace $0x90000047  }
0x22c: {  	s0 =	stileid.u32;
	[bflag:$0x2] =	sbarrier.arrive $0xFFFF  }
0x22d: {  	p0 =	sne.s32 s0, $0x0;
	s0 =	rddreg [dreg:$0xb]  }
0x22e: {  	s0 =	sadd.s32 @!p0 $0x100000, s0  }
0x22f: {  	[sflag:s0] =	ssyncadd.tile.s32 @!p0 $0x1;
	_ =	shalt  }
.Lfunc_end2:
_tile_overlayer_lowered:
.L_overlay_start_2:
0x230: {  	(tag) =	ssettag $0x2  }
0x231: {  	s0 =	rddreg [dreg:$0x0];
	s2 =	stileid.u32  }
0x232: {  	s1 =	rddreg [dreg:$0x1];
	p0 =	sne.s32 s2, $0x0  }
0x233: {  	s3 =	rddreg [dreg:$0x2];
	[bflag:$0x3] =	sbarrier.arrive $0xFFFF;
	s2 =	simm.s32 @!p0 $0x1C07  }
0x234: {  	[timem:s3], [sflag:s2] =	dma.local @!p0 [hbm:s0], s1  }
0x235: {  	s0 =	simm.s32 @!p0 $0x7  }
0x236: {  	_ =	swait.ge @!p0 [sflag:s0], s1  }
0x237: {  	s1 =	ssub.s32 @!p0 $0x0, s1;
	[sflag:s0] =	ssyncset.done @!p0 $0x0  }
0x238: {  	[sflag:s0] =	ssyncadd.s32 @!p0 s1  }
0x239: {  	[bflag:$0x3] =	sbarrier.arrive $0xFFFF  }
0x23a: {  	_ =	shalt  }

</sc_bundles>
